<compile_context>
chip_gen: v7x
topology: tpu7x:2x2x1
jax: 0.10.2.dev20260603
libtpu: 0.0.44.dev20260713+nightly
codegen_flags: <defaults>
</compile_context>

<pallas_src>
import functools

import jax
import jax.numpy as jnp
from jax import lax
from jax.experimental import pallas as pl
from jax.experimental.pallas import tpu as pltpu
from jax.experimental.pallas import tpu_sc as plsc

CH = 128
CW = 16


def _sc_gather(x, tgt):
    N, F = x.shape
    E = tgt.shape[0]
    info = plsc.get_sparse_core_info()
    NC, NS = info.num_cores, info.num_subcores
    NW = NC * NS
    assert E % CH == 0
    n_chunks = E // CH
    trips = (n_chunks + NW - 1) // NW

    mesh = plsc.VectorSubcoreMesh(core_axis_name="c", subcore_axis_name="s")

    @functools.partial(
        pl.kernel,
        out_type=jax.ShapeDtypeStruct((E, F), jnp.float32),
        mesh=mesh,
        scratch_types=[
            pltpu.VMEM((CH,), jnp.int32),
            pltpu.VMEM((CH, F), jnp.float32),
            pltpu.SemaphoreType.DMA,
        ],
    )
    def gather_k(x_hbm, tgt_hbm, out_hbm, idx_v, rows_v, sem):
        cid = lax.axis_index("c")
        sid = lax.axis_index("s")
        wid = sid * NC + cid

        def body(j, carry):
            chunk = wid + NW * j

            @pl.when(chunk < n_chunks)
            def _():
                base = chunk * CH
                pltpu.sync_copy(tgt_hbm.at[pl.ds(base, CH)], idx_v)
                pltpu.async_copy(x_hbm.at[idx_v], rows_v, sem).wait()
                pltpu.sync_copy(rows_v, out_hbm.at[pl.ds(base, CH)])

            return carry

        lax.fori_loop(0, trips, body, 0)

    return gather_k(x, tgt)


def _sc_scatter(msg, src, num_nodes):
    E, F = msg.shape
    info = plsc.get_sparse_core_info()
    NC, NS = info.num_cores, info.num_subcores
    NW = NC * NS
    NP = -(-num_nodes // (NW * 8)) * (NW * 8)
    RPT = NP // NW
    SBLK = 6400
    n_full = E // SBLK
    tail = E - n_full * SBLK
    assert tail % CH == 0 and n_full % 2 == 0

    mesh = plsc.VectorSubcoreMesh(core_axis_name="c", subcore_axis_name="s")

    @functools.partial(
        pl.kernel,
        out_type=(
            jax.ShapeDtypeStruct((NP * F,), jnp.float32),
            jax.ShapeDtypeStruct((NP * CW,), jnp.float32),
        ),
        mesh=mesh,
        scratch_types=[
            pltpu.VMEM((SBLK,), jnp.int32),
            pltpu.VMEM((SBLK,), jnp.int32),
            pltpu.VMEM((CH, F), jnp.float32),
            pltpu.VMEM((2 * CH,), jnp.int32),
            pltpu.VMEM((CH,), jnp.int32),
            pltpu.VMEM((RPT * F,), jnp.float32),
            pltpu.VMEM((RPT * CW,), jnp.float32),
            pltpu.SemaphoreType.DMA,
            pltpu.SemaphoreType.DMA,
            pltpu.SemaphoreType.DMA,
        ],
        compiler_params=pltpu.CompilerParams(needs_layout_passes=False),
    )
    def scatter_k(msg_hbm, src_hbm, agg_hbm, cnt_hbm,
                  idx_a, idx_b, rows_v, wl, gbuf, acc, accc,
                  sem, sa, sb):
        cid = lax.axis_index("c")
        sid = lax.axis_index("s")
        wid = sid * NC + cid
        lo = wid * RPT

        zero16 = jnp.zeros((16,), jnp.float32)
        one16 = jnp.ones((16,), jnp.float32)
        iota16 = lax.iota(jnp.int32, 16)
        zero16i = jnp.zeros((16,), jnp.int32)
        lane0 = iota16 == 0
        EMASK = (1 << 19) - 1

        def zfill(r, carry):
            acc[pl.ds(r * 16, 16)] = zero16
            return carry

        lax.fori_loop(0, RPT * F // 16, zfill, 0)

        def zfillc(r, carry):
            accc[pl.ds(r * 16, 16)] = zero16
            return carry

        lax.fori_loop(0, RPT * CW // 16, zfillc, 0)
        for k in range(2 * CH // 16):
            wl[pl.ds(k * 16, 16)] = zero16i

        def drain(n_drain, nwl):
            for k in range(CH // 16):
                gbuf[pl.ds(k * 16, 16)] = wl[pl.ds(k * 16, 16)] & EMASK
            pltpu.async_copy(msg_hbm.at[gbuf], rows_v, sem).wait()

            def acc_edge(e, carry):
                packed = plsc.load_gather(wl, [jnp.full((16,), 0, jnp.int32) + e])
                r = packed >> 19
                base = r * F + iota16
                for k in range(F // 16):
                    v = rows_v[e, pl.ds(k * 16, 16)]
                    plsc.addupdate_scatter(acc, [base + (k * 16)], v)
                plsc.addupdate_scatter(accc, [r * CW + iota16], one16,
                                       mask=lane0)
                return carry

            lax.fori_loop(0, n_drain, acc_edge, 0)
            for k in range(CH // 16):
                wl[pl.ds(k * 16, 16)] = wl[pl.ds(CH + k * 16, 16)]
            return nwl - n_drain

        def scan_subchunk(idx_v, base, s, nwl):
            for g in range(CH // 16):
                off = s * CH + g * 16
                v = idx_v[pl.ds(off, 16)]
                local = v - lo
                msk = (local >= 0) & (local < RPT)
                packed = (local << 19) | (base + off + iota16)
                plsc.store_compressed(wl.at[pl.ds(nwl, 16)], packed, mask=msk)
                nwl = nwl + jnp.sum(jnp.where(msk, 1, 0))
            return lax.cond(nwl >= CH, lambda n: drain(CH, n), lambda n: n, nwl)

        def scan_buf(idx_v, b, nwl):
            def sub(s, nwl):
                return scan_subchunk(idx_v, b * SBLK, s, nwl)

            return lax.fori_loop(0, SBLK // CH, sub, nwl)

        cp_a = pltpu.async_copy(src_hbm.at[pl.ds(0, SBLK)], idx_a, sa)
        cp_b = pltpu.async_copy(src_hbm.at[pl.ds(SBLK, SBLK)], idx_b, sb)

        def scan_pair(j, nwl):
            b0 = 2 * j
            pltpu.make_async_copy(src_hbm.at[pl.ds(0, SBLK)], idx_a, sa).wait()
            nwl = scan_buf(idx_a, b0, nwl)

            @pl.when(b0 + 2 < n_full)
            def _():
                pltpu.async_copy(
                    src_hbm.at[pl.ds((b0 + 2) * SBLK, SBLK)], idx_a, sa)

            pltpu.make_async_copy(src_hbm.at[pl.ds(0, SBLK)], idx_b, sb).wait()
            nwl = scan_buf(idx_b, b0 + 1, nwl)

            @pl.when(b0 + 3 < n_full)
            def _():
                pltpu.async_copy(
                    src_hbm.at[pl.ds((b0 + 3) * SBLK, SBLK)], idx_b, sb)

            return nwl

        nwl = lax.fori_loop(0, n_full // 2, scan_pair, 0)
        if tail:
            base = n_full * SBLK
            pltpu.sync_copy(src_hbm.at[pl.ds(base, tail)], idx_a.at[pl.ds(0, tail)])

            def sub_t(s, nwl):
                return scan_subchunk(idx_a, base, s, nwl)

            nwl = lax.fori_loop(0, tail // CH, sub_t, nwl)
        drain(nwl, nwl)

        pltpu.sync_copy(acc, agg_hbm.at[pl.ds(lo * F, RPT * F)])
        pltpu.sync_copy(accc, cnt_hbm.at[pl.ds(lo * CW, RPT * CW)])

    agg_f, cnt_f = scatter_k(msg, src)
    return agg_f.reshape(NP, F), cnt_f.reshape(NP, CW)


def _tc_msg_mlp(xg, ea, W1a, W1b, b1m, W2m, b2m):
    E, F = xg.shape
    H = W1a.shape[1]
    BE = 1600
    assert E % BE == 0

    def kern(xg_ref, ea_ref, w1a_ref, w1b_ref, b1_ref, w2_ref, b2_ref, out_ref):
        h = (jnp.dot(xg_ref[...], w1a_ref[...], preferred_element_type=jnp.float32)
             + jnp.dot(ea_ref[...], w1b_ref[...], preferred_element_type=jnp.float32)
             + b1_ref[...])
        h = jnp.maximum(h, 0.0)
        out_ref[...] = (jnp.dot(h, w2_ref[...], preferred_element_type=jnp.float32)
                        + b2_ref[...])

    return pl.pallas_call(
        kern,
        grid=(E // BE,),
        in_specs=[
            pl.BlockSpec((BE, F), lambda i: (i, 0)),
            pl.BlockSpec((BE, F), lambda i: (i, 0)),
            pl.BlockSpec((F, H), lambda i: (0, 0)),
            pl.BlockSpec((F, H), lambda i: (0, 0)),
            pl.BlockSpec((1, H), lambda i: (0, 0)),
            pl.BlockSpec((H, F), lambda i: (0, 0)),
            pl.BlockSpec((1, F), lambda i: (0, 0)),
        ],
        out_specs=pl.BlockSpec((BE, F), lambda i: (i, 0)),
        out_shape=jax.ShapeDtypeStruct((E, F), jnp.float32),
    )(xg, ea, W1a, W1b, b1m, W2m, b2m)


def _tc_update(x, agg_p, cnt_p, W1x, W1a, b1u, W2u, b2u, gamma, beta):
    N, F = x.shape

    def kern(x_ref, a_ref, c_ref, w1x_ref, w1a_ref, b1_ref, w2_ref, b2_ref,
             g_ref, be_ref, out_ref):
        cnt = jnp.maximum(c_ref[:N, :1], 1.0)
        agg = a_ref[:N] / cnt
        h = (jnp.dot(x_ref[...], w1x_ref[...], preferred_element_type=jnp.float32)
             + jnp.dot(agg, w1a_ref[...], preferred_element_type=jnp.float32)
             + b1_ref[...])
        h = jnp.maximum(h, 0.0)
        h = (jnp.dot(h, w2_ref[...], preferred_element_type=jnp.float32)
             + b2_ref[...])
        mu = jnp.mean(h, axis=0, keepdims=True)
        d = h - mu
        var = jnp.mean(d * d, axis=0, keepdims=True)
        out_ref[...] = d * lax.rsqrt(var + 1e-5) * g_ref[...] + be_ref[...]

    return pl.pallas_call(
        kern,
        out_shape=jax.ShapeDtypeStruct((N, F), jnp.float32),
    )(x, agg_p, cnt_p, W1x, W1a, b1u, W2u, b2u, gamma, beta)


def kernel(x, edge_index, edge_attr, W1m, b1m, W2m, b2m, W1u, b1u, W2u, b2u,
           gamma, beta):
    N, F = x.shape
    src = edge_index[0]
    tgt = edge_index[1]

    xg = _sc_gather(x, tgt)
    msg = _tc_msg_mlp(xg, edge_attr, W1m[:F], W1m[F:], b1m.reshape(1, -1),
                      W2m, b2m.reshape(1, -1))
    agg_p, cnt_p = _sc_scatter(msg, src, N)
    out = _tc_update(x, agg_p, cnt_p, W1u[:F], W1u[F:], b1u.reshape(1, -1),
                     W2u, b2u.reshape(1, -1), gamma.reshape(1, -1),
                     beta.reshape(1, -1))
    return out

# --- scband reference (transcript-rebuilt; emitter-appended) ---
"""Pipeline reference for scband-node-model-61684320305462 (READ-ONLY COPY).

The authoritative reference and input builder live on the scoring server;
editing this copy changes nothing except your own understanding.
"""

import jax, jax.numpy as jnp
import numpy as np

N = 10000
E = 320000
F = 128

def _lin_init(k, fan_in, fan_out):
    kw, kb = jax.random.split(k)
    W = jax.random.normal(kw, (fan_in, fan_out), dtype=jnp.float32) / np.sqrt(fan_in)
    b = jax.random.normal(kb, (fan_out,), dtype=jnp.float32) * 0.01
    return W, b

def setup_inputs(seed: int = 0):
    key = jax.random.key(seed)
    ks = jax.random.split(key, 8)
    x = jax.random.normal(ks[0], (N, F), dtype=jnp.float32)
    edge_index = jax.random.randint(ks[1], (2, E), 0, N, dtype=jnp.int32)
    edge_attr = jax.random.normal(ks[2], (E, F), dtype=jnp.float32)
    W1m, b1m = _lin_init(ks[3], 2 * F, 2 * F)
    W2m, b2m = _lin_init(ks[4], 2 * F, F)
    W1u, b1u = _lin_init(ks[5], 2 * F, F)
    W2u, b2u = _lin_init(ks[6], F, F)
    gamma = jnp.ones((F,), dtype=jnp.float32)
    beta = jnp.zeros((F,), dtype=jnp.float32)
    return {"x": x, "edge_index": edge_index, "edge_attr": edge_attr,
            "W1m": W1m, "b1m": b1m, "W2m": W2m, "b2m": b2m,
            "W1u": W1u, "b1u": b1u, "W2u": W2u, "b2u": b2u,
            "gamma": gamma, "beta": beta}

def reference(x, edge_index, edge_attr, W1m, b1m, W2m, b2m, W1u, b1u, W2u, b2u, gamma, beta):
    # is_source=True branch: gather x[tgt], scatter-mean onto src
    src = edge_index[0]
    tgt = edge_index[1]
    n = x.shape[0]
    # message_mlp: Linear(2f,2f) -> ReLU -> Linear(2f,f)
    msg = jnp.concatenate([x[tgt], edge_attr], axis=-1)
    msg = jnp.maximum(msg @ W1m + b1m, 0.0)
    msg = msg @ W2m + b2m
    # scatter mean over src
    agg_sum = jax.ops.segment_sum(msg, src, num_segments=n)
    cnt = jax.ops.segment_sum(jnp.ones((msg.shape[0], 1), dtype=jnp.float32), src, num_segments=n)
    agg = agg_sum / jnp.maximum(cnt, 1.0)
    # update_mlp: Linear(2f,f) -> ReLU -> Linear(f,f) -> BatchNorm1d(f) (training-mode batch stats)
    z = jnp.concatenate([x, agg], axis=-1)
    h = jnp.maximum(z @ W1u + b1u, 0.0)
    h = h @ W2u + b2u
    mu = jnp.mean(h, axis=0)
    var = jnp.var(h, axis=0)
    out = (h - mu) / jnp.sqrt(var + 1e-5) * gamma + beta
    return out

if __name__ == "__main__":
    import jax
    _d = setup_inputs()
    print(jax.jit(kernel)(*tuple(_d.values())))

</pallas_src>

<mosaic_0001>
#map = affine_map<(d0, d1) -> (0, 0)>
#map1 = affine_map<(d0, d1) -> (0)>
module attributes {stable_mosaic.version = 14 : i64} {
  func.func @scatter_k(%arg0: i32, %arg1: i32, %arg2: memref<320000x128xf32, #tpu.memory_space<hbm>>, %arg3: memref<320000xi32, #tpu.memory_space<hbm>>, %arg4: memref<1310720xf32, #tpu.memory_space<hbm>>, %arg5: memref<163840xf32, #tpu.memory_space<hbm>>, %arg6: memref<6400xi32, #tpu.memory_space<vmem>>, %arg7: memref<6400xi32, #tpu.memory_space<vmem>>, %arg8: memref<128x128xf32, #tpu.memory_space<vmem>>, %arg9: memref<256xi32, #tpu.memory_space<vmem>>, %arg10: memref<128xi32, #tpu.memory_space<vmem>>, %arg11: memref<40960xf32, #tpu.memory_space<vmem>>, %arg12: memref<5120xf32, #tpu.memory_space<vmem>>, %arg13: memref<!tpu.dma_semaphore, #tpu.memory_space<semaphore_mem>>, %arg14: memref<!tpu.dma_semaphore, #tpu.memory_space<semaphore_mem>>, %arg15: memref<!tpu.dma_semaphore, #tpu.memory_space<semaphore_mem>>) attributes {dimension_semantics = [#tpu.dimension_semantics<core_parallel>, #tpu.dimension_semantics<subcore_parallel>], iteration_bounds = array<i64: 2, 16>, scalar_prefetch = 0 : i64, scratch_operands = 10 : i64, tpu.core_type = #tpu.core_type<sc_vector_subcore>, window_params = [{transform_indices = #map}, {transform_indices = #map1}, {transform_indices = #map1}, {transform_indices = #map1}]} {
    %mul3A = arith.constant 2 : i32
    %mul3A_0 = arith.muli %arg1, %mul3A : i32
    %add3A = arith.addi %mul3A_0, %arg0 : i32
    %mul3A_1 = arith.constant 320 : i32
    %mul3A_2 = arith.muli %add3A, %mul3A_1 : i32
    %broadcast_in_dim3A = arith.constant 0.000000e+00 : f32
    %broadcast_in_dim3A_3 = vector.broadcast %broadcast_in_dim3A : f32 to vector<16xf32>
    %broadcast_in_dim3A_4 = arith.constant 1.000000e+00 : f32
    %broadcast_in_dim3A_5 = vector.broadcast %broadcast_in_dim3A_4 : f32 to vector<16xf32>
    %iota3A = tpu.iota {dimensions = array<i32: 0>} : vector<16xi32>
    %broadcast_in_dim3A_6 = arith.constant 0 : i32
    %broadcast_in_dim3A_7 = vector.broadcast %broadcast_in_dim3A_6 : i32 to vector<16xi32>
    %eq3A = arith.constant 0 : i32
    %eq3A_8 = vector.broadcast %eq3A : i32 to vector<16xi32>
    %eq3A_9 = arith.cmpi eq, %iota3A, %eq3A_8 : vector<16xi32>
    %scan3A = arith.constant 0 : i32
    %scan3A_10 = arith.constant 0 : i32
    %scan3A_11 = arith.constant 2560 : i32
    %scan3A_12 = arith.addi %scan3A_10, %scan3A_11 : i32
    %scan3A_13 = arith.constant 1 : i32
    scf.for %scan3A_170 = %scan3A_10 to %scan3A_12 step %scan3A_13  : i32 {
      %mul3A_171 = arith.constant 16 : i32
      %mul3A_172 = arith.muli %scan3A_170, %mul3A_171 : i32
      %swap3A_173 = arith.index_cast %mul3A_172 : i32 to index
      %swap3A_174 = tpu.vector_load %arg11[%swap3A_173] {strides = array<i32>} : memref<40960xf32, #tpu.memory_space<vmem>>, vector<16xf32>,
      tpu.vector_store %arg11[%swap3A_173], %broadcast_in_dim3A_3 {strides = array<i32>} : memref<40960xf32, #tpu.memory_space<vmem>>, vector<16xf32>,
    }
    %scan3A_14 = arith.constant 2560 : i32
    %scan3A_15 = arith.constant 0 : i32
    %scan3A_16 = arith.constant 0 : i32
    %scan3A_17 = arith.constant 320 : i32
    %scan3A_18 = arith.addi %scan3A_16, %scan3A_17 : i32
    %scan3A_19 = arith.constant 1 : i32
    scf.for %scan3A_170 = %scan3A_16 to %scan3A_18 step %scan3A_19  : i32 {
      %mul3A_171 = arith.constant 16 : i32
      %mul3A_172 = arith.muli %scan3A_170, %mul3A_171 : i32
      %swap3A_173 = arith.index_cast %mul3A_172 : i32 to index
      %swap3A_174 = tpu.vector_load %arg12[%swap3A_173] {strides = array<i32>} : memref<5120xf32, #tpu.memory_space<vmem>>, vector<16xf32>,
      tpu.vector_store %arg12[%swap3A_173], %broadcast_in_dim3A_3 {strides = array<i32>} : memref<5120xf32, #tpu.memory_space<vmem>>, vector<16xf32>,
    }
    %scan3A_20 = arith.constant 320 : i32
    %swap3A = arith.constant 0 : index
    %swap3A_21 = tpu.vector_load %arg9[%swap3A] {strides = array<i32>} : memref<256xi32, #tpu.memory_space<vmem>>, vector<16xi32>,
    tpu.vector_store %arg9[%swap3A], %broadcast_in_dim3A_7 {strides = array<i32>} : memref<256xi32, #tpu.memory_space<vmem>>, vector<16xi32>,
    %swap3A_22 = arith.constant 16 : index
    %swap3A_23 = tpu.vector_load %arg9[%swap3A_22] {strides = array<i32>} : memref<256xi32, #tpu.memory_space<vmem>>, vector<16xi32>,
    tpu.vector_store %arg9[%swap3A_22], %broadcast_in_dim3A_7 {strides = array<i32>} : memref<256xi32, #tpu.memory_space<vmem>>, vector<16xi32>,
    %swap3A_24 = arith.constant 32 : index
    %swap3A_25 = tpu.vector_load %arg9[%swap3A_24] {strides = array<i32>} : memref<256xi32, #tpu.memory_space<vmem>>, vector<16xi32>,
    tpu.vector_store %arg9[%swap3A_24], %broadcast_in_dim3A_7 {strides = array<i32>} : memref<256xi32, #tpu.memory_space<vmem>>, vector<16xi32>,
    %swap3A_26 = arith.constant 48 : index
    %swap3A_27 = tpu.vector_load %arg9[%swap3A_26] {strides = array<i32>} : memref<256xi32, #tpu.memory_space<vmem>>, vector<16xi32>,
    tpu.vector_store %arg9[%swap3A_26], %broadcast_in_dim3A_7 {strides = array<i32>} : memref<256xi32, #tpu.memory_space<vmem>>, vector<16xi32>,
    %swap3A_28 = arith.constant 64 : index
    %swap3A_29 = tpu.vector_load %arg9[%swap3A_28] {strides = array<i32>} : memref<256xi32, #tpu.memory_space<vmem>>, vector<16xi32>,
    tpu.vector_store %arg9[%swap3A_28], %broadcast_in_dim3A_7 {strides = array<i32>} : memref<256xi32, #tpu.memory_space<vmem>>, vector<16xi32>,
    %swap3A_30 = arith.constant 80 : index
    %swap3A_31 = tpu.vector_load %arg9[%swap3A_30] {strides = array<i32>} : memref<256xi32, #tpu.memory_space<vmem>>, vector<16xi32>,
    tpu.vector_store %arg9[%swap3A_30], %broadcast_in_dim3A_7 {strides = array<i32>} : memref<256xi32, #tpu.memory_space<vmem>>, vector<16xi32>,
    %swap3A_32 = arith.constant 96 : index
    %swap3A_33 = tpu.vector_load %arg9[%swap3A_32] {strides = array<i32>} : memref<256xi32, #tpu.memory_space<vmem>>, vector<16xi32>,
    tpu.vector_store %arg9[%swap3A_32], %broadcast_in_dim3A_7 {strides = array<i32>} : memref<256xi32, #tpu.memory_space<vmem>>, vector<16xi32>,
    %swap3A_34 = arith.constant 112 : index
    %swap3A_35 = tpu.vector_load %arg9[%swap3A_34] {strides = array<i32>} : memref<256xi32, #tpu.memory_space<vmem>>, vector<16xi32>,
    tpu.vector_store %arg9[%swap3A_34], %broadcast_in_dim3A_7 {strides = array<i32>} : memref<256xi32, #tpu.memory_space<vmem>>, vector<16xi32>,
    %swap3A_36 = arith.constant 128 : index
    %swap3A_37 = tpu.vector_load %arg9[%swap3A_36] {strides = array<i32>} : memref<256xi32, #tpu.memory_space<vmem>>, vector<16xi32>,
    tpu.vector_store %arg9[%swap3A_36], %broadcast_in_dim3A_7 {strides = array<i32>} : memref<256xi32, #tpu.memory_space<vmem>>, vector<16xi32>,
    %swap3A_38 = arith.constant 144 : index
    %swap3A_39 = tpu.vector_load %arg9[%swap3A_38] {strides = array<i32>} : memref<256xi32, #tpu.memory_space<vmem>>, vector<16xi32>,
    tpu.vector_store %arg9[%swap3A_38], %broadcast_in_dim3A_7 {strides = array<i32>} : memref<256xi32, #tpu.memory_space<vmem>>, vector<16xi32>,
    %swap3A_40 = arith.constant 160 : index
    %swap3A_41 = tpu.vector_load %arg9[%swap3A_40] {strides = array<i32>} : memref<256xi32, #tpu.memory_space<vmem>>, vector<16xi32>,
    tpu.vector_store %arg9[%swap3A_40], %broadcast_in_dim3A_7 {strides = array<i32>} : memref<256xi32, #tpu.memory_space<vmem>>, vector<16xi32>,
    %swap3A_42 = arith.constant 176 : index
    %swap3A_43 = tpu.vector_load %arg9[%swap3A_42] {strides = array<i32>} : memref<256xi32, #tpu.memory_space<vmem>>, vector<16xi32>,
    tpu.vector_store %arg9[%swap3A_42], %broadcast_in_dim3A_7 {strides = array<i32>} : memref<256xi32, #tpu.memory_space<vmem>>, vector<16xi32>,
    %swap3A_44 = arith.constant 192 : index
    %swap3A_45 = tpu.vector_load %arg9[%swap3A_44] {strides = array<i32>} : memref<256xi32, #tpu.memory_space<vmem>>, vector<16xi32>,
    tpu.vector_store %arg9[%swap3A_44], %broadcast_in_dim3A_7 {strides = array<i32>} : memref<256xi32, #tpu.memory_space<vmem>>, vector<16xi32>,
    %swap3A_46 = arith.constant 208 : index
    %swap3A_47 = tpu.vector_load %arg9[%swap3A_46] {strides = array<i32>} : memref<256xi32, #tpu.memory_space<vmem>>, vector<16xi32>,
    tpu.vector_store %arg9[%swap3A_46], %broadcast_in_dim3A_7 {strides = array<i32>} : memref<256xi32, #tpu.memory_space<vmem>>, vector<16xi32>,
    %swap3A_48 = arith.constant 224 : index
    %swap3A_49 = tpu.vector_load %arg9[%swap3A_48] {strides = array<i32>} : memref<256xi32, #tpu.memory_space<vmem>>, vector<16xi32>,
    tpu.vector_store %arg9[%swap3A_48], %broadcast_in_dim3A_7 {strides = array<i32>} : memref<256xi32, #tpu.memory_space<vmem>>, vector<16xi32>,
    %swap3A_50 = arith.constant 240 : index
    %swap3A_51 = tpu.vector_load %arg9[%swap3A_50] {strides = array<i32>} : memref<256xi32, #tpu.memory_space<vmem>>, vector<16xi32>,
    tpu.vector_store %arg9[%swap3A_50], %broadcast_in_dim3A_7 {strides = array<i32>} : memref<256xi32, #tpu.memory_space<vmem>>, vector<16xi32>,
    %dma_start3A = arith.constant 0 : i32
    %dma_start3A_52 = tpu.memref_slice %arg3[%dma_start3A] : memref<320000xi32, #tpu.memory_space<hbm>> -> memref<6400xi32, #tpu.memory_space<hbm>>
    %dma_start3A_53 = arith.constant 0 : i32
    %dma_start3A_54 = tpu.memref_slice %arg3[%dma_start3A_53] : memref<320000xi32, #tpu.memory_space<hbm>> -> memref<6400xi32, #tpu.memory_space<hbm>>
    tpu.enqueue_dma source(%dma_start3A_54 : memref<6400xi32, #tpu.memory_space<hbm>>) target(%arg6 : memref<6400xi32, #tpu.memory_space<vmem>>) target_semaphore(%arg14 : memref<!tpu.dma_semaphore, #tpu.memory_space<semaphore_mem>>)
    %dma_start3A_55 = arith.constant 6400 : i32
    %dma_start3A_56 = tpu.memref_slice %arg3[%dma_start3A_55] : memref<320000xi32, #tpu.memory_space<hbm>> -> memref<6400xi32, #tpu.memory_space<hbm>>
    %dma_start3A_57 = arith.constant 6400 : i32
    %dma_start3A_58 = tpu.memref_slice %arg3[%dma_start3A_57] : memref<320000xi32, #tpu.memory_space<hbm>> -> memref<6400xi32, #tpu.memory_space<hbm>>
    tpu.enqueue_dma source(%dma_start3A_58 : memref<6400xi32, #tpu.memory_space<hbm>>) target(%arg7 : memref<6400xi32, #tpu.memory_space<vmem>>) target_semaphore(%arg15 : memref<!tpu.dma_semaphore, #tpu.memory_space<semaphore_mem>>)
    %scan3A_59 = arith.constant 0 : i32
    %scan3A_60 = arith.constant 0 : i32
    %scan3A_61 = arith.constant 25 : i32
    %scan3A_62 = arith.addi %scan3A_60, %scan3A_61 : i32
    %scan3A_63 = arith.constant 1 : i32
    %scan3A_64 = scf.for %scan3A_170 = %scan3A_60 to %scan3A_62 step %scan3A_63 iter_args(%scan3A_171 = %scan3A_59) -> (i32)  : i32 {
      %mul3A_172 = arith.constant 2 : i32
      %mul3A_173 = arith.muli %mul3A_172, %scan3A_170 : i32
      %dma_wait3A_174 = arith.constant 0 : i32
      %dma_wait3A_175 = tpu.memref_slice %arg3[%dma_wait3A_174] : memref<320000xi32, #tpu.memory_space<hbm>> -> memref<6400xi32, #tpu.memory_space<hbm>>
      %dma_wait3A_176 = arith.constant 0 : i32
      %dma_wait3A_177 = tpu.memref_slice %arg3[%dma_wait3A_176] : memref<320000xi32, #tpu.memory_space<hbm>> -> memref<6400xi32, #tpu.memory_space<hbm>>
      tpu.wait_dma2 semaphore(%arg14 : memref<!tpu.dma_semaphore, #tpu.memory_space<semaphore_mem>>) src(%dma_wait3A_177 : memref<6400xi32, #tpu.memory_space<hbm>>) dst(%arg6 : memref<6400xi32, #tpu.memory_space<vmem>>)
      %scan3A_178 = arith.constant 0 : i32
      %scan3A_179 = arith.constant 50 : i32
      %scan3A_180 = arith.addi %scan3A_178, %scan3A_179 : i32
      %scan3A_181 = arith.constant 1 : i32
      %scan3A_182 = scf.for %scan3A_207 = %scan3A_178 to %scan3A_180 step %scan3A_181 iter_args(%scan3A_208 = %scan3A_171) -> (i32)  : i32 {
        %mul3A_209 = arith.constant 6400 : i32
        %mul3A_210 = arith.muli %mul3A_173, %mul3A_209 : i32
        %mul3A_211 = arith.constant 128 : i32
        %mul3A_212 = arith.muli %scan3A_207, %mul3A_211 : i32
        %add3A_213 = arith.constant 0 : i32
        %add3A_214 = arith.addi %mul3A_212, %add3A_213 : i32
        %get3A_215 = arith.index_cast %add3A_214 : i32 to index
        %get3A_216 = tpu.vector_load %arg6[%get3A_215] {strides = array<i32>} : memref<6400xi32, #tpu.memory_space<vmem>>, vector<16xi32>,
        %sub3A_217 = vector.broadcast %mul3A_2 : i32 to vector<16xi32>
        %sub3A_218 = arith.subi %get3A_216, %sub3A_217 : vector<16xi32>
        %ge3A = arith.constant 0 : i32
        %ge3A_219 = vector.broadcast %ge3A : i32 to vector<16xi32>
        %ge3A_220 = arith.cmpi sge, %sub3A_218, %ge3A_219 : vector<16xi32>
        %lt3A_221 = arith.constant 320 : i32
        %lt3A_222 = vector.broadcast %lt3A_221 : i32 to vector<16xi32>
        %lt3A_223 = arith.cmpi slt, %sub3A_218, %lt3A_222 : vector<16xi32>
        %and3A_224 = arith.andi %ge3A_220, %lt3A_223 : vector<16xi1>
        %shift_left3A = arith.constant 19 : i32
        %shift_left3A_225 = vector.broadcast %shift_left3A : i32 to vector<16xi32>
        %shift_left3A_226 = arith.shli %sub3A_218, %shift_left3A_225 : vector<16xi32>
        %add3A_227 = arith.addi %mul3A_210, %add3A_214 : i32
        %add3A_228 = vector.broadcast %add3A_227 : i32 to vector<16xi32>
        %add3A_229 = arith.addi %add3A_228, %iota3A : vector<16xi32>
        %or3A = arith.ori %shift_left3A_226, %add3A_229 : vector<16xi32>
        %swap3A_230 = arith.index_cast %scan3A_208 : i32 to index
        %swap3A_231 = tpu.vector_load %arg9[%swap3A_230] masked %and3A_224 {strides = array<i32>} : memref<256xi32, #tpu.memory_space<vmem>>, vector<16xi32>, vector<16xi1>
        tpu.vector_store %arg9[%swap3A_230], %or3A masked %and3A_224 {strides = array<i32>} : memref<256xi32, #tpu.memory_space<vmem>>, vector<16xi32>, vector<16xi1>
        %jit3A = arith.constant 1 : i32
        %jit3A_232 = arith.constant 0 : i32
        %broadcast_in_dim3A_233 = vector.broadcast %jit3A : i32 to vector<16xi32>
        %broadcast_in_dim3A_234 = vector.broadcast %jit3A_232 : i32 to vector<16xi32>
        %select_n3A = arith.select %and3A_224, %broadcast_in_dim3A_233, %broadcast_in_dim3A_234 : vector<16xi1>, vector<16xi32>
        %reduce_sum3A = arith.constant true
        %reduce_sum3A_235 = vector.broadcast %reduce_sum3A : i1 to vector<16xi1>
        %reduce_sum3A_236 = tpu.scan <sum>, %select_n3A masked %reduce_sum3A_235 : vector<16xi32>, vector<16xi1> -> vector<16xi32>
        %reduce_sum3A_237 = vector.extract %reduce_sum3A_236[15] : i32 from vector<16xi32>
        %add3A_238 = arith.addi %scan3A_208, %reduce_sum3A_237 : i32
        %mul3A_239 = arith.constant 128 : i32
        %mul3A_240 = arith.muli %scan3A_207, %mul3A_239 : i32
        %add3A_241 = arith.constant 16 : i32
        %add3A_242 = arith.addi %mul3A_240, %add3A_241 : i32
        %get3A_243 = arith.index_cast %add3A_242 : i32 to index
        %get3A_244 = tpu.vector_load %arg6[%get3A_243] {strides = array<i32>} : memref<6400xi32, #tpu.memory_space<vmem>>, vector<16xi32>,
        %sub3A_245 = vector.broadcast %mul3A_2 : i32 to vector<16xi32>
        %sub3A_246 = arith.subi %get3A_244, %sub3A_245 : vector<16xi32>
        %ge3A_247 = arith.constant 0 : i32
        %ge3A_248 = vector.broadcast %ge3A_247 : i32 to vector<16xi32>
        %ge3A_249 = arith.cmpi sge, %sub3A_246, %ge3A_248 : vector<16xi32>
        %lt3A_250 = arith.constant 320 : i32
        %lt3A_251 = vector.broadcast %lt3A_250 : i32 to vector<16xi32>
        %lt3A_252 = arith.cmpi slt, %sub3A_246, %lt3A_251 : vector<16xi32>
        %and3A_253 = arith.andi %ge3A_249, %lt3A_252 : vector<16xi1>
        %shift_left3A_254 = arith.constant 19 : i32
        %shift_left3A_255 = vector.broadcast %shift_left3A_254 : i32 to vector<16xi32>
        %shift_left3A_256 = arith.shli %sub3A_246, %shift_left3A_255 : vector<16xi32>
        %add3A_257 = arith.addi %mul3A_210, %add3A_242 : i32
        %add3A_258 = vector.broadcast %add3A_257 : i32 to vector<16xi32>
        %add3A_259 = arith.addi %add3A_258, %iota3A : vector<16xi32>
        %or3A_260 = arith.ori %shift_left3A_256, %add3A_259 : vector<16xi32>
        %swap3A_261 = arith.index_cast %add3A_238 : i32 to index
        %swap3A_262 = tpu.vector_load %arg9[%swap3A_261] masked %and3A_253 {strides = array<i32>} : memref<256xi32, #tpu.memory_space<vmem>>, vector<16xi32>, vector<16xi1>
        tpu.vector_store %arg9[%swap3A_261], %or3A_260 masked %and3A_253 {strides = array<i32>} : memref<256xi32, #tpu.memory_space<vmem>>, vector<16xi32>, vector<16xi1>
        %jit3A_263 = arith.constant 1 : i32
        %jit3A_264 = arith.constant 0 : i32
        %broadcast_in_dim3A_265 = vector.broadcast %jit3A_263 : i32 to vector<16xi32>
        %broadcast_in_dim3A_266 = vector.broadcast %jit3A_264 : i32 to vector<16xi32>
        %select_n3A_267 = arith.select %and3A_253, %broadcast_in_dim3A_265, %broadcast_in_dim3A_266 : vector<16xi1>, vector<16xi32>
        %reduce_sum3A_268 = arith.constant true
        %reduce_sum3A_269 = vector.broadcast %reduce_sum3A_268 : i1 to vector<16xi1>
        %reduce_sum3A_270 = tpu.scan <sum>, %select_n3A_267 masked %reduce_sum3A_269 : vector<16xi32>, vector<16xi1> -> vector<16xi32>
        %reduce_sum3A_271 = vector.extract %reduce_sum3A_270[15] : i32 from vector<16xi32>
        %add3A_272 = arith.addi %add3A_238, %reduce_sum3A_271 : i32
        %mul3A_273 = arith.constant 128 : i32
        %mul3A_274 = arith.muli %scan3A_207, %mul3A_273 : i32
        %add3A_275 = arith.constant 32 : i32
        %add3A_276 = arith.addi %mul3A_274, %add3A_275 : i32
        %get3A_277 = arith.index_cast %add3A_276 : i32 to index
        %get3A_278 = tpu.vector_load %arg6[%get3A_277] {strides = array<i32>} : memref<6400xi32, #tpu.memory_space<vmem>>, vector<16xi32>,
        %sub3A_279 = vector.broadcast %mul3A_2 : i32 to vector<16xi32>
        %sub3A_280 = arith.subi %get3A_278, %sub3A_279 : vector<16xi32>
        %ge3A_281 = arith.constant 0 : i32
        %ge3A_282 = vector.broadcast %ge3A_281 : i32 to vector<16xi32>
        %ge3A_283 = arith.cmpi sge, %sub3A_280, %ge3A_282 : vector<16xi32>
        %lt3A_284 = arith.constant 320 : i32
        %lt3A_285 = vector.broadcast %lt3A_284 : i32 to vector<16xi32>
        %lt3A_286 = arith.cmpi slt, %sub3A_280, %lt3A_285 : vector<16xi32>
        %and3A_287 = arith.andi %ge3A_283, %lt3A_286 : vector<16xi1>
        %shift_left3A_288 = arith.constant 19 : i32
        %shift_left3A_289 = vector.broadcast %shift_left3A_288 : i32 to vector<16xi32>
        %shift_left3A_290 = arith.shli %sub3A_280, %shift_left3A_289 : vector<16xi32>
        %add3A_291 = arith.addi %mul3A_210, %add3A_276 : i32
        %add3A_292 = vector.broadcast %add3A_291 : i32 to vector<16xi32>
        %add3A_293 = arith.addi %add3A_292, %iota3A : vector<16xi32>
        %or3A_294 = arith.ori %shift_left3A_290, %add3A_293 : vector<16xi32>
        %swap3A_295 = arith.index_cast %add3A_272 : i32 to index
        %swap3A_296 = tpu.vector_load %arg9[%swap3A_295] masked %and3A_287 {strides = array<i32>} : memref<256xi32, #tpu.memory_space<vmem>>, vector<16xi32>, vector<16xi1>
        tpu.vector_store %arg9[%swap3A_295], %or3A_294 masked %and3A_287 {strides = array<i32>} : memref<256xi32, #tpu.memory_space<vmem>>, vector<16xi32>, vector<16xi1>
        %jit3A_297 = arith.constant 1 : i32
        %jit3A_298 = arith.constant 0 : i32
        %broadcast_in_dim3A_299 = vector.broadcast %jit3A_297 : i32 to vector<16xi32>
        %broadcast_in_dim3A_300 = vector.broadcast %jit3A_298 : i32 to vector<16xi32>
        %select_n3A_301 = arith.select %and3A_287, %broadcast_in_dim3A_299, %broadcast_in_dim3A_300 : vector<16xi1>, vector<16xi32>
        %reduce_sum3A_302 = arith.constant true
        %reduce_sum3A_303 = vector.broadcast %reduce_sum3A_302 : i1 to vector<16xi1>
        %reduce_sum3A_304 = tpu.scan <sum>, %select_n3A_301 masked %reduce_sum3A_303 : vector<16xi32>, vector<16xi1> -> vector<16xi32>
        %reduce_sum3A_305 = vector.extract %reduce_sum3A_304[15] : i32 from vector<16xi32>
        %add3A_306 = arith.addi %add3A_272, %reduce_sum3A_305 : i32
        %mul3A_307 = arith.constant 128 : i32
        %mul3A_308 = arith.muli %scan3A_207, %mul3A_307 : i32
        %add3A_309 = arith.constant 48 : i32
        %add3A_310 = arith.addi %mul3A_308, %add3A_309 : i32
        %get3A_311 = arith.index_cast %add3A_310 : i32 to index
        %get3A_312 = tpu.vector_load %arg6[%get3A_311] {strides = array<i32>} : memref<6400xi32, #tpu.memory_space<vmem>>, vector<16xi32>,
        %sub3A_313 = vector.broadcast %mul3A_2 : i32 to vector<16xi32>
        %sub3A_314 = arith.subi %get3A_312, %sub3A_313 : vector<16xi32>
        %ge3A_315 = arith.constant 0 : i32
        %ge3A_316 = vector.broadcast %ge3A_315 : i32 to vector<16xi32>
        %ge3A_317 = arith.cmpi sge, %sub3A_314, %ge3A_316 : vector<16xi32>
        %lt3A_318 = arith.constant 320 : i32
        %lt3A_319 = vector.broadcast %lt3A_318 : i32 to vector<16xi32>
        %lt3A_320 = arith.cmpi slt, %sub3A_314, %lt3A_319 : vector<16xi32>
        %and3A_321 = arith.andi %ge3A_317, %lt3A_320 : vector<16xi1>
        %shift_left3A_322 = arith.constant 19 : i32
        %shift_left3A_323 = vector.broadcast %shift_left3A_322 : i32 to vector<16xi32>
        %shift_left3A_324 = arith.shli %sub3A_314, %shift_left3A_323 : vector<16xi32>
        %add3A_325 = arith.addi %mul3A_210, %add3A_310 : i32
        %add3A_326 = vector.broadcast %add3A_325 : i32 to vector<16xi32>
        %add3A_327 = arith.addi %add3A_326, %iota3A : vector<16xi32>
        %or3A_328 = arith.ori %shift_left3A_324, %add3A_327 : vector<16xi32>
        %swap3A_329 = arith.index_cast %add3A_306 : i32 to index
        %swap3A_330 = tpu.vector_load %arg9[%swap3A_329] masked %and3A_321 {strides = array<i32>} : memref<256xi32, #tpu.memory_space<vmem>>, vector<16xi32>, vector<16xi1>
        tpu.vector_store %arg9[%swap3A_329], %or3A_328 masked %and3A_321 {strides = array<i32>} : memref<256xi32, #tpu.memory_space<vmem>>, vector<16xi32>, vector<16xi1>
        %jit3A_331 = arith.constant 1 : i32
        %jit3A_332 = arith.constant 0 : i32
        %broadcast_in_dim3A_333 = vector.broadcast %jit3A_331 : i32 to vector<16xi32>
        %broadcast_in_dim3A_334 = vector.broadcast %jit3A_332 : i32 to vector<16xi32>
        %select_n3A_335 = arith.select %and3A_321, %broadcast_in_dim3A_333, %broadcast_in_dim3A_334 : vector<16xi1>, vector<16xi32>
        %reduce_sum3A_336 = arith.constant true
        %reduce_sum3A_337 = vector.broadcast %reduce_sum3A_336 : i1 to vector<16xi1>
        %reduce_sum3A_338 = tpu.scan <sum>, %select_n3A_335 masked %reduce_sum3A_337 : vector<16xi32>, vector<16xi1> -> vector<16xi32>
        %reduce_sum3A_339 = vector.extract %reduce_sum3A_338[15] : i32 from vector<16xi32>
        %add3A_340 = arith.addi %add3A_306, %reduce_sum3A_339 : i32
        %mul3A_341 = arith.constant 128 : i32
        %mul3A_342 = arith.muli %scan3A_207, %mul3A_341 : i32
        %add3A_343 = arith.constant 64 : i32
        %add3A_344 = arith.addi %mul3A_342, %add3A_343 : i32
        %get3A_345 = arith.index_cast %add3A_344 : i32 to index
        %get3A_346 = tpu.vector_load %arg6[%get3A_345] {strides = array<i32>} : memref<6400xi32, #tpu.memory_space<vmem>>, vector<16xi32>,
        %sub3A_347 = vector.broadcast %mul3A_2 : i32 to vector<16xi32>
        %sub3A_348 = arith.subi %get3A_346, %sub3A_347 : vector<16xi32>
        %ge3A_349 = arith.constant 0 : i32
        %ge3A_350 = vector.broadcast %ge3A_349 : i32 to vector<16xi32>
        %ge3A_351 = arith.cmpi sge, %sub3A_348, %ge3A_350 : vector<16xi32>
        %lt3A_352 = arith.constant 320 : i32
        %lt3A_353 = vector.broadcast %lt3A_352 : i32 to vector<16xi32>
        %lt3A_354 = arith.cmpi slt, %sub3A_348, %lt3A_353 : vector<16xi32>
        %and3A_355 = arith.andi %ge3A_351, %lt3A_354 : vector<16xi1>
        %shift_left3A_356 = arith.constant 19 : i32
        %shift_left3A_357 = vector.broadcast %shift_left3A_356 : i32 to vector<16xi32>
        %shift_left3A_358 = arith.shli %sub3A_348, %shift_left3A_357 : vector<16xi32>
        %add3A_359 = arith.addi %mul3A_210, %add3A_344 : i32
        %add3A_360 = vector.broadcast %add3A_359 : i32 to vector<16xi32>
        %add3A_361 = arith.addi %add3A_360, %iota3A : vector<16xi32>
        %or3A_362 = arith.ori %shift_left3A_358, %add3A_361 : vector<16xi32>
        %swap3A_363 = arith.index_cast %add3A_340 : i32 to index
        %swap3A_364 = tpu.vector_load %arg9[%swap3A_363] masked %and3A_355 {strides = array<i32>} : memref<256xi32, #tpu.memory_space<vmem>>, vector<16xi32>, vector<16xi1>
        tpu.vector_store %arg9[%swap3A_363], %or3A_362 masked %and3A_355 {strides = array<i32>} : memref<256xi32, #tpu.memory_space<vmem>>, vector<16xi32>, vector<16xi1>
        %jit3A_365 = arith.constant 1 : i32
        %jit3A_366 = arith.constant 0 : i32
        %broadcast_in_dim3A_367 = vector.broadcast %jit3A_365 : i32 to vector<16xi32>
        %broadcast_in_dim3A_368 = vector.broadcast %jit3A_366 : i32 to vector<16xi32>
        %select_n3A_369 = arith.select %and3A_355, %broadcast_in_dim3A_367, %broadcast_in_dim3A_368 : vector<16xi1>, vector<16xi32>
        %reduce_sum3A_370 = arith.constant true
        %reduce_sum3A_371 = vector.broadcast %reduce_sum3A_370 : i1 to vector<16xi1>
        %reduce_sum3A_372 = tpu.scan <sum>, %select_n3A_369 masked %reduce_sum3A_371 : vector<16xi32>, vector<16xi1> -> vector<16xi32>
        %reduce_sum3A_373 = vector.extract %reduce_sum3A_372[15] : i32 from vector<16xi32>
        %add3A_374 = arith.addi %add3A_340, %reduce_sum3A_373 : i32
        %mul3A_375 = arith.constant 128 : i32
        %mul3A_376 = arith.muli %scan3A_207, %mul3A_375 : i32
        %add3A_377 = arith.constant 80 : i32
        %add3A_378 = arith.addi %mul3A_376, %add3A_377 : i32
        %get3A_379 = arith.index_cast %add3A_378 : i32 to index
        %get3A_380 = tpu.vector_load %arg6[%get3A_379] {strides = array<i32>} : memref<6400xi32, #tpu.memory_space<vmem>>, vector<16xi32>,
        %sub3A_381 = vector.broadcast %mul3A_2 : i32 to vector<16xi32>
        %sub3A_382 = arith.subi %get3A_380, %sub3A_381 : vector<16xi32>
        %ge3A_383 = arith.constant 0 : i32
        %ge3A_384 = vector.broadcast %ge3A_383 : i32 to vector<16xi32>
        %ge3A_385 = arith.cmpi sge, %sub3A_382, %ge3A_384 : vector<16xi32>
        %lt3A_386 = arith.constant 320 : i32
        %lt3A_387 = vector.broadcast %lt3A_386 : i32 to vector<16xi32>
        %lt3A_388 = arith.cmpi slt, %sub3A_382, %lt3A_387 : vector<16xi32>
        %and3A_389 = arith.andi %ge3A_385, %lt3A_388 : vector<16xi1>
        %shift_left3A_390 = arith.constant 19 : i32
        %shift_left3A_391 = vector.broadcast %shift_left3A_390 : i32 to vector<16xi32>
        %shift_left3A_392 = arith.shli %sub3A_382, %shift_left3A_391 : vector<16xi32>
        %add3A_393 = arith.addi %mul3A_210, %add3A_378 : i32
        %add3A_394 = vector.broadcast %add3A_393 : i32 to vector<16xi32>
        %add3A_395 = arith.addi %add3A_394, %iota3A : vector<16xi32>
        %or3A_396 = arith.ori %shift_left3A_392, %add3A_395 : vector<16xi32>
        %swap3A_397 = arith.index_cast %add3A_374 : i32 to index
        %swap3A_398 = tpu.vector_load %arg9[%swap3A_397] masked %and3A_389 {strides = array<i32>} : memref<256xi32, #tpu.memory_space<vmem>>, vector<16xi32>, vector<16xi1>
        tpu.vector_store %arg9[%swap3A_397], %or3A_396 masked %and3A_389 {strides = array<i32>} : memref<256xi32, #tpu.memory_space<vmem>>, vector<16xi32>, vector<16xi1>
        %jit3A_399 = arith.constant 1 : i32
        %jit3A_400 = arith.constant 0 : i32
        %broadcast_in_dim3A_401 = vector.broadcast %jit3A_399 : i32 to vector<16xi32>
        %broadcast_in_dim3A_402 = vector.broadcast %jit3A_400 : i32 to vector<16xi32>
        %select_n3A_403 = arith.select %and3A_389, %broadcast_in_dim3A_401, %broadcast_in_dim3A_402 : vector<16xi1>, vector<16xi32>
        %reduce_sum3A_404 = arith.constant true
        %reduce_sum3A_405 = vector.broadcast %reduce_sum3A_404 : i1 to vector<16xi1>
        %reduce_sum3A_406 = tpu.scan <sum>, %select_n3A_403 masked %reduce_sum3A_405 : vector<16xi32>, vector<16xi1> -> vector<16xi32>
        %reduce_sum3A_407 = vector.extract %reduce_sum3A_406[15] : i32 from vector<16xi32>
        %add3A_408 = arith.addi %add3A_374, %reduce_sum3A_407 : i32
        %mul3A_409 = arith.constant 128 : i32
        %mul3A_410 = arith.muli %scan3A_207, %mul3A_409 : i32
        %add3A_411 = arith.constant 96 : i32
        %add3A_412 = arith.addi %mul3A_410, %add3A_411 : i32
        %get3A_413 = arith.index_cast %add3A_412 : i32 to index
        %get3A_414 = tpu.vector_load %arg6[%get3A_413] {strides = array<i32>} : memref<6400xi32, #tpu.memory_space<vmem>>, vector<16xi32>,
        %sub3A_415 = vector.broadcast %mul3A_2 : i32 to vector<16xi32>
        %sub3A_416 = arith.subi %get3A_414, %sub3A_415 : vector<16xi32>
        %ge3A_417 = arith.constant 0 : i32
        %ge3A_418 = vector.broadcast %ge3A_417 : i32 to vector<16xi32>
        %ge3A_419 = arith.cmpi sge, %sub3A_416, %ge3A_418 : vector<16xi32>
        %lt3A_420 = arith.constant 320 : i32
        %lt3A_421 = vector.broadcast %lt3A_420 : i32 to vector<16xi32>
        %lt3A_422 = arith.cmpi slt, %sub3A_416, %lt3A_421 : vector<16xi32>
        %and3A_423 = arith.andi %ge3A_419, %lt3A_422 : vector<16xi1>
        %shift_left3A_424 = arith.constant 19 : i32
        %shift_left3A_425 = vector.broadcast %shift_left3A_424 : i32 to vector<16xi32>
        %shift_left3A_426 = arith.shli %sub3A_416, %shift_left3A_425 : vector<16xi32>
        %add3A_427 = arith.addi %mul3A_210, %add3A_412 : i32
        %add3A_428 = vector.broadcast %add3A_427 : i32 to vector<16xi32>
        %add3A_429 = arith.addi %add3A_428, %iota3A : vector<16xi32>
        %or3A_430 = arith.ori %shift_left3A_426, %add3A_429 : vector<16xi32>
        %swap3A_431 = arith.index_cast %add3A_408 : i32 to index
        %swap3A_432 = tpu.vector_load %arg9[%swap3A_431] masked %and3A_423 {strides = array<i32>} : memref<256xi32, #tpu.memory_space<vmem>>, vector<16xi32>, vector<16xi1>
        tpu.vector_store %arg9[%swap3A_431], %or3A_430 masked %and3A_423 {strides = array<i32>} : memref<256xi32, #tpu.memory_space<vmem>>, vector<16xi32>, vector<16xi1>
        %jit3A_433 = arith.constant 1 : i32
        %jit3A_434 = arith.constant 0 : i32
        %broadcast_in_dim3A_435 = vector.broadcast %jit3A_433 : i32 to vector<16xi32>
        %broadcast_in_dim3A_436 = vector.broadcast %jit3A_434 : i32 to vector<16xi32>
        %select_n3A_437 = arith.select %and3A_423, %broadcast_in_dim3A_435, %broadcast_in_dim3A_436 : vector<16xi1>, vector<16xi32>
        %reduce_sum3A_438 = arith.constant true
        %reduce_sum3A_439 = vector.broadcast %reduce_sum3A_438 : i1 to vector<16xi1>
        %reduce_sum3A_440 = tpu.scan <sum>, %select_n3A_437 masked %reduce_sum3A_439 : vector<16xi32>, vector<16xi1> -> vector<16xi32>
        %reduce_sum3A_441 = vector.extract %reduce_sum3A_440[15] : i32 from vector<16xi32>
        %add3A_442 = arith.addi %add3A_408, %reduce_sum3A_441 : i32
        %mul3A_443 = arith.constant 128 : i32
        %mul3A_444 = arith.muli %scan3A_207, %mul3A_443 : i32
        %add3A_445 = arith.constant 112 : i32
        %add3A_446 = arith.addi %mul3A_444, %add3A_445 : i32
        %get3A_447 = arith.index_cast %add3A_446 : i32 to index
        %get3A_448 = tpu.vector_load %arg6[%get3A_447] {strides = array<i32>} : memref<6400xi32, #tpu.memory_space<vmem>>, vector<16xi32>,
        %sub3A_449 = vector.broadcast %mul3A_2 : i32 to vector<16xi32>
        %sub3A_450 = arith.subi %get3A_448, %sub3A_449 : vector<16xi32>
        %ge3A_451 = arith.constant 0 : i32
        %ge3A_452 = vector.broadcast %ge3A_451 : i32 to vector<16xi32>
        %ge3A_453 = arith.cmpi sge, %sub3A_450, %ge3A_452 : vector<16xi32>
        %lt3A_454 = arith.constant 320 : i32
        %lt3A_455 = vector.broadcast %lt3A_454 : i32 to vector<16xi32>
        %lt3A_456 = arith.cmpi slt, %sub3A_450, %lt3A_455 : vector<16xi32>
        %and3A_457 = arith.andi %ge3A_453, %lt3A_456 : vector<16xi1>
        %shift_left3A_458 = arith.constant 19 : i32
        %shift_left3A_459 = vector.broadcast %shift_left3A_458 : i32 to vector<16xi32>
        %shift_left3A_460 = arith.shli %sub3A_450, %shift_left3A_459 : vector<16xi32>
        %add3A_461 = arith.addi %mul3A_210, %add3A_446 : i32
        %add3A_462 = vector.broadcast %add3A_461 : i32 to vector<16xi32>
        %add3A_463 = arith.addi %add3A_462, %iota3A : vector<16xi32>
        %or3A_464 = arith.ori %shift_left3A_460, %add3A_463 : vector<16xi32>
        %swap3A_465 = arith.index_cast %add3A_442 : i32 to index
        %swap3A_466 = tpu.vector_load %arg9[%swap3A_465] masked %and3A_457 {strides = array<i32>} : memref<256xi32, #tpu.memory_space<vmem>>, vector<16xi32>, vector<16xi1>
        tpu.vector_store %arg9[%swap3A_465], %or3A_464 masked %and3A_457 {strides = array<i32>} : memref<256xi32, #tpu.memory_space<vmem>>, vector<16xi32>, vector<16xi1>
        %jit3A_467 = arith.constant 1 : i32
        %jit3A_468 = arith.constant 0 : i32
        %broadcast_in_dim3A_469 = vector.broadcast %jit3A_467 : i32 to vector<16xi32>
        %broadcast_in_dim3A_470 = vector.broadcast %jit3A_468 : i32 to vector<16xi32>
        %select_n3A_471 = arith.select %and3A_457, %broadcast_in_dim3A_469, %broadcast_in_dim3A_470 : vector<16xi1>, vector<16xi32>
        %reduce_sum3A_472 = arith.constant true
        %reduce_sum3A_473 = vector.broadcast %reduce_sum3A_472 : i1 to vector<16xi1>
        %reduce_sum3A_474 = tpu.scan <sum>, %select_n3A_471 masked %reduce_sum3A_473 : vector<16xi32>, vector<16xi1> -> vector<16xi32>
        %reduce_sum3A_475 = vector.extract %reduce_sum3A_474[15] : i32 from vector<16xi32>
        %add3A_476 = arith.addi %add3A_442, %reduce_sum3A_475 : i32
        %ge3A_477 = arith.constant 128 : i32
        %ge3A_478 = arith.cmpi sge, %add3A_476, %ge3A_477 : i32
        %convert_element_type3A_479 = arith.extui %ge3A_478 : i1 to i32
        %cond3A_480 = arith.constant 0 : i32
        %cond3A_481 = arith.cmpi ne, %convert_element_type3A_479, %cond3A_480 : i32
        %cond3A_482 = scf.if %cond3A_481 -> (i32) {
          %get3A_483 = arith.constant 0 : index
          %get3A_484 = tpu.vector_load %arg9[%get3A_483] {strides = array<i32>} : memref<256xi32, #tpu.memory_space<vmem>>, vector<16xi32>,
          %and3A_485 = arith.constant 524287 : i32
          %and3A_486 = vector.broadcast %and3A_485 : i32 to vector<16xi32>
          %and3A_487 = arith.andi %get3A_484, %and3A_486 : vector<16xi32>
          %swap3A_488 = arith.constant 0 : index
          %swap3A_489 = tpu.vector_load %arg10[%swap3A_488] {strides = array<i32>} : memref<128xi32, #tpu.memory_space<vmem>>, vector<16xi32>,
          tpu.vector_store %arg10[%swap3A_488], %and3A_487 {strides = array<i32>} : memref<128xi32, #tpu.memory_space<vmem>>, vector<16xi32>,
          %get3A_490 = arith.constant 16 : index
          %get3A_491 = tpu.vector_load %arg9[%get3A_490] {strides = array<i32>} : memref<256xi32, #tpu.memory_space<vmem>>, vector<16xi32>,
          %and3A_492 = arith.constant 524287 : i32
          %and3A_493 = vector.broadcast %and3A_492 : i32 to vector<16xi32>
          %and3A_494 = arith.andi %get3A_491, %and3A_493 : vector<16xi32>
          %swap3A_495 = arith.constant 16 : index
          %swap3A_496 = tpu.vector_load %arg10[%swap3A_495] {strides = array<i32>} : memref<128xi32, #tpu.memory_space<vmem>>, vector<16xi32>,
          tpu.vector_store %arg10[%swap3A_495], %and3A_494 {strides = array<i32>} : memref<128xi32, #tpu.memory_space<vmem>>, vector<16xi32>,
          %get3A_497 = arith.constant 32 : index
          %get3A_498 = tpu.vector_load %arg9[%get3A_497] {strides = array<i32>} : memref<256xi32, #tpu.memory_space<vmem>>, vector<16xi32>,
          %and3A_499 = arith.constant 524287 : i32
          %and3A_500 = vector.broadcast %and3A_499 : i32 to vector<16xi32>
          %and3A_501 = arith.andi %get3A_498, %and3A_500 : vector<16xi32>
          %swap3A_502 = arith.constant 32 : index
          %swap3A_503 = tpu.vector_load %arg10[%swap3A_502] {strides = array<i32>} : memref<128xi32, #tpu.memory_space<vmem>>, vector<16xi32>,
          tpu.vector_store %arg10[%swap3A_502], %and3A_501 {strides = array<i32>} : memref<128xi32, #tpu.memory_space<vmem>>, vector<16xi32>,
          %get3A_504 = arith.constant 48 : index
          %get3A_505 = tpu.vector_load %arg9[%get3A_504] {strides = array<i32>} : memref<256xi32, #tpu.memory_space<vmem>>, vector<16xi32>,
          %and3A_506 = arith.constant 524287 : i32
          %and3A_507 = vector.broadcast %and3A_506 : i32 to vector<16xi32>
          %and3A_508 = arith.andi %get3A_505, %and3A_507 : vector<16xi32>
          %swap3A_509 = arith.constant 48 : index
          %swap3A_510 = tpu.vector_load %arg10[%swap3A_509] {strides = array<i32>} : memref<128xi32, #tpu.memory_space<vmem>>, vector<16xi32>,
          tpu.vector_store %arg10[%swap3A_509], %and3A_508 {strides = array<i32>} : memref<128xi32, #tpu.memory_space<vmem>>, vector<16xi32>,
          %get3A_511 = arith.constant 64 : index
          %get3A_512 = tpu.vector_load %arg9[%get3A_511] {strides = array<i32>} : memref<256xi32, #tpu.memory_space<vmem>>, vector<16xi32>,
          %and3A_513 = arith.constant 524287 : i32
          %and3A_514 = vector.broadcast %and3A_513 : i32 to vector<16xi32>
          %and3A_515 = arith.andi %get3A_512, %and3A_514 : vector<16xi32>
          %swap3A_516 = arith.constant 64 : index
          %swap3A_517 = tpu.vector_load %arg10[%swap3A_516] {strides = array<i32>} : memref<128xi32, #tpu.memory_space<vmem>>, vector<16xi32>,
          tpu.vector_store %arg10[%swap3A_516], %and3A_515 {strides = array<i32>} : memref<128xi32, #tpu.memory_space<vmem>>, vector<16xi32>,
          %get3A_518 = arith.constant 80 : index
          %get3A_519 = tpu.vector_load %arg9[%get3A_518] {strides = array<i32>} : memref<256xi32, #tpu.memory_space<vmem>>, vector<16xi32>,
          %and3A_520 = arith.constant 524287 : i32
          %and3A_521 = vector.broadcast %and3A_520 : i32 to vector<16xi32>
          %and3A_522 = arith.andi %get3A_519, %and3A_521 : vector<16xi32>
          %swap3A_523 = arith.constant 80 : index
          %swap3A_524 = tpu.vector_load %arg10[%swap3A_523] {strides = array<i32>} : memref<128xi32, #tpu.memory_space<vmem>>, vector<16xi32>,
          tpu.vector_store %arg10[%swap3A_523], %and3A_522 {strides = array<i32>} : memref<128xi32, #tpu.memory_space<vmem>>, vector<16xi32>,
          %get3A_525 = arith.constant 96 : index
          %get3A_526 = tpu.vector_load %arg9[%get3A_525] {strides = array<i32>} : memref<256xi32, #tpu.memory_space<vmem>>, vector<16xi32>,
          %and3A_527 = arith.constant 524287 : i32
          %and3A_528 = vector.broadcast %and3A_527 : i32 to vector<16xi32>
          %and3A_529 = arith.andi %get3A_526, %and3A_528 : vector<16xi32>
          %swap3A_530 = arith.constant 96 : index
          %swap3A_531 = tpu.vector_load %arg10[%swap3A_530] {strides = array<i32>} : memref<128xi32, #tpu.memory_space<vmem>>, vector<16xi32>,
          tpu.vector_store %arg10[%swap3A_530], %and3A_529 {strides = array<i32>} : memref<128xi32, #tpu.memory_space<vmem>>, vector<16xi32>,
          %get3A_532 = arith.constant 112 : index
          %get3A_533 = tpu.vector_load %arg9[%get3A_532] {strides = array<i32>} : memref<256xi32, #tpu.memory_space<vmem>>, vector<16xi32>,
          %and3A_534 = arith.constant 524287 : i32
          %and3A_535 = vector.broadcast %and3A_534 : i32 to vector<16xi32>
          %and3A_536 = arith.andi %get3A_533, %and3A_535 : vector<16xi32>
          %swap3A_537 = arith.constant 112 : index
          %swap3A_538 = tpu.vector_load %arg10[%swap3A_537] {strides = array<i32>} : memref<128xi32, #tpu.memory_space<vmem>>, vector<16xi32>,
          tpu.vector_store %arg10[%swap3A_537], %and3A_536 {strides = array<i32>} : memref<128xi32, #tpu.memory_space<vmem>>, vector<16xi32>,
          %dma_start3A_539 = arith.constant 0 : i32
          %dma_start3A_540 = arith.constant 0 : i32
          %dma_start3A_541 = tpu.memref_slice %arg2[%dma_start3A_539, %dma_start3A_540] : memref<320000x128xf32, #tpu.memory_space<hbm>> -> memref<320000x128xf32, #tpu.memory_space<hbm>>
          tpu.enqueue_indirect_dma source(%dma_start3A_541 : memref<320000x128xf32, #tpu.memory_space<hbm>>) target(%arg8 : memref<128x128xf32, #tpu.memory_space<vmem>>) offsets(%arg10 : memref<128xi32, #tpu.memory_space<vmem>>) semaphore(%arg13 : memref<!tpu.dma_semaphore, #tpu.memory_space<semaphore_mem>>)
          %dma_wait3A_542 = arith.constant 0 : i32
          %dma_wait3A_543 = arith.constant 0 : i32
          %dma_wait3A_544 = tpu.memref_slice %arg2[%dma_wait3A_542, %dma_wait3A_543] : memref<320000x128xf32, #tpu.memory_space<hbm>> -> memref<320000x128xf32, #tpu.memory_space<hbm>>
          tpu.wait_indirect_dma semaphore(%arg13 : memref<!tpu.dma_semaphore, #tpu.memory_space<semaphore_mem>>) src(%dma_wait3A_544 : memref<320000x128xf32, #tpu.memory_space<hbm>>) dst(%arg8 : memref<128x128xf32, #tpu.memory_space<vmem>>)
          %scan3A_545 = arith.constant 0 : i32
          %scan3A_546 = arith.constant 0 : i32
          %scan3A_547 = arith.constant 128 : i32
          %scan3A_548 = arith.addi %scan3A_546, %scan3A_547 : i32
          %scan3A_549 = arith.constant 1 : i32
          scf.for %scan3A_585 = %scan3A_546 to %scan3A_548 step %scan3A_549  : i32 {
            %broadcast_in_dim3A_586 = arith.constant 0 : i32
            %broadcast_in_dim3A_587 = vector.broadcast %broadcast_in_dim3A_586 : i32 to vector<16xi32>
            %add3A_588 = vector.broadcast %scan3A_585 : i32 to vector<16xi32>
            %add3A_589 = arith.addi %broadcast_in_dim3A_587, %add3A_588 : vector<16xi32>
            %gather3A = tpu.vector_load_idx %arg9[%add3A_589] : memref<256xi32, #tpu.memory_space<vmem>>[vector<16xi32>], vector<16xi32>,
            %shift_right_arithmetic3A = arith.constant 19 : i32
            %shift_right_arithmetic3A_590 = vector.broadcast %shift_right_arithmetic3A : i32 to vector<16xi32>
            %shift_right_arithmetic3A_591 = arith.shrsi %gather3A, %shift_right_arithmetic3A_590 : vector<16xi32>
            %mul3A_592 = arith.constant 128 : i32
            %mul3A_593 = vector.broadcast %mul3A_592 : i32 to vector<16xi32>
            %mul3A_594 = arith.muli %shift_right_arithmetic3A_591, %mul3A_593 : vector<16xi32>
            %add3A_595 = arith.addi %mul3A_594, %iota3A : vector<16xi32>
            %get3A_596 = arith.index_cast %scan3A_585 : i32 to index
            %get3A_597 = arith.constant 0 : index
            %get3A_598 = tpu.vector_load %arg8[%get3A_596, %get3A_597] {strides = array<i32>} : memref<128x128xf32, #tpu.memory_space<vmem>>, vector<16xf32>,
            %add3A_599 = arith.constant 0 : i32
            %add3A_600 = vector.broadcast %add3A_599 : i32 to vector<16xi32>
            %add3A_601 = arith.addi %add3A_595, %add3A_600 : vector<16xi32>
            tpu.vector_store_idx %arg11[%add3A_601], %get3A_598 {add = true} : memref<40960xf32, #tpu.memory_space<vmem>>[vector<16xi32>], vector<16xf32>,
            %get3A_602 = arith.index_cast %scan3A_585 : i32 to index
            %get3A_603 = arith.constant 16 : index
            %get3A_604 = tpu.vector_load %arg8[%get3A_602, %get3A_603] {strides = array<i32>} : memref<128x128xf32, #tpu.memory_space<vmem>>, vector<16xf32>,
            %add3A_605 = arith.constant 16 : i32
            %add3A_606 = vector.broadcast %add3A_605 : i32 to vector<16xi32>
            %add3A_607 = arith.addi %add3A_595, %add3A_606 : vector<16xi32>
            tpu.vector_store_idx %arg11[%add3A_607], %get3A_604 {add = true} : memref<40960xf32, #tpu.memory_space<vmem>>[vector<16xi32>], vector<16xf32>,
            %get3A_608 = arith.index_cast %scan3A_585 : i32 to index
            %get3A_609 = arith.constant 32 : index
            %get3A_610 = tpu.vector_load %arg8[%get3A_608, %get3A_609] {strides = array<i32>} : memref<128x128xf32, #tpu.memory_space<vmem>>, vector<16xf32>,
            %add3A_611 = arith.constant 32 : i32
            %add3A_612 = vector.broadcast %add3A_611 : i32 to vector<16xi32>
            %add3A_613 = arith.addi %add3A_595, %add3A_612 : vector<16xi32>
            tpu.vector_store_idx %arg11[%add3A_613], %get3A_610 {add = true} : memref<40960xf32, #tpu.memory_space<vmem>>[vector<16xi32>], vector<16xf32>,
            %get3A_614 = arith.index_cast %scan3A_585 : i32 to index
            %get3A_615 = arith.constant 48 : index
            %get3A_616 = tpu.vector_load %arg8[%get3A_614, %get3A_615] {strides = array<i32>} : memref<128x128xf32, #tpu.memory_space<vmem>>, vector<16xf32>,
            %add3A_617 = arith.constant 48 : i32
            %add3A_618 = vector.broadcast %add3A_617 : i32 to vector<16xi32>
            %add3A_619 = arith.addi %add3A_595, %add3A_618 : vector<16xi32>
            tpu.vector_store_idx %arg11[%add3A_619], %get3A_616 {add = true} : memref<40960xf32, #tpu.memory_space<vmem>>[vector<16xi32>], vector<16xf32>,
            %get3A_620 = arith.index_cast %scan3A_585 : i32 to index
            %get3A_621 = arith.constant 64 : index
            %get3A_622 = tpu.vector_load %arg8[%get3A_620, %get3A_621] {strides = array<i32>} : memref<128x128xf32, #tpu.memory_space<vmem>>, vector<16xf32>,
            %add3A_623 = arith.constant 64 : i32
            %add3A_624 = vector.broadcast %add3A_623 : i32 to vector<16xi32>
            %add3A_625 = arith.addi %add3A_595, %add3A_624 : vector<16xi32>
            tpu.vector_store_idx %arg11[%add3A_625], %get3A_622 {add = true} : memref<40960xf32, #tpu.memory_space<vmem>>[vector<16xi32>], vector<16xf32>,
            %get3A_626 = arith.index_cast %scan3A_585 : i32 to index
            %get3A_627 = arith.constant 80 : index
            %get3A_628 = tpu.vector_load %arg8[%get3A_626, %get3A_627] {strides = array<i32>} : memref<128x128xf32, #tpu.memory_space<vmem>>, vector<16xf32>,
            %add3A_629 = arith.constant 80 : i32
            %add3A_630 = vector.broadcast %add3A_629 : i32 to vector<16xi32>
            %add3A_631 = arith.addi %add3A_595, %add3A_630 : vector<16xi32>
            tpu.vector_store_idx %arg11[%add3A_631], %get3A_628 {add = true} : memref<40960xf32, #tpu.memory_space<vmem>>[vector<16xi32>], vector<16xf32>,
            %get3A_632 = arith.index_cast %scan3A_585 : i32 to index
            %get3A_633 = arith.constant 96 : index
            %get3A_634 = tpu.vector_load %arg8[%get3A_632, %get3A_633] {strides = array<i32>} : memref<128x128xf32, #tpu.memory_space<vmem>>, vector<16xf32>,
            %add3A_635 = arith.constant 96 : i32
            %add3A_636 = vector.broadcast %add3A_635 : i32 to vector<16xi32>
            %add3A_637 = arith.addi %add3A_595, %add3A_636 : vector<16xi32>
            tpu.vector_store_idx %arg11[%add3A_637], %get3A_634 {add = true} : memref<40960xf32, #tpu.memory_space<vmem>>[vector<16xi32>], vector<16xf32>,
            %get3A_638 = arith.index_cast %scan3A_585 : i32 to index
            %get3A_639 = arith.constant 112 : index
            %get3A_640 = tpu.vector_load %arg8[%get3A_638, %get3A_639] {strides = array<i32>} : memref<128x128xf32, #tpu.memory_space<vmem>>, vector<16xf32>,
            %add3A_641 = arith.constant 112 : i32
            %add3A_642 = vector.broadcast %add3A_641 : i32 to vector<16xi32>
            %add3A_643 = arith.addi %add3A_595, %add3A_642 : vector<16xi32>
            tpu.vector_store_idx %arg11[%add3A_643], %get3A_640 {add = true} : memref<40960xf32, #tpu.memory_space<vmem>>[vector<16xi32>], vector<16xf32>,
            %mul3A_644 = arith.constant 16 : i32
            %mul3A_645 = vector.broadcast %mul3A_644 : i32 to vector<16xi32>
            %mul3A_646 = arith.muli %shift_right_arithmetic3A_591, %mul3A_645 : vector<16xi32>
            %add3A_647 = arith.addi %mul3A_646, %iota3A : vector<16xi32>
            tpu.vector_store_idx %arg12[%add3A_647], %broadcast_in_dim3A_5 masked %eq3A_9 {add = true} : memref<5120xf32, #tpu.memory_space<vmem>>[vector<16xi32>], vector<16xf32>, vector<16xi1>
          }
          %scan3A_550 = arith.constant 128 : i32
          %get3A_551 = arith.constant 128 : index
          %get3A_552 = tpu.vector_load %arg9[%get3A_551] {strides = array<i32>} : memref<256xi32, #tpu.memory_space<vmem>>, vector<16xi32>,
          %swap3A_553 = arith.constant 0 : index
          %swap3A_554 = tpu.vector_load %arg9[%swap3A_553] {strides = array<i32>} : memref<256xi32, #tpu.memory_space<vmem>>, vector<16xi32>,
          tpu.vector_store %arg9[%swap3A_553], %get3A_552 {strides = array<i32>} : memref<256xi32, #tpu.memory_space<vmem>>, vector<16xi32>,
          %get3A_555 = arith.constant 144 : index
          %get3A_556 = tpu.vector_load %arg9[%get3A_555] {strides = array<i32>} : memref<256xi32, #tpu.memory_space<vmem>>, vector<16xi32>,
          %swap3A_557 = arith.constant 16 : index
          %swap3A_558 = tpu.vector_load %arg9[%swap3A_557] {strides = array<i32>} : memref<256xi32, #tpu.memory_space<vmem>>, vector<16xi32>,
          tpu.vector_store %arg9[%swap3A_557], %get3A_556 {strides = array<i32>} : memref<256xi32, #tpu.memory_space<vmem>>, vector<16xi32>,
          %get3A_559 = arith.constant 160 : index
          %get3A_560 = tpu.vector_load %arg9[%get3A_559] {strides = array<i32>} : memref<256xi32, #tpu.memory_space<vmem>>, vector<16xi32>,
          %swap3A_561 = arith.constant 32 : index
          %swap3A_562 = tpu.vector_load %arg9[%swap3A_561] {strides = array<i32>} : memref<256xi32, #tpu.memory_space<vmem>>, vector<16xi32>,
          tpu.vector_store %arg9[%swap3A_561], %get3A_560 {strides = array<i32>} : memref<256xi32, #tpu.memory_space<vmem>>, vector<16xi32>,
          %get3A_563 = arith.constant 176 : index
          %get3A_564 = tpu.vector_load %arg9[%get3A_563] {strides = array<i32>} : memref<256xi32, #tpu.memory_space<vmem>>, vector<16xi32>,
          %swap3A_565 = arith.constant 48 : index
          %swap3A_566 = tpu.vector_load %arg9[%swap3A_565] {strides = array<i32>} : memref<256xi32, #tpu.memory_space<vmem>>, vector<16xi32>,
          tpu.vector_store %arg9[%swap3A_565], %get3A_564 {strides = array<i32>} : memref<256xi32, #tpu.memory_space<vmem>>, vector<16xi32>,
          %get3A_567 = arith.constant 192 : index
          %get3A_568 = tpu.vector_load %arg9[%get3A_567] {strides = array<i32>} : memref<256xi32, #tpu.memory_space<vmem>>, vector<16xi32>,
          %swap3A_569 = arith.constant 64 : index
          %swap3A_570 = tpu.vector_load %arg9[%swap3A_569] {strides = array<i32>} : memref<256xi32, #tpu.memory_space<vmem>>, vector<16xi32>,
          tpu.vector_store %arg9[%swap3A_569], %get3A_568 {strides = array<i32>} : memref<256xi32, #tpu.memory_space<vmem>>, vector<16xi32>,
          %get3A_571 = arith.constant 208 : index
          %get3A_572 = tpu.vector_load %arg9[%get3A_571] {strides = array<i32>} : memref<256xi32, #tpu.memory_space<vmem>>, vector<16xi32>,
          %swap3A_573 = arith.constant 80 : index
          %swap3A_574 = tpu.vector_load %arg9[%swap3A_573] {strides = array<i32>} : memref<256xi32, #tpu.memory_space<vmem>>, vector<16xi32>,
          tpu.vector_store %arg9[%swap3A_573], %get3A_572 {strides = array<i32>} : memref<256xi32, #tpu.memory_space<vmem>>, vector<16xi32>,
          %get3A_575 = arith.constant 224 : index
          %get3A_576 = tpu.vector_load %arg9[%get3A_575] {strides = array<i32>} : memref<256xi32, #tpu.memory_space<vmem>>, vector<16xi32>,
          %swap3A_577 = arith.constant 96 : index
          %swap3A_578 = tpu.vector_load %arg9[%swap3A_577] {strides = array<i32>} : memref<256xi32, #tpu.memory_space<vmem>>, vector<16xi32>,
          tpu.vector_store %arg9[%swap3A_577], %get3A_576 {strides = array<i32>} : memref<256xi32, #tpu.memory_space<vmem>>, vector<16xi32>,
          %get3A_579 = arith.constant 240 : index
          %get3A_580 = tpu.vector_load %arg9[%get3A_579] {strides = array<i32>} : memref<256xi32, #tpu.memory_space<vmem>>, vector<16xi32>,
          %swap3A_581 = arith.constant 112 : index
          %swap3A_582 = tpu.vector_load %arg9[%swap3A_581] {strides = array<i32>} : memref<256xi32, #tpu.memory_space<vmem>>, vector<16xi32>,
          tpu.vector_store %arg9[%swap3A_581], %get3A_580 {strides = array<i32>} : memref<256xi32, #tpu.memory_space<vmem>>, vector<16xi32>,
          %sub3A_583 = arith.constant 128 : i32
          %sub3A_584 = arith.subi %add3A_476, %sub3A_583 : i32
          scf.yield %sub3A_584 : i32
        } else {
          scf.yield %add3A_476 : i32
        }
        scf.yield %cond3A_482 : i32
      }
      %scan3A_183 = arith.constant 50 : i32
      %add3A_184 = arith.constant 2 : i32
      %add3A_185 = arith.addi %mul3A_173, %add3A_184 : i32
      %lt3A = arith.constant 50 : i32
      %lt3A_186 = arith.cmpi slt, %add3A_185, %lt3A : i32
      %convert_element_type3A = arith.extui %lt3A_186 : i1 to i32
      %cond3A = arith.constant 0 : i32
      %cond3A_187 = arith.cmpi ne, %convert_element_type3A, %cond3A : i32
      scf.if %cond3A_187 {
        %add3A_207 = arith.constant 2 : i32
        %add3A_208 = arith.addi %mul3A_173, %add3A_207 : i32
        %mul3A_209 = arith.constant 6400 : i32
        %mul3A_210 = arith.muli %add3A_208, %mul3A_209 : i32
        %dma_start3A_211 = tpu.memref_slice %arg3[%mul3A_210] : memref<320000xi32, #tpu.memory_space<hbm>> -> memref<6400xi32, #tpu.memory_space<hbm>>
        %dma_start3A_212 = tpu.memref_slice %arg3[%mul3A_210] : memref<320000xi32, #tpu.memory_space<hbm>> -> memref<6400xi32, #tpu.memory_space<hbm>>
        tpu.enqueue_dma source(%dma_start3A_212 : memref<6400xi32, #tpu.memory_space<hbm>>) target(%arg6 : memref<6400xi32, #tpu.memory_space<vmem>>) target_semaphore(%arg14 : memref<!tpu.dma_semaphore, #tpu.memory_space<semaphore_mem>>)
      } else {
      }
      %dma_wait3A_188 = arith.constant 0 : i32
      %dma_wait3A_189 = tpu.memref_slice %arg3[%dma_wait3A_188] : memref<320000xi32, #tpu.memory_space<hbm>> -> memref<6400xi32, #tpu.memory_space<hbm>>
      %dma_wait3A_190 = arith.constant 0 : i32
      %dma_wait3A_191 = tpu.memref_slice %arg3[%dma_wait3A_190] : memref<320000xi32, #tpu.memory_space<hbm>> -> memref<6400xi32, #tpu.memory_space<hbm>>
      tpu.wait_dma2 semaphore(%arg15 : memref<!tpu.dma_semaphore, #tpu.memory_space<semaphore_mem>>) src(%dma_wait3A_191 : memref<6400xi32, #tpu.memory_space<hbm>>) dst(%arg7 : memref<6400xi32, #tpu.memory_space<vmem>>)
      %add3A_192 = arith.constant 1 : i32
      %add3A_193 = arith.addi %mul3A_173, %add3A_192 : i32
      %scan3A_194 = arith.constant 0 : i32
      %scan3A_195 = arith.constant 50 : i32
      %scan3A_196 = arith.addi %scan3A_194, %scan3A_195 : i32
      %scan3A_197 = arith.constant 1 : i32
      %scan3A_198 = scf.for %scan3A_207 = %scan3A_194 to %scan3A_196 step %scan3A_197 iter_args(%scan3A_208 = %scan3A_182) -> (i32)  : i32 {
        %mul3A_209 = arith.constant 6400 : i32
        %mul3A_210 = arith.muli %add3A_193, %mul3A_209 : i32
        %mul3A_211 = arith.constant 128 : i32
        %mul3A_212 = arith.muli %scan3A_207, %mul3A_211 : i32
        %add3A_213 = arith.constant 0 : i32
        %add3A_214 = arith.addi %mul3A_212, %add3A_213 : i32
        %get3A_215 = arith.index_cast %add3A_214 : i32 to index
        %get3A_216 = tpu.vector_load %arg7[%get3A_215] {strides = array<i32>} : memref<6400xi32, #tpu.memory_space<vmem>>, vector<16xi32>,
        %sub3A_217 = vector.broadcast %mul3A_2 : i32 to vector<16xi32>
        %sub3A_218 = arith.subi %get3A_216, %sub3A_217 : vector<16xi32>
        %ge3A = arith.constant 0 : i32
        %ge3A_219 = vector.broadcast %ge3A : i32 to vector<16xi32>
        %ge3A_220 = arith.cmpi sge, %sub3A_218, %ge3A_219 : vector<16xi32>
        %lt3A_221 = arith.constant 320 : i32
        %lt3A_222 = vector.broadcast %lt3A_221 : i32 to vector<16xi32>
        %lt3A_223 = arith.cmpi slt, %sub3A_218, %lt3A_222 : vector<16xi32>
        %and3A_224 = arith.andi %ge3A_220, %lt3A_223 : vector<16xi1>
        %shift_left3A = arith.constant 19 : i32
        %shift_left3A_225 = vector.broadcast %shift_left3A : i32 to vector<16xi32>
        %shift_left3A_226 = arith.shli %sub3A_218, %shift_left3A_225 : vector<16xi32>
        %add3A_227 = arith.addi %mul3A_210, %add3A_214 : i32
        %add3A_228 = vector.broadcast %add3A_227 : i32 to vector<16xi32>
        %add3A_229 = arith.addi %add3A_228, %iota3A : vector<16xi32>
        %or3A = arith.ori %shift_left3A_226, %add3A_229 : vector<16xi32>
        %swap3A_230 = arith.index_cast %scan3A_208 : i32 to index
        %swap3A_231 = tpu.vector_load %arg9[%swap3A_230] masked %and3A_224 {strides = array<i32>} : memref<256xi32, #tpu.memory_space<vmem>>, vector<16xi32>, vector<16xi1>
        tpu.vector_store %arg9[%swap3A_230], %or3A masked %and3A_224 {strides = array<i32>} : memref<256xi32, #tpu.memory_space<vmem>>, vector<16xi32>, vector<16xi1>
        %jit3A = arith.constant 1 : i32
        %jit3A_232 = arith.constant 0 : i32
        %broadcast_in_dim3A_233 = vector.broadcast %jit3A : i32 to vector<16xi32>
        %broadcast_in_dim3A_234 = vector.broadcast %jit3A_232 : i32 to vector<16xi32>
        %select_n3A = arith.select %and3A_224, %broadcast_in_dim3A_233, %broadcast_in_dim3A_234 : vector<16xi1>, vector<16xi32>
        %reduce_sum3A = arith.constant true
        %reduce_sum3A_235 = vector.broadcast %reduce_sum3A : i1 to vector<16xi1>
        %reduce_sum3A_236 = tpu.scan <sum>, %select_n3A masked %reduce_sum3A_235 : vector<16xi32>, vector<16xi1> -> vector<16xi32>
        %reduce_sum3A_237 = vector.extract %reduce_sum3A_236[15] : i32 from vector<16xi32>
        %add3A_238 = arith.addi %scan3A_208, %reduce_sum3A_237 : i32
        %mul3A_239 = arith.constant 128 : i32
        %mul3A_240 = arith.muli %scan3A_207, %mul3A_239 : i32
        %add3A_241 = arith.constant 16 : i32
        %add3A_242 = arith.addi %mul3A_240, %add3A_241 : i32
        %get3A_243 = arith.index_cast %add3A_242 : i32 to index
        %get3A_244 = tpu.vector_load %arg7[%get3A_243] {strides = array<i32>} : memref<6400xi32, #tpu.memory_space<vmem>>, vector<16xi32>,
        %sub3A_245 = vector.broadcast %mul3A_2 : i32 to vector<16xi32>
        %sub3A_246 = arith.subi %get3A_244, %sub3A_245 : vector<16xi32>
        %ge3A_247 = arith.constant 0 : i32
        %ge3A_248 = vector.broadcast %ge3A_247 : i32 to vector<16xi32>
        %ge3A_249 = arith.cmpi sge, %sub3A_246, %ge3A_248 : vector<16xi32>
        %lt3A_250 = arith.constant 320 : i32
        %lt3A_251 = vector.broadcast %lt3A_250 : i32 to vector<16xi32>
        %lt3A_252 = arith.cmpi slt, %sub3A_246, %lt3A_251 : vector<16xi32>
        %and3A_253 = arith.andi %ge3A_249, %lt3A_252 : vector<16xi1>
        %shift_left3A_254 = arith.constant 19 : i32
        %shift_left3A_255 = vector.broadcast %shift_left3A_254 : i32 to vector<16xi32>
        %shift_left3A_256 = arith.shli %sub3A_246, %shift_left3A_255 : vector<16xi32>
        %add3A_257 = arith.addi %mul3A_210, %add3A_242 : i32
        %add3A_258 = vector.broadcast %add3A_257 : i32 to vector<16xi32>
        %add3A_259 = arith.addi %add3A_258, %iota3A : vector<16xi32>
        %or3A_260 = arith.ori %shift_left3A_256, %add3A_259 : vector<16xi32>
        %swap3A_261 = arith.index_cast %add3A_238 : i32 to index
        %swap3A_262 = tpu.vector_load %arg9[%swap3A_261] masked %and3A_253 {strides = array<i32>} : memref<256xi32, #tpu.memory_space<vmem>>, vector<16xi32>, vector<16xi1>
        tpu.vector_store %arg9[%swap3A_261], %or3A_260 masked %and3A_253 {strides = array<i32>} : memref<256xi32, #tpu.memory_space<vmem>>, vector<16xi32>, vector<16xi1>
        %jit3A_263 = arith.constant 1 : i32
        %jit3A_264 = arith.constant 0 : i32
        %broadcast_in_dim3A_265 = vector.broadcast %jit3A_263 : i32 to vector<16xi32>
        %broadcast_in_dim3A_266 = vector.broadcast %jit3A_264 : i32 to vector<16xi32>
        %select_n3A_267 = arith.select %and3A_253, %broadcast_in_dim3A_265, %broadcast_in_dim3A_266 : vector<16xi1>, vector<16xi32>
        %reduce_sum3A_268 = arith.constant true
        %reduce_sum3A_269 = vector.broadcast %reduce_sum3A_268 : i1 to vector<16xi1>
        %reduce_sum3A_270 = tpu.scan <sum>, %select_n3A_267 masked %reduce_sum3A_269 : vector<16xi32>, vector<16xi1> -> vector<16xi32>
        %reduce_sum3A_271 = vector.extract %reduce_sum3A_270[15] : i32 from vector<16xi32>
        %add3A_272 = arith.addi %add3A_238, %reduce_sum3A_271 : i32
        %mul3A_273 = arith.constant 128 : i32
        %mul3A_274 = arith.muli %scan3A_207, %mul3A_273 : i32
        %add3A_275 = arith.constant 32 : i32
        %add3A_276 = arith.addi %mul3A_274, %add3A_275 : i32
        %get3A_277 = arith.index_cast %add3A_276 : i32 to index
        %get3A_278 = tpu.vector_load %arg7[%get3A_277] {strides = array<i32>} : memref<6400xi32, #tpu.memory_space<vmem>>, vector<16xi32>,
        %sub3A_279 = vector.broadcast %mul3A_2 : i32 to vector<16xi32>
        %sub3A_280 = arith.subi %get3A_278, %sub3A_279 : vector<16xi32>
        %ge3A_281 = arith.constant 0 : i32
        %ge3A_282 = vector.broadcast %ge3A_281 : i32 to vector<16xi32>
        %ge3A_283 = arith.cmpi sge, %sub3A_280, %ge3A_282 : vector<16xi32>
        %lt3A_284 = arith.constant 320 : i32
        %lt3A_285 = vector.broadcast %lt3A_284 : i32 to vector<16xi32>
        %lt3A_286 = arith.cmpi slt, %sub3A_280, %lt3A_285 : vector<16xi32>
        %and3A_287 = arith.andi %ge3A_283, %lt3A_286 : vector<16xi1>
        %shift_left3A_288 = arith.constant 19 : i32
        %shift_left3A_289 = vector.broadcast %shift_left3A_288 : i32 to vector<16xi32>
        %shift_left3A_290 = arith.shli %sub3A_280, %shift_left3A_289 : vector<16xi32>
        %add3A_291 = arith.addi %mul3A_210, %add3A_276 : i32
        %add3A_292 = vector.broadcast %add3A_291 : i32 to vector<16xi32>
        %add3A_293 = arith.addi %add3A_292, %iota3A : vector<16xi32>
        %or3A_294 = arith.ori %shift_left3A_290, %add3A_293 : vector<16xi32>
        %swap3A_295 = arith.index_cast %add3A_272 : i32 to index
        %swap3A_296 = tpu.vector_load %arg9[%swap3A_295] masked %and3A_287 {strides = array<i32>} : memref<256xi32, #tpu.memory_space<vmem>>, vector<16xi32>, vector<16xi1>
        tpu.vector_store %arg9[%swap3A_295], %or3A_294 masked %and3A_287 {strides = array<i32>} : memref<256xi32, #tpu.memory_space<vmem>>, vector<16xi32>, vector<16xi1>
        %jit3A_297 = arith.constant 1 : i32
        %jit3A_298 = arith.constant 0 : i32
        %broadcast_in_dim3A_299 = vector.broadcast %jit3A_297 : i32 to vector<16xi32>
        %broadcast_in_dim3A_300 = vector.broadcast %jit3A_298 : i32 to vector<16xi32>
        %select_n3A_301 = arith.select %and3A_287, %broadcast_in_dim3A_299, %broadcast_in_dim3A_300 : vector<16xi1>, vector<16xi32>
        %reduce_sum3A_302 = arith.constant true
        %reduce_sum3A_303 = vector.broadcast %reduce_sum3A_302 : i1 to vector<16xi1>
        %reduce_sum3A_304 = tpu.scan <sum>, %select_n3A_301 masked %reduce_sum3A_303 : vector<16xi32>, vector<16xi1> -> vector<16xi32>
        %reduce_sum3A_305 = vector.extract %reduce_sum3A_304[15] : i32 from vector<16xi32>
        %add3A_306 = arith.addi %add3A_272, %reduce_sum3A_305 : i32
        %mul3A_307 = arith.constant 128 : i32
        %mul3A_308 = arith.muli %scan3A_207, %mul3A_307 : i32
        %add3A_309 = arith.constant 48 : i32
        %add3A_310 = arith.addi %mul3A_308, %add3A_309 : i32
        %get3A_311 = arith.index_cast %add3A_310 : i32 to index
        %get3A_312 = tpu.vector_load %arg7[%get3A_311] {strides = array<i32>} : memref<6400xi32, #tpu.memory_space<vmem>>, vector<16xi32>,
        %sub3A_313 = vector.broadcast %mul3A_2 : i32 to vector<16xi32>
        %sub3A_314 = arith.subi %get3A_312, %sub3A_313 : vector<16xi32>
        %ge3A_315 = arith.constant 0 : i32
        %ge3A_316 = vector.broadcast %ge3A_315 : i32 to vector<16xi32>
        %ge3A_317 = arith.cmpi sge, %sub3A_314, %ge3A_316 : vector<16xi32>
        %lt3A_318 = arith.constant 320 : i32
        %lt3A_319 = vector.broadcast %lt3A_318 : i32 to vector<16xi32>
        %lt3A_320 = arith.cmpi slt, %sub3A_314, %lt3A_319 : vector<16xi32>
        %and3A_321 = arith.andi %ge3A_317, %lt3A_320 : vector<16xi1>
        %shift_left3A_322 = arith.constant 19 : i32
        %shift_left3A_323 = vector.broadcast %shift_left3A_322 : i32 to vector<16xi32>
        %shift_left3A_324 = arith.shli %sub3A_314, %shift_left3A_323 : vector<16xi32>
        %add3A_325 = arith.addi %mul3A_210, %add3A_310 : i32
        %add3A_326 = vector.broadcast %add3A_325 : i32 to vector<16xi32>
        %add3A_327 = arith.addi %add3A_326, %iota3A : vector<16xi32>
        %or3A_328 = arith.ori %shift_left3A_324, %add3A_327 : vector<16xi32>
        %swap3A_329 = arith.index_cast %add3A_306 : i32 to index
        %swap3A_330 = tpu.vector_load %arg9[%swap3A_329] masked %and3A_321 {strides = array<i32>} : memref<256xi32, #tpu.memory_space<vmem>>, vector<16xi32>, vector<16xi1>
        tpu.vector_store %arg9[%swap3A_329], %or3A_328 masked %and3A_321 {strides = array<i32>} : memref<256xi32, #tpu.memory_space<vmem>>, vector<16xi32>, vector<16xi1>
        %jit3A_331 = arith.constant 1 : i32
        %jit3A_332 = arith.constant 0 : i32
        %broadcast_in_dim3A_333 = vector.broadcast %jit3A_331 : i32 to vector<16xi32>
        %broadcast_in_dim3A_334 = vector.broadcast %jit3A_332 : i32 to vector<16xi32>
        %select_n3A_335 = arith.select %and3A_321, %broadcast_in_dim3A_333, %broadcast_in_dim3A_334 : vector<16xi1>, vector<16xi32>
        %reduce_sum3A_336 = arith.constant true
        %reduce_sum3A_337 = vector.broadcast %reduce_sum3A_336 : i1 to vector<16xi1>
        %reduce_sum3A_338 = tpu.scan <sum>, %select_n3A_335 masked %reduce_sum3A_337 : vector<16xi32>, vector<16xi1> -> vector<16xi32>
        %reduce_sum3A_339 = vector.extract %reduce_sum3A_338[15] : i32 from vector<16xi32>
        %add3A_340 = arith.addi %add3A_306, %reduce_sum3A_339 : i32
        %mul3A_341 = arith.constant 128 : i32
        %mul3A_342 = arith.muli %scan3A_207, %mul3A_341 : i32
        %add3A_343 = arith.constant 64 : i32
        %add3A_344 = arith.addi %mul3A_342, %add3A_343 : i32
        %get3A_345 = arith.index_cast %add3A_344 : i32 to index
        %get3A_346 = tpu.vector_load %arg7[%get3A_345] {strides = array<i32>} : memref<6400xi32, #tpu.memory_space<vmem>>, vector<16xi32>,
        %sub3A_347 = vector.broadcast %mul3A_2 : i32 to vector<16xi32>
        %sub3A_348 = arith.subi %get3A_346, %sub3A_347 : vector<16xi32>
        %ge3A_349 = arith.constant 0 : i32
        %ge3A_350 = vector.broadcast %ge3A_349 : i32 to vector<16xi32>
        %ge3A_351 = arith.cmpi sge, %sub3A_348, %ge3A_350 : vector<16xi32>
        %lt3A_352 = arith.constant 320 : i32
        %lt3A_353 = vector.broadcast %lt3A_352 : i32 to vector<16xi32>
        %lt3A_354 = arith.cmpi slt, %sub3A_348, %lt3A_353 : vector<16xi32>
        %and3A_355 = arith.andi %ge3A_351, %lt3A_354 : vector<16xi1>
        %shift_left3A_356 = arith.constant 19 : i32
        %shift_left3A_357 = vector.broadcast %shift_left3A_356 : i32 to vector<16xi32>
        %shift_left3A_358 = arith.shli %sub3A_348, %shift_left3A_357 : vector<16xi32>
        %add3A_359 = arith.addi %mul3A_210, %add3A_344 : i32
        %add3A_360 = vector.broadcast %add3A_359 : i32 to vector<16xi32>
        %add3A_361 = arith.addi %add3A_360, %iota3A : vector<16xi32>
        %or3A_362 = arith.ori %shift_left3A_358, %add3A_361 : vector<16xi32>
        %swap3A_363 = arith.index_cast %add3A_340 : i32 to index
        %swap3A_364 = tpu.vector_load %arg9[%swap3A_363] masked %and3A_355 {strides = array<i32>} : memref<256xi32, #tpu.memory_space<vmem>>, vector<16xi32>, vector<16xi1>
        tpu.vector_store %arg9[%swap3A_363], %or3A_362 masked %and3A_355 {strides = array<i32>} : memref<256xi32, #tpu.memory_space<vmem>>, vector<16xi32>, vector<16xi1>
        %jit3A_365 = arith.constant 1 : i32
        %jit3A_366 = arith.constant 0 : i32
        %broadcast_in_dim3A_367 = vector.broadcast %jit3A_365 : i32 to vector<16xi32>
        %broadcast_in_dim3A_368 = vector.broadcast %jit3A_366 : i32 to vector<16xi32>
        %select_n3A_369 = arith.select %and3A_355, %broadcast_in_dim3A_367, %broadcast_in_dim3A_368 : vector<16xi1>, vector<16xi32>
        %reduce_sum3A_370 = arith.constant true
        %reduce_sum3A_371 = vector.broadcast %reduce_sum3A_370 : i1 to vector<16xi1>
        %reduce_sum3A_372 = tpu.scan <sum>, %select_n3A_369 masked %reduce_sum3A_371 : vector<16xi32>, vector<16xi1> -> vector<16xi32>
        %reduce_sum3A_373 = vector.extract %reduce_sum3A_372[15] : i32 from vector<16xi32>
        %add3A_374 = arith.addi %add3A_340, %reduce_sum3A_373 : i32
        %mul3A_375 = arith.constant 128 : i32
        %mul3A_376 = arith.muli %scan3A_207, %mul3A_375 : i32
        %add3A_377 = arith.constant 80 : i32
        %add3A_378 = arith.addi %mul3A_376, %add3A_377 : i32
        %get3A_379 = arith.index_cast %add3A_378 : i32 to index
        %get3A_380 = tpu.vector_load %arg7[%get3A_379] {strides = array<i32>} : memref<6400xi32, #tpu.memory_space<vmem>>, vector<16xi32>,
        %sub3A_381 = vector.broadcast %mul3A_2 : i32 to vector<16xi32>
        %sub3A_382 = arith.subi %get3A_380, %sub3A_381 : vector<16xi32>
        %ge3A_383 = arith.constant 0 : i32
        %ge3A_384 = vector.broadcast %ge3A_383 : i32 to vector<16xi32>
        %ge3A_385 = arith.cmpi sge, %sub3A_382, %ge3A_384 : vector<16xi32>
        %lt3A_386 = arith.constant 320 : i32
        %lt3A_387 = vector.broadcast %lt3A_386 : i32 to vector<16xi32>
        %lt3A_388 = arith.cmpi slt, %sub3A_382, %lt3A_387 : vector<16xi32>
        %and3A_389 = arith.andi %ge3A_385, %lt3A_388 : vector<16xi1>
        %shift_left3A_390 = arith.constant 19 : i32
        %shift_left3A_391 = vector.broadcast %shift_left3A_390 : i32 to vector<16xi32>
        %shift_left3A_392 = arith.shli %sub3A_382, %shift_left3A_391 : vector<16xi32>
        %add3A_393 = arith.addi %mul3A_210, %add3A_378 : i32
        %add3A_394 = vector.broadcast %add3A_393 : i32 to vector<16xi32>
        %add3A_395 = arith.addi %add3A_394, %iota3A : vector<16xi32>
        %or3A_396 = arith.ori %shift_left3A_392, %add3A_395 : vector<16xi32>
        %swap3A_397 = arith.index_cast %add3A_374 : i32 to index
        %swap3A_398 = tpu.vector_load %arg9[%swap3A_397] masked %and3A_389 {strides = array<i32>} : memref<256xi32, #tpu.memory_space<vmem>>, vector<16xi32>, vector<16xi1>
        tpu.vector_store %arg9[%swap3A_397], %or3A_396 masked %and3A_389 {strides = array<i32>} : memref<256xi32, #tpu.memory_space<vmem>>, vector<16xi32>, vector<16xi1>
        %jit3A_399 = arith.constant 1 : i32
        %jit3A_400 = arith.constant 0 : i32
        %broadcast_in_dim3A_401 = vector.broadcast %jit3A_399 : i32 to vector<16xi32>
        %broadcast_in_dim3A_402 = vector.broadcast %jit3A_400 : i32 to vector<16xi32>
        %select_n3A_403 = arith.select %and3A_389, %broadcast_in_dim3A_401, %broadcast_in_dim3A_402 : vector<16xi1>, vector<16xi32>
        %reduce_sum3A_404 = arith.constant true
        %reduce_sum3A_405 = vector.broadcast %reduce_sum3A_404 : i1 to vector<16xi1>
        %reduce_sum3A_406 = tpu.scan <sum>, %select_n3A_403 masked %reduce_sum3A_405 : vector<16xi32>, vector<16xi1> -> vector<16xi32>
        %reduce_sum3A_407 = vector.extract %reduce_sum3A_406[15] : i32 from vector<16xi32>
        %add3A_408 = arith.addi %add3A_374, %reduce_sum3A_407 : i32
        %mul3A_409 = arith.constant 128 : i32
        %mul3A_410 = arith.muli %scan3A_207, %mul3A_409 : i32
        %add3A_411 = arith.constant 96 : i32
        %add3A_412 = arith.addi %mul3A_410, %add3A_411 : i32
        %get3A_413 = arith.index_cast %add3A_412 : i32 to index
        %get3A_414 = tpu.vector_load %arg7[%get3A_413] {strides = array<i32>} : memref<6400xi32, #tpu.memory_space<vmem>>, vector<16xi32>,
        %sub3A_415 = vector.broadcast %mul3A_2 : i32 to vector<16xi32>
        %sub3A_416 = arith.subi %get3A_414, %sub3A_415 : vector<16xi32>
        %ge3A_417 = arith.constant 0 : i32
        %ge3A_418 = vector.broadcast %ge3A_417 : i32 to vector<16xi32>
        %ge3A_419 = arith.cmpi sge, %sub3A_416, %ge3A_418 : vector<16xi32>
        %lt3A_420 = arith.constant 320 : i32
        %lt3A_421 = vector.broadcast %lt3A_420 : i32 to vector<16xi32>
        %lt3A_422 = arith.cmpi slt, %sub3A_416, %lt3A_421 : vector<16xi32>
        %and3A_423 = arith.andi %ge3A_419, %lt3A_422 : vector<16xi1>
        %shift_left3A_424 = arith.constant 19 : i32
        %shift_left3A_425 = vector.broadcast %shift_left3A_424 : i32 to vector<16xi32>
        %shift_left3A_426 = arith.shli %sub3A_416, %shift_left3A_425 : vector<16xi32>
        %add3A_427 = arith.addi %mul3A_210, %add3A_412 : i32
        %add3A_428 = vector.broadcast %add3A_427 : i32 to vector<16xi32>
        %add3A_429 = arith.addi %add3A_428, %iota3A : vector<16xi32>
        %or3A_430 = arith.ori %shift_left3A_426, %add3A_429 : vector<16xi32>
        %swap3A_431 = arith.index_cast %add3A_408 : i32 to index
        %swap3A_432 = tpu.vector_load %arg9[%swap3A_431] masked %and3A_423 {strides = array<i32>} : memref<256xi32, #tpu.memory_space<vmem>>, vector<16xi32>, vector<16xi1>
        tpu.vector_store %arg9[%swap3A_431], %or3A_430 masked %and3A_423 {strides = array<i32>} : memref<256xi32, #tpu.memory_space<vmem>>, vector<16xi32>, vector<16xi1>
        %jit3A_433 = arith.constant 1 : i32
        %jit3A_434 = arith.constant 0 : i32
        %broadcast_in_dim3A_435 = vector.broadcast %jit3A_433 : i32 to vector<16xi32>
        %broadcast_in_dim3A_436 = vector.broadcast %jit3A_434 : i32 to vector<16xi32>
        %select_n3A_437 = arith.select %and3A_423, %broadcast_in_dim3A_435, %broadcast_in_dim3A_436 : vector<16xi1>, vector<16xi32>
        %reduce_sum3A_438 = arith.constant true
        %reduce_sum3A_439 = vector.broadcast %reduce_sum3A_438 : i1 to vector<16xi1>
        %reduce_sum3A_440 = tpu.scan <sum>, %select_n3A_437 masked %reduce_sum3A_439 : vector<16xi32>, vector<16xi1> -> vector<16xi32>
        %reduce_sum3A_441 = vector.extract %reduce_sum3A_440[15] : i32 from vector<16xi32>
        %add3A_442 = arith.addi %add3A_408, %reduce_sum3A_441 : i32
        %mul3A_443 = arith.constant 128 : i32
        %mul3A_444 = arith.muli %scan3A_207, %mul3A_443 : i32
        %add3A_445 = arith.constant 112 : i32
        %add3A_446 = arith.addi %mul3A_444, %add3A_445 : i32
        %get3A_447 = arith.index_cast %add3A_446 : i32 to index
        %get3A_448 = tpu.vector_load %arg7[%get3A_447] {strides = array<i32>} : memref<6400xi32, #tpu.memory_space<vmem>>, vector<16xi32>,
        %sub3A_449 = vector.broadcast %mul3A_2 : i32 to vector<16xi32>
        %sub3A_450 = arith.subi %get3A_448, %sub3A_449 : vector<16xi32>
        %ge3A_451 = arith.constant 0 : i32
        %ge3A_452 = vector.broadcast %ge3A_451 : i32 to vector<16xi32>
        %ge3A_453 = arith.cmpi sge, %sub3A_450, %ge3A_452 : vector<16xi32>
        %lt3A_454 = arith.constant 320 : i32
        %lt3A_455 = vector.broadcast %lt3A_454 : i32 to vector<16xi32>
        %lt3A_456 = arith.cmpi slt, %sub3A_450, %lt3A_455 : vector<16xi32>
        %and3A_457 = arith.andi %ge3A_453, %lt3A_456 : vector<16xi1>
        %shift_left3A_458 = arith.constant 19 : i32
        %shift_left3A_459 = vector.broadcast %shift_left3A_458 : i32 to vector<16xi32>
        %shift_left3A_460 = arith.shli %sub3A_450, %shift_left3A_459 : vector<16xi32>
        %add3A_461 = arith.addi %mul3A_210, %add3A_446 : i32
        %add3A_462 = vector.broadcast %add3A_461 : i32 to vector<16xi32>
        %add3A_463 = arith.addi %add3A_462, %iota3A : vector<16xi32>
        %or3A_464 = arith.ori %shift_left3A_460, %add3A_463 : vector<16xi32>
        %swap3A_465 = arith.index_cast %add3A_442 : i32 to index
        %swap3A_466 = tpu.vector_load %arg9[%swap3A_465] masked %and3A_457 {strides = array<i32>} : memref<256xi32, #tpu.memory_space<vmem>>, vector<16xi32>, vector<16xi1>
        tpu.vector_store %arg9[%swap3A_465], %or3A_464 masked %and3A_457 {strides = array<i32>} : memref<256xi32, #tpu.memory_space<vmem>>, vector<16xi32>, vector<16xi1>
        %jit3A_467 = arith.constant 1 : i32
        %jit3A_468 = arith.constant 0 : i32
        %broadcast_in_dim3A_469 = vector.broadcast %jit3A_467 : i32 to vector<16xi32>
        %broadcast_in_dim3A_470 = vector.broadcast %jit3A_468 : i32 to vector<16xi32>
        %select_n3A_471 = arith.select %and3A_457, %broadcast_in_dim3A_469, %broadcast_in_dim3A_470 : vector<16xi1>, vector<16xi32>
        %reduce_sum3A_472 = arith.constant true
        %reduce_sum3A_473 = vector.broadcast %reduce_sum3A_472 : i1 to vector<16xi1>
        %reduce_sum3A_474 = tpu.scan <sum>, %select_n3A_471 masked %reduce_sum3A_473 : vector<16xi32>, vector<16xi1> -> vector<16xi32>
        %reduce_sum3A_475 = vector.extract %reduce_sum3A_474[15] : i32 from vector<16xi32>
        %add3A_476 = arith.addi %add3A_442, %reduce_sum3A_475 : i32
        %ge3A_477 = arith.constant 128 : i32
        %ge3A_478 = arith.cmpi sge, %add3A_476, %ge3A_477 : i32
        %convert_element_type3A_479 = arith.extui %ge3A_478 : i1 to i32
        %cond3A_480 = arith.constant 0 : i32
        %cond3A_481 = arith.cmpi ne, %convert_element_type3A_479, %cond3A_480 : i32
        %cond3A_482 = scf.if %cond3A_481 -> (i32) {
          %get3A_483 = arith.constant 0 : index
          %get3A_484 = tpu.vector_load %arg9[%get3A_483] {strides = array<i32>} : memref<256xi32, #tpu.memory_space<vmem>>, vector<16xi32>,
          %and3A_485 = arith.constant 524287 : i32
          %and3A_486 = vector.broadcast %and3A_485 : i32 to vector<16xi32>
          %and3A_487 = arith.andi %get3A_484, %and3A_486 : vector<16xi32>
          %swap3A_488 = arith.constant 0 : index
          %swap3A_489 = tpu.vector_load %arg10[%swap3A_488] {strides = array<i32>} : memref<128xi32, #tpu.memory_space<vmem>>, vector<16xi32>,
          tpu.vector_store %arg10[%swap3A_488], %and3A_487 {strides = array<i32>} : memref<128xi32, #tpu.memory_space<vmem>>, vector<16xi32>,
          %get3A_490 = arith.constant 16 : index
          %get3A_491 = tpu.vector_load %arg9[%get3A_490] {strides = array<i32>} : memref<256xi32, #tpu.memory_space<vmem>>, vector<16xi32>,
          %and3A_492 = arith.constant 524287 : i32
          %and3A_493 = vector.broadcast %and3A_492 : i32 to vector<16xi32>
          %and3A_494 = arith.andi %get3A_491, %and3A_493 : vector<16xi32>
          %swap3A_495 = arith.constant 16 : index
          %swap3A_496 = tpu.vector_load %arg10[%swap3A_495] {strides = array<i32>} : memref<128xi32, #tpu.memory_space<vmem>>, vector<16xi32>,
          tpu.vector_store %arg10[%swap3A_495], %and3A_494 {strides = array<i32>} : memref<128xi32, #tpu.memory_space<vmem>>, vector<16xi32>,
          %get3A_497 = arith.constant 32 : index
          %get3A_498 = tpu.vector_load %arg9[%get3A_497] {strides = array<i32>} : memref<256xi32, #tpu.memory_space<vmem>>, vector<16xi32>,
          %and3A_499 = arith.constant 524287 : i32
          %and3A_500 = vector.broadcast %and3A_499 : i32 to vector<16xi32>
          %and3A_501 = arith.andi %get3A_498, %and3A_500 : vector<16xi32>
          %swap3A_502 = arith.constant 32 : index
          %swap3A_503 = tpu.vector_load %arg10[%swap3A_502] {strides = array<i32>} : memref<128xi32, #tpu.memory_space<vmem>>, vector<16xi32>,
          tpu.vector_store %arg10[%swap3A_502], %and3A_501 {strides = array<i32>} : memref<128xi32, #tpu.memory_space<vmem>>, vector<16xi32>,
          %get3A_504 = arith.constant 48 : index
          %get3A_505 = tpu.vector_load %arg9[%get3A_504] {strides = array<i32>} : memref<256xi32, #tpu.memory_space<vmem>>, vector<16xi32>,
          %and3A_506 = arith.constant 524287 : i32
          %and3A_507 = vector.broadcast %and3A_506 : i32 to vector<16xi32>
          %and3A_508 = arith.andi %get3A_505, %and3A_507 : vector<16xi32>
          %swap3A_509 = arith.constant 48 : index
          %swap3A_510 = tpu.vector_load %arg10[%swap3A_509] {strides = array<i32>} : memref<128xi32, #tpu.memory_space<vmem>>, vector<16xi32>,
          tpu.vector_store %arg10[%swap3A_509], %and3A_508 {strides = array<i32>} : memref<128xi32, #tpu.memory_space<vmem>>, vector<16xi32>,
          %get3A_511 = arith.constant 64 : index
          %get3A_512 = tpu.vector_load %arg9[%get3A_511] {strides = array<i32>} : memref<256xi32, #tpu.memory_space<vmem>>, vector<16xi32>,
          %and3A_513 = arith.constant 524287 : i32
          %and3A_514 = vector.broadcast %and3A_513 : i32 to vector<16xi32>
          %and3A_515 = arith.andi %get3A_512, %and3A_514 : vector<16xi32>
          %swap3A_516 = arith.constant 64 : index
          %swap3A_517 = tpu.vector_load %arg10[%swap3A_516] {strides = array<i32>} : memref<128xi32, #tpu.memory_space<vmem>>, vector<16xi32>,
          tpu.vector_store %arg10[%swap3A_516], %and3A_515 {strides = array<i32>} : memref<128xi32, #tpu.memory_space<vmem>>, vector<16xi32>,
          %get3A_518 = arith.constant 80 : index
          %get3A_519 = tpu.vector_load %arg9[%get3A_518] {strides = array<i32>} : memref<256xi32, #tpu.memory_space<vmem>>, vector<16xi32>,
          %and3A_520 = arith.constant 524287 : i32
          %and3A_521 = vector.broadcast %and3A_520 : i32 to vector<16xi32>
          %and3A_522 = arith.andi %get3A_519, %and3A_521 : vector<16xi32>
          %swap3A_523 = arith.constant 80 : index
          %swap3A_524 = tpu.vector_load %arg10[%swap3A_523] {strides = array<i32>} : memref<128xi32, #tpu.memory_space<vmem>>, vector<16xi32>,
          tpu.vector_store %arg10[%swap3A_523], %and3A_522 {strides = array<i32>} : memref<128xi32, #tpu.memory_space<vmem>>, vector<16xi32>,
          %get3A_525 = arith.constant 96 : index
          %get3A_526 = tpu.vector_load %arg9[%get3A_525] {strides = array<i32>} : memref<256xi32, #tpu.memory_space<vmem>>, vector<16xi32>,
          %and3A_527 = arith.constant 524287 : i32
          %and3A_528 = vector.broadcast %and3A_527 : i32 to vector<16xi32>
          %and3A_529 = arith.andi %get3A_526, %and3A_528 : vector<16xi32>
          %swap3A_530 = arith.constant 96 : index
          %swap3A_531 = tpu.vector_load %arg10[%swap3A_530] {strides = array<i32>} : memref<128xi32, #tpu.memory_space<vmem>>, vector<16xi32>,
          tpu.vector_store %arg10[%swap3A_530], %and3A_529 {strides = array<i32>} : memref<128xi32, #tpu.memory_space<vmem>>, vector<16xi32>,
          %get3A_532 = arith.constant 112 : index
          %get3A_533 = tpu.vector_load %arg9[%get3A_532] {strides = array<i32>} : memref<256xi32, #tpu.memory_space<vmem>>, vector<16xi32>,
          %and3A_534 = arith.constant 524287 : i32
          %and3A_535 = vector.broadcast %and3A_534 : i32 to vector<16xi32>
          %and3A_536 = arith.andi %get3A_533, %and3A_535 : vector<16xi32>
          %swap3A_537 = arith.constant 112 : index
          %swap3A_538 = tpu.vector_load %arg10[%swap3A_537] {strides = array<i32>} : memref<128xi32, #tpu.memory_space<vmem>>, vector<16xi32>,
          tpu.vector_store %arg10[%swap3A_537], %and3A_536 {strides = array<i32>} : memref<128xi32, #tpu.memory_space<vmem>>, vector<16xi32>,
          %dma_start3A_539 = arith.constant 0 : i32
          %dma_start3A_540 = arith.constant 0 : i32
          %dma_start3A_541 = tpu.memref_slice %arg2[%dma_start3A_539, %dma_start3A_540] : memref<320000x128xf32, #tpu.memory_space<hbm>> -> memref<320000x128xf32, #tpu.memory_space<hbm>>
          tpu.enqueue_indirect_dma source(%dma_start3A_541 : memref<320000x128xf32, #tpu.memory_space<hbm>>) target(%arg8 : memref<128x128xf32, #tpu.memory_space<vmem>>) offsets(%arg10 : memref<128xi32, #tpu.memory_space<vmem>>) semaphore(%arg13 : memref<!tpu.dma_semaphore, #tpu.memory_space<semaphore_mem>>)
          %dma_wait3A_542 = arith.constant 0 : i32
          %dma_wait3A_543 = arith.constant 0 : i32
          %dma_wait3A_544 = tpu.memref_slice %arg2[%dma_wait3A_542, %dma_wait3A_543] : memref<320000x128xf32, #tpu.memory_space<hbm>> -> memref<320000x128xf32, #tpu.memory_space<hbm>>
          tpu.wait_indirect_dma semaphore(%arg13 : memref<!tpu.dma_semaphore, #tpu.memory_space<semaphore_mem>>) src(%dma_wait3A_544 : memref<320000x128xf32, #tpu.memory_space<hbm>>) dst(%arg8 : memref<128x128xf32, #tpu.memory_space<vmem>>)
          %scan3A_545 = arith.constant 0 : i32
          %scan3A_546 = arith.constant 0 : i32
          %scan3A_547 = arith.constant 128 : i32
          %scan3A_548 = arith.addi %scan3A_546, %scan3A_547 : i32
          %scan3A_549 = arith.constant 1 : i32
          scf.for %scan3A_585 = %scan3A_546 to %scan3A_548 step %scan3A_549  : i32 {
            %broadcast_in_dim3A_586 = arith.constant 0 : i32
            %broadcast_in_dim3A_587 = vector.broadcast %broadcast_in_dim3A_586 : i32 to vector<16xi32>
            %add3A_588 = vector.broadcast %scan3A_585 : i32 to vector<16xi32>
            %add3A_589 = arith.addi %broadcast_in_dim3A_587, %add3A_588 : vector<16xi32>
            %gather3A = tpu.vector_load_idx %arg9[%add3A_589] : memref<256xi32, #tpu.memory_space<vmem>>[vector<16xi32>], vector<16xi32>,
            %shift_right_arithmetic3A = arith.constant 19 : i32
            %shift_right_arithmetic3A_590 = vector.broadcast %shift_right_arithmetic3A : i32 to vector<16xi32>
            %shift_right_arithmetic3A_591 = arith.shrsi %gather3A, %shift_right_arithmetic3A_590 : vector<16xi32>
            %mul3A_592 = arith.constant 128 : i32
            %mul3A_593 = vector.broadcast %mul3A_592 : i32 to vector<16xi32>
            %mul3A_594 = arith.muli %shift_right_arithmetic3A_591, %mul3A_593 : vector<16xi32>
            %add3A_595 = arith.addi %mul3A_594, %iota3A : vector<16xi32>
            %get3A_596 = arith.index_cast %scan3A_585 : i32 to index
            %get3A_597 = arith.constant 0 : index
            %get3A_598 = tpu.vector_load %arg8[%get3A_596, %get3A_597] {strides = array<i32>} : memref<128x128xf32, #tpu.memory_space<vmem>>, vector<16xf32>,
            %add3A_599 = arith.constant 0 : i32
            %add3A_600 = vector.broadcast %add3A_599 : i32 to vector<16xi32>
            %add3A_601 = arith.addi %add3A_595, %add3A_600 : vector<16xi32>
            tpu.vector_store_idx %arg11[%add3A_601], %get3A_598 {add = true} : memref<40960xf32, #tpu.memory_space<vmem>>[vector<16xi32>], vector<16xf32>,
            %get3A_602 = arith.index_cast %scan3A_585 : i32 to index
            %get3A_603 = arith.constant 16 : index
            %get3A_604 = tpu.vector_load %arg8[%get3A_602, %get3A_603] {strides = array<i32>} : memref<128x128xf32, #tpu.memory_space<vmem>>, vector<16xf32>,
            %add3A_605 = arith.constant 16 : i32
            %add3A_606 = vector.broadcast %add3A_605 : i32 to vector<16xi32>
            %add3A_607 = arith.addi %add3A_595, %add3A_606 : vector<16xi32>
            tpu.vector_store_idx %arg11[%add3A_607], %get3A_604 {add = true} : memref<40960xf32, #tpu.memory_space<vmem>>[vector<16xi32>], vector<16xf32>,
            %get3A_608 = arith.index_cast %scan3A_585 : i32 to index
            %get3A_609 = arith.constant 32 : index
            %get3A_610 = tpu.vector_load %arg8[%get3A_608, %get3A_609] {strides = array<i32>} : memref<128x128xf32, #tpu.memory_space<vmem>>, vector<16xf32>,
            %add3A_611 = arith.constant 32 : i32
            %add3A_612 = vector.broadcast %add3A_611 : i32 to vector<16xi32>
            %add3A_613 = arith.addi %add3A_595, %add3A_612 : vector<16xi32>
            tpu.vector_store_idx %arg11[%add3A_613], %get3A_610 {add = true} : memref<40960xf32, #tpu.memory_space<vmem>>[vector<16xi32>], vector<16xf32>,
            %get3A_614 = arith.index_cast %scan3A_585 : i32 to index
            %get3A_615 = arith.constant 48 : index
            %get3A_616 = tpu.vector_load %arg8[%get3A_614, %get3A_615] {strides = array<i32>} : memref<128x128xf32, #tpu.memory_space<vmem>>, vector<16xf32>,
            %add3A_617 = arith.constant 48 : i32
            %add3A_618 = vector.broadcast %add3A_617 : i32 to vector<16xi32>
            %add3A_619 = arith.addi %add3A_595, %add3A_618 : vector<16xi32>
            tpu.vector_store_idx %arg11[%add3A_619], %get3A_616 {add = true} : memref<40960xf32, #tpu.memory_space<vmem>>[vector<16xi32>], vector<16xf32>,
            %get3A_620 = arith.index_cast %scan3A_585 : i32 to index
            %get3A_621 = arith.constant 64 : index
            %get3A_622 = tpu.vector_load %arg8[%get3A_620, %get3A_621] {strides = array<i32>} : memref<128x128xf32, #tpu.memory_space<vmem>>, vector<16xf32>,
            %add3A_623 = arith.constant 64 : i32
            %add3A_624 = vector.broadcast %add3A_623 : i32 to vector<16xi32>
            %add3A_625 = arith.addi %add3A_595, %add3A_624 : vector<16xi32>
            tpu.vector_store_idx %arg11[%add3A_625], %get3A_622 {add = true} : memref<40960xf32, #tpu.memory_space<vmem>>[vector<16xi32>], vector<16xf32>,
            %get3A_626 = arith.index_cast %scan3A_585 : i32 to index
            %get3A_627 = arith.constant 80 : index
            %get3A_628 = tpu.vector_load %arg8[%get3A_626, %get3A_627] {strides = array<i32>} : memref<128x128xf32, #tpu.memory_space<vmem>>, vector<16xf32>,
            %add3A_629 = arith.constant 80 : i32
            %add3A_630 = vector.broadcast %add3A_629 : i32 to vector<16xi32>
            %add3A_631 = arith.addi %add3A_595, %add3A_630 : vector<16xi32>
            tpu.vector_store_idx %arg11[%add3A_631], %get3A_628 {add = true} : memref<40960xf32, #tpu.memory_space<vmem>>[vector<16xi32>], vector<16xf32>,
            %get3A_632 = arith.index_cast %scan3A_585 : i32 to index
            %get3A_633 = arith.constant 96 : index
            %get3A_634 = tpu.vector_load %arg8[%get3A_632, %get3A_633] {strides = array<i32>} : memref<128x128xf32, #tpu.memory_space<vmem>>, vector<16xf32>,
            %add3A_635 = arith.constant 96 : i32
            %add3A_636 = vector.broadcast %add3A_635 : i32 to vector<16xi32>
            %add3A_637 = arith.addi %add3A_595, %add3A_636 : vector<16xi32>
            tpu.vector_store_idx %arg11[%add3A_637], %get3A_634 {add = true} : memref<40960xf32, #tpu.memory_space<vmem>>[vector<16xi32>], vector<16xf32>,
            %get3A_638 = arith.index_cast %scan3A_585 : i32 to index
            %get3A_639 = arith.constant 112 : index
            %get3A_640 = tpu.vector_load %arg8[%get3A_638, %get3A_639] {strides = array<i32>} : memref<128x128xf32, #tpu.memory_space<vmem>>, vector<16xf32>,
            %add3A_641 = arith.constant 112 : i32
            %add3A_642 = vector.broadcast %add3A_641 : i32 to vector<16xi32>
            %add3A_643 = arith.addi %add3A_595, %add3A_642 : vector<16xi32>
            tpu.vector_store_idx %arg11[%add3A_643], %get3A_640 {add = true} : memref<40960xf32, #tpu.memory_space<vmem>>[vector<16xi32>], vector<16xf32>,
            %mul3A_644 = arith.constant 16 : i32
            %mul3A_645 = vector.broadcast %mul3A_644 : i32 to vector<16xi32>
            %mul3A_646 = arith.muli %shift_right_arithmetic3A_591, %mul3A_645 : vector<16xi32>
            %add3A_647 = arith.addi %mul3A_646, %iota3A : vector<16xi32>
            tpu.vector_store_idx %arg12[%add3A_647], %broadcast_in_dim3A_5 masked %eq3A_9 {add = true} : memref<5120xf32, #tpu.memory_space<vmem>>[vector<16xi32>], vector<16xf32>, vector<16xi1>
          }
          %scan3A_550 = arith.constant 128 : i32
          %get3A_551 = arith.constant 128 : index
          %get3A_552 = tpu.vector_load %arg9[%get3A_551] {strides = array<i32>} : memref<256xi32, #tpu.memory_space<vmem>>, vector<16xi32>,
          %swap3A_553 = arith.constant 0 : index
          %swap3A_554 = tpu.vector_load %arg9[%swap3A_553] {strides = array<i32>} : memref<256xi32, #tpu.memory_space<vmem>>, vector<16xi32>,
          tpu.vector_store %arg9[%swap3A_553], %get3A_552 {strides = array<i32>} : memref<256xi32, #tpu.memory_space<vmem>>, vector<16xi32>,
          %get3A_555 = arith.constant 144 : index
          %get3A_556 = tpu.vector_load %arg9[%get3A_555] {strides = array<i32>} : memref<256xi32, #tpu.memory_space<vmem>>, vector<16xi32>,
          %swap3A_557 = arith.constant 16 : index
          %swap3A_558 = tpu.vector_load %arg9[%swap3A_557] {strides = array<i32>} : memref<256xi32, #tpu.memory_space<vmem>>, vector<16xi32>,
          tpu.vector_store %arg9[%swap3A_557], %get3A_556 {strides = array<i32>} : memref<256xi32, #tpu.memory_space<vmem>>, vector<16xi32>,
          %get3A_559 = arith.constant 160 : index
          %get3A_560 = tpu.vector_load %arg9[%get3A_559] {strides = array<i32>} : memref<256xi32, #tpu.memory_space<vmem>>, vector<16xi32>,
          %swap3A_561 = arith.constant 32 : index
          %swap3A_562 = tpu.vector_load %arg9[%swap3A_561] {strides = array<i32>} : memref<256xi32, #tpu.memory_space<vmem>>, vector<16xi32>,
          tpu.vector_store %arg9[%swap3A_561], %get3A_560 {strides = array<i32>} : memref<256xi32, #tpu.memory_space<vmem>>, vector<16xi32>,
          %get3A_563 = arith.constant 176 : index
          %get3A_564 = tpu.vector_load %arg9[%get3A_563] {strides = array<i32>} : memref<256xi32, #tpu.memory_space<vmem>>, vector<16xi32>,
          %swap3A_565 = arith.constant 48 : index
          %swap3A_566 = tpu.vector_load %arg9[%swap3A_565] {strides = array<i32>} : memref<256xi32, #tpu.memory_space<vmem>>, vector<16xi32>,
          tpu.vector_store %arg9[%swap3A_565], %get3A_564 {strides = array<i32>} : memref<256xi32, #tpu.memory_space<vmem>>, vector<16xi32>,
          %get3A_567 = arith.constant 192 : index
          %get3A_568 = tpu.vector_load %arg9[%get3A_567] {strides = array<i32>} : memref<256xi32, #tpu.memory_space<vmem>>, vector<16xi32>,
          %swap3A_569 = arith.constant 64 : index
          %swap3A_570 = tpu.vector_load %arg9[%swap3A_569] {strides = array<i32>} : memref<256xi32, #tpu.memory_space<vmem>>, vector<16xi32>,
          tpu.vector_store %arg9[%swap3A_569], %get3A_568 {strides = array<i32>} : memref<256xi32, #tpu.memory_space<vmem>>, vector<16xi32>,
          %get3A_571 = arith.constant 208 : index
          %get3A_572 = tpu.vector_load %arg9[%get3A_571] {strides = array<i32>} : memref<256xi32, #tpu.memory_space<vmem>>, vector<16xi32>,
          %swap3A_573 = arith.constant 80 : index
          %swap3A_574 = tpu.vector_load %arg9[%swap3A_573] {strides = array<i32>} : memref<256xi32, #tpu.memory_space<vmem>>, vector<16xi32>,
          tpu.vector_store %arg9[%swap3A_573], %get3A_572 {strides = array<i32>} : memref<256xi32, #tpu.memory_space<vmem>>, vector<16xi32>,
          %get3A_575 = arith.constant 224 : index
          %get3A_576 = tpu.vector_load %arg9[%get3A_575] {strides = array<i32>} : memref<256xi32, #tpu.memory_space<vmem>>, vector<16xi32>,
          %swap3A_577 = arith.constant 96 : index
          %swap3A_578 = tpu.vector_load %arg9[%swap3A_577] {strides = array<i32>} : memref<256xi32, #tpu.memory_space<vmem>>, vector<16xi32>,
          tpu.vector_store %arg9[%swap3A_577], %get3A_576 {strides = array<i32>} : memref<256xi32, #tpu.memory_space<vmem>>, vector<16xi32>,
          %get3A_579 = arith.constant 240 : index
          %get3A_580 = tpu.vector_load %arg9[%get3A_579] {strides = array<i32>} : memref<256xi32, #tpu.memory_space<vmem>>, vector<16xi32>,
          %swap3A_581 = arith.constant 112 : index
          %swap3A_582 = tpu.vector_load %arg9[%swap3A_581] {strides = array<i32>} : memref<256xi32, #tpu.memory_space<vmem>>, vector<16xi32>,
          tpu.vector_store %arg9[%swap3A_581], %get3A_580 {strides = array<i32>} : memref<256xi32, #tpu.memory_space<vmem>>, vector<16xi32>,
          %sub3A_583 = arith.constant 128 : i32
          %sub3A_584 = arith.subi %add3A_476, %sub3A_583 : i32
          scf.yield %sub3A_584 : i32
        } else {
          scf.yield %add3A_476 : i32
        }
        scf.yield %cond3A_482 : i32
      }
      %scan3A_199 = arith.constant 50 : i32
      %add3A_200 = arith.constant 3 : i32
      %add3A_201 = arith.addi %mul3A_173, %add3A_200 : i32
      %lt3A_202 = arith.constant 50 : i32
      %lt3A_203 = arith.cmpi slt, %add3A_201, %lt3A_202 : i32
      %convert_element_type3A_204 = arith.extui %lt3A_203 : i1 to i32
      %cond3A_205 = arith.constant 0 : i32
      %cond3A_206 = arith.cmpi ne, %convert_element_type3A_204, %cond3A_205 : i32
      scf.if %cond3A_206 {
        %add3A_207 = arith.constant 3 : i32
        %add3A_208 = arith.addi %mul3A_173, %add3A_207 : i32
        %mul3A_209 = arith.constant 6400 : i32
        %mul3A_210 = arith.muli %add3A_208, %mul3A_209 : i32
        %dma_start3A_211 = tpu.memref_slice %arg3[%mul3A_210] : memref<320000xi32, #tpu.memory_space<hbm>> -> memref<6400xi32, #tpu.memory_space<hbm>>
        %dma_start3A_212 = tpu.memref_slice %arg3[%mul3A_210] : memref<320000xi32, #tpu.memory_space<hbm>> -> memref<6400xi32, #tpu.memory_space<hbm>>
        tpu.enqueue_dma source(%dma_start3A_212 : memref<6400xi32, #tpu.memory_space<hbm>>) target(%arg7 : memref<6400xi32, #tpu.memory_space<vmem>>) target_semaphore(%arg15 : memref<!tpu.dma_semaphore, #tpu.memory_space<semaphore_mem>>)
      } else {
      }
      scf.yield %scan3A_198 : i32
    }
    %scan3A_65 = arith.constant 25 : i32
    %get3A = arith.constant 0 : index
    %get3A_66 = tpu.vector_load %arg9[%get3A] {strides = array<i32>} : memref<256xi32, #tpu.memory_space<vmem>>, vector<16xi32>,
    %and3A = arith.constant 524287 : i32
    %and3A_67 = vector.broadcast %and3A : i32 to vector<16xi32>
    %and3A_68 = arith.andi %get3A_66, %and3A_67 : vector<16xi32>
    %swap3A_69 = arith.constant 0 : index
    %swap3A_70 = tpu.vector_load %arg10[%swap3A_69] {strides = array<i32>} : memref<128xi32, #tpu.memory_space<vmem>>, vector<16xi32>,
    tpu.vector_store %arg10[%swap3A_69], %and3A_68 {strides = array<i32>} : memref<128xi32, #tpu.memory_space<vmem>>, vector<16xi32>,
    %get3A_71 = arith.constant 16 : index
    %get3A_72 = tpu.vector_load %arg9[%get3A_71] {strides = array<i32>} : memref<256xi32, #tpu.memory_space<vmem>>, vector<16xi32>,
    %and3A_73 = arith.constant 524287 : i32
    %and3A_74 = vector.broadcast %and3A_73 : i32 to vector<16xi32>
    %and3A_75 = arith.andi %get3A_72, %and3A_74 : vector<16xi32>
    %swap3A_76 = arith.constant 16 : index
    %swap3A_77 = tpu.vector_load %arg10[%swap3A_76] {strides = array<i32>} : memref<128xi32, #tpu.memory_space<vmem>>, vector<16xi32>,
    tpu.vector_store %arg10[%swap3A_76], %and3A_75 {strides = array<i32>} : memref<128xi32, #tpu.memory_space<vmem>>, vector<16xi32>,
    %get3A_78 = arith.constant 32 : index
    %get3A_79 = tpu.vector_load %arg9[%get3A_78] {strides = array<i32>} : memref<256xi32, #tpu.memory_space<vmem>>, vector<16xi32>,
    %and3A_80 = arith.constant 524287 : i32
    %and3A_81 = vector.broadcast %and3A_80 : i32 to vector<16xi32>
    %and3A_82 = arith.andi %get3A_79, %and3A_81 : vector<16xi32>
    %swap3A_83 = arith.constant 32 : index
    %swap3A_84 = tpu.vector_load %arg10[%swap3A_83] {strides = array<i32>} : memref<128xi32, #tpu.memory_space<vmem>>, vector<16xi32>,
    tpu.vector_store %arg10[%swap3A_83], %and3A_82 {strides = array<i32>} : memref<128xi32, #tpu.memory_space<vmem>>, vector<16xi32>,
    %get3A_85 = arith.constant 48 : index
    %get3A_86 = tpu.vector_load %arg9[%get3A_85] {strides = array<i32>} : memref<256xi32, #tpu.memory_space<vmem>>, vector<16xi32>,
    %and3A_87 = arith.constant 524287 : i32
    %and3A_88 = vector.broadcast %and3A_87 : i32 to vector<16xi32>
    %and3A_89 = arith.andi %get3A_86, %and3A_88 : vector<16xi32>
    %swap3A_90 = arith.constant 48 : index
    %swap3A_91 = tpu.vector_load %arg10[%swap3A_90] {strides = array<i32>} : memref<128xi32, #tpu.memory_space<vmem>>, vector<16xi32>,
    tpu.vector_store %arg10[%swap3A_90], %and3A_89 {strides = array<i32>} : memref<128xi32, #tpu.memory_space<vmem>>, vector<16xi32>,
    %get3A_92 = arith.constant 64 : index
    %get3A_93 = tpu.vector_load %arg9[%get3A_92] {strides = array<i32>} : memref<256xi32, #tpu.memory_space<vmem>>, vector<16xi32>,
    %and3A_94 = arith.constant 524287 : i32
    %and3A_95 = vector.broadcast %and3A_94 : i32 to vector<16xi32>
    %and3A_96 = arith.andi %get3A_93, %and3A_95 : vector<16xi32>
    %swap3A_97 = arith.constant 64 : index
    %swap3A_98 = tpu.vector_load %arg10[%swap3A_97] {strides = array<i32>} : memref<128xi32, #tpu.memory_space<vmem>>, vector<16xi32>,
    tpu.vector_store %arg10[%swap3A_97], %and3A_96 {strides = array<i32>} : memref<128xi32, #tpu.memory_space<vmem>>, vector<16xi32>,
    %get3A_99 = arith.constant 80 : index
    %get3A_100 = tpu.vector_load %arg9[%get3A_99] {strides = array<i32>} : memref<256xi32, #tpu.memory_space<vmem>>, vector<16xi32>,
    %and3A_101 = arith.constant 524287 : i32
    %and3A_102 = vector.broadcast %and3A_101 : i32 to vector<16xi32>
    %and3A_103 = arith.andi %get3A_100, %and3A_102 : vector<16xi32>
    %swap3A_104 = arith.constant 80 : index
    %swap3A_105 = tpu.vector_load %arg10[%swap3A_104] {strides = array<i32>} : memref<128xi32, #tpu.memory_space<vmem>>, vector<16xi32>,
    tpu.vector_store %arg10[%swap3A_104], %and3A_103 {strides = array<i32>} : memref<128xi32, #tpu.memory_space<vmem>>, vector<16xi32>,
    %get3A_106 = arith.constant 96 : index
    %get3A_107 = tpu.vector_load %arg9[%get3A_106] {strides = array<i32>} : memref<256xi32, #tpu.memory_space<vmem>>, vector<16xi32>,
    %and3A_108 = arith.constant 524287 : i32
    %and3A_109 = vector.broadcast %and3A_108 : i32 to vector<16xi32>
    %and3A_110 = arith.andi %get3A_107, %and3A_109 : vector<16xi32>
    %swap3A_111 = arith.constant 96 : index
    %swap3A_112 = tpu.vector_load %arg10[%swap3A_111] {strides = array<i32>} : memref<128xi32, #tpu.memory_space<vmem>>, vector<16xi32>,
    tpu.vector_store %arg10[%swap3A_111], %and3A_110 {strides = array<i32>} : memref<128xi32, #tpu.memory_space<vmem>>, vector<16xi32>,
    %get3A_113 = arith.constant 112 : index
    %get3A_114 = tpu.vector_load %arg9[%get3A_113] {strides = array<i32>} : memref<256xi32, #tpu.memory_space<vmem>>, vector<16xi32>,
    %and3A_115 = arith.constant 524287 : i32
    %and3A_116 = vector.broadcast %and3A_115 : i32 to vector<16xi32>
    %and3A_117 = arith.andi %get3A_114, %and3A_116 : vector<16xi32>
    %swap3A_118 = arith.constant 112 : index
    %swap3A_119 = tpu.vector_load %arg10[%swap3A_118] {strides = array<i32>} : memref<128xi32, #tpu.memory_space<vmem>>, vector<16xi32>,
    tpu.vector_store %arg10[%swap3A_118], %and3A_117 {strides = array<i32>} : memref<128xi32, #tpu.memory_space<vmem>>, vector<16xi32>,
    %dma_start3A_120 = arith.constant 0 : i32
    %dma_start3A_121 = arith.constant 0 : i32
    %dma_start3A_122 = tpu.memref_slice %arg2[%dma_start3A_120, %dma_start3A_121] : memref<320000x128xf32, #tpu.memory_space<hbm>> -> memref<320000x128xf32, #tpu.memory_space<hbm>>
    tpu.enqueue_indirect_dma source(%dma_start3A_122 : memref<320000x128xf32, #tpu.memory_space<hbm>>) target(%arg8 : memref<128x128xf32, #tpu.memory_space<vmem>>) offsets(%arg10 : memref<128xi32, #tpu.memory_space<vmem>>) semaphore(%arg13 : memref<!tpu.dma_semaphore, #tpu.memory_space<semaphore_mem>>)
    %dma_wait3A = arith.constant 0 : i32
    %dma_wait3A_123 = arith.constant 0 : i32
    %dma_wait3A_124 = tpu.memref_slice %arg2[%dma_wait3A, %dma_wait3A_123] : memref<320000x128xf32, #tpu.memory_space<hbm>> -> memref<320000x128xf32, #tpu.memory_space<hbm>>
    tpu.wait_indirect_dma semaphore(%arg13 : memref<!tpu.dma_semaphore, #tpu.memory_space<semaphore_mem>>) src(%dma_wait3A_124 : memref<320000x128xf32, #tpu.memory_space<hbm>>) dst(%arg8 : memref<128x128xf32, #tpu.memory_space<vmem>>)
    %while3A = arith.constant 0 : i32
    %while3A_125 = arith.constant 0 : i32
    %while3A_126 = arith.subi %scan3A_64, %while3A_125 : i32
    %while3A_127 = arith.addi %while3A_125, %while3A_126 : i32
    %while3A_128 = arith.constant 1 : i32
    %while3A_129 = arith.divsi %while3A_126, %while3A_128 : i32
    %while3A_130 = arith.muli %while3A_129, %while3A_128 : i32
    %while3A_131 = arith.addi %while3A_125, %while3A_130 : i32
    %while3A_132 = arith.constant 1 : i32
    scf.for %while3A_170 = %while3A_125 to %while3A_131 step %while3A_132  : i32 {
      %broadcast_in_dim3A_171 = arith.constant 0 : i32
      %broadcast_in_dim3A_172 = vector.broadcast %broadcast_in_dim3A_171 : i32 to vector<16xi32>
      %add3A_173 = vector.broadcast %while3A_170 : i32 to vector<16xi32>
      %add3A_174 = arith.addi %broadcast_in_dim3A_172, %add3A_173 : vector<16xi32>
      %gather3A = tpu.vector_load_idx %arg9[%add3A_174] : memref<256xi32, #tpu.memory_space<vmem>>[vector<16xi32>], vector<16xi32>,
      %shift_right_arithmetic3A = arith.constant 19 : i32
      %shift_right_arithmetic3A_175 = vector.broadcast %shift_right_arithmetic3A : i32 to vector<16xi32>
      %shift_right_arithmetic3A_176 = arith.shrsi %gather3A, %shift_right_arithmetic3A_175 : vector<16xi32>
      %mul3A_177 = arith.constant 128 : i32
      %mul3A_178 = vector.broadcast %mul3A_177 : i32 to vector<16xi32>
      %mul3A_179 = arith.muli %shift_right_arithmetic3A_176, %mul3A_178 : vector<16xi32>
      %add3A_180 = arith.addi %mul3A_179, %iota3A : vector<16xi32>
      %get3A_181 = arith.index_cast %while3A_170 : i32 to index
      %get3A_182 = arith.constant 0 : index
      %get3A_183 = tpu.vector_load %arg8[%get3A_181, %get3A_182] {strides = array<i32>} : memref<128x128xf32, #tpu.memory_space<vmem>>, vector<16xf32>,
      %add3A_184 = arith.constant 0 : i32
      %add3A_185 = vector.broadcast %add3A_184 : i32 to vector<16xi32>
      %add3A_186 = arith.addi %add3A_180, %add3A_185 : vector<16xi32>
      tpu.vector_store_idx %arg11[%add3A_186], %get3A_183 {add = true} : memref<40960xf32, #tpu.memory_space<vmem>>[vector<16xi32>], vector<16xf32>,
      %get3A_187 = arith.index_cast %while3A_170 : i32 to index
      %get3A_188 = arith.constant 16 : index
      %get3A_189 = tpu.vector_load %arg8[%get3A_187, %get3A_188] {strides = array<i32>} : memref<128x128xf32, #tpu.memory_space<vmem>>, vector<16xf32>,
      %add3A_190 = arith.constant 16 : i32
      %add3A_191 = vector.broadcast %add3A_190 : i32 to vector<16xi32>
      %add3A_192 = arith.addi %add3A_180, %add3A_191 : vector<16xi32>
      tpu.vector_store_idx %arg11[%add3A_192], %get3A_189 {add = true} : memref<40960xf32, #tpu.memory_space<vmem>>[vector<16xi32>], vector<16xf32>,
      %get3A_193 = arith.index_cast %while3A_170 : i32 to index
      %get3A_194 = arith.constant 32 : index
      %get3A_195 = tpu.vector_load %arg8[%get3A_193, %get3A_194] {strides = array<i32>} : memref<128x128xf32, #tpu.memory_space<vmem>>, vector<16xf32>,
      %add3A_196 = arith.constant 32 : i32
      %add3A_197 = vector.broadcast %add3A_196 : i32 to vector<16xi32>
      %add3A_198 = arith.addi %add3A_180, %add3A_197 : vector<16xi32>
      tpu.vector_store_idx %arg11[%add3A_198], %get3A_195 {add = true} : memref<40960xf32, #tpu.memory_space<vmem>>[vector<16xi32>], vector<16xf32>,
      %get3A_199 = arith.index_cast %while3A_170 : i32 to index
      %get3A_200 = arith.constant 48 : index
      %get3A_201 = tpu.vector_load %arg8[%get3A_199, %get3A_200] {strides = array<i32>} : memref<128x128xf32, #tpu.memory_space<vmem>>, vector<16xf32>,
      %add3A_202 = arith.constant 48 : i32
      %add3A_203 = vector.broadcast %add3A_202 : i32 to vector<16xi32>
      %add3A_204 = arith.addi %add3A_180, %add3A_203 : vector<16xi32>
      tpu.vector_store_idx %arg11[%add3A_204], %get3A_201 {add = true} : memref<40960xf32, #tpu.memory_space<vmem>>[vector<16xi32>], vector<16xf32>,
      %get3A_205 = arith.index_cast %while3A_170 : i32 to index
      %get3A_206 = arith.constant 64 : index
      %get3A_207 = tpu.vector_load %arg8[%get3A_205, %get3A_206] {strides = array<i32>} : memref<128x128xf32, #tpu.memory_space<vmem>>, vector<16xf32>,
      %add3A_208 = arith.constant 64 : i32
      %add3A_209 = vector.broadcast %add3A_208 : i32 to vector<16xi32>
      %add3A_210 = arith.addi %add3A_180, %add3A_209 : vector<16xi32>
      tpu.vector_store_idx %arg11[%add3A_210], %get3A_207 {add = true} : memref<40960xf32, #tpu.memory_space<vmem>>[vector<16xi32>], vector<16xf32>,
      %get3A_211 = arith.index_cast %while3A_170 : i32 to index
      %get3A_212 = arith.constant 80 : index
      %get3A_213 = tpu.vector_load %arg8[%get3A_211, %get3A_212] {strides = array<i32>} : memref<128x128xf32, #tpu.memory_space<vmem>>, vector<16xf32>,
      %add3A_214 = arith.constant 80 : i32
      %add3A_215 = vector.broadcast %add3A_214 : i32 to vector<16xi32>
      %add3A_216 = arith.addi %add3A_180, %add3A_215 : vector<16xi32>
      tpu.vector_store_idx %arg11[%add3A_216], %get3A_213 {add = true} : memref<40960xf32, #tpu.memory_space<vmem>>[vector<16xi32>], vector<16xf32>,
      %get3A_217 = arith.index_cast %while3A_170 : i32 to index
      %get3A_218 = arith.constant 96 : index
      %get3A_219 = tpu.vector_load %arg8[%get3A_217, %get3A_218] {strides = array<i32>} : memref<128x128xf32, #tpu.memory_space<vmem>>, vector<16xf32>,
      %add3A_220 = arith.constant 96 : i32
      %add3A_221 = vector.broadcast %add3A_220 : i32 to vector<16xi32>
      %add3A_222 = arith.addi %add3A_180, %add3A_221 : vector<16xi32>
      tpu.vector_store_idx %arg11[%add3A_222], %get3A_219 {add = true} : memref<40960xf32, #tpu.memory_space<vmem>>[vector<16xi32>], vector<16xf32>,
      %get3A_223 = arith.index_cast %while3A_170 : i32 to index
      %get3A_224 = arith.constant 112 : index
      %get3A_225 = tpu.vector_load %arg8[%get3A_223, %get3A_224] {strides = array<i32>} : memref<128x128xf32, #tpu.memory_space<vmem>>, vector<16xf32>,
      %add3A_226 = arith.constant 112 : i32
      %add3A_227 = vector.broadcast %add3A_226 : i32 to vector<16xi32>
      %add3A_228 = arith.addi %add3A_180, %add3A_227 : vector<16xi32>
      tpu.vector_store_idx %arg11[%add3A_228], %get3A_225 {add = true} : memref<40960xf32, #tpu.memory_space<vmem>>[vector<16xi32>], vector<16xf32>,
      %mul3A_229 = arith.constant 16 : i32
      %mul3A_230 = vector.broadcast %mul3A_229 : i32 to vector<16xi32>
      %mul3A_231 = arith.muli %shift_right_arithmetic3A_176, %mul3A_230 : vector<16xi32>
      %add3A_232 = arith.addi %mul3A_231, %iota3A : vector<16xi32>
      tpu.vector_store_idx %arg12[%add3A_232], %broadcast_in_dim3A_5 masked %eq3A_9 {add = true} : memref<5120xf32, #tpu.memory_space<vmem>>[vector<16xi32>], vector<16xf32>, vector<16xi1>
    }
    %while3A_133 = arith.constant 1 : i32
    scf.for %while3A_170 = %while3A_131 to %while3A_127 step %while3A_133  : i32 {
      %broadcast_in_dim3A_171 = arith.constant 0 : i32
      %broadcast_in_dim3A_172 = vector.broadcast %broadcast_in_dim3A_171 : i32 to vector<16xi32>
      %add3A_173 = vector.broadcast %while3A_170 : i32 to vector<16xi32>
      %add3A_174 = arith.addi %broadcast_in_dim3A_172, %add3A_173 : vector<16xi32>
      %gather3A = tpu.vector_load_idx %arg9[%add3A_174] : memref<256xi32, #tpu.memory_space<vmem>>[vector<16xi32>], vector<16xi32>,
      %shift_right_arithmetic3A = arith.constant 19 : i32
      %shift_right_arithmetic3A_175 = vector.broadcast %shift_right_arithmetic3A : i32 to vector<16xi32>
      %shift_right_arithmetic3A_176 = arith.shrsi %gather3A, %shift_right_arithmetic3A_175 : vector<16xi32>
      %mul3A_177 = arith.constant 128 : i32
      %mul3A_178 = vector.broadcast %mul3A_177 : i32 to vector<16xi32>
      %mul3A_179 = arith.muli %shift_right_arithmetic3A_176, %mul3A_178 : vector<16xi32>
      %add3A_180 = arith.addi %mul3A_179, %iota3A : vector<16xi32>
      %get3A_181 = arith.index_cast %while3A_170 : i32 to index
      %get3A_182 = arith.constant 0 : index
      %get3A_183 = tpu.vector_load %arg8[%get3A_181, %get3A_182] {strides = array<i32>} : memref<128x128xf32, #tpu.memory_space<vmem>>, vector<16xf32>,
      %add3A_184 = arith.constant 0 : i32
      %add3A_185 = vector.broadcast %add3A_184 : i32 to vector<16xi32>
      %add3A_186 = arith.addi %add3A_180, %add3A_185 : vector<16xi32>
      tpu.vector_store_idx %arg11[%add3A_186], %get3A_183 {add = true} : memref<40960xf32, #tpu.memory_space<vmem>>[vector<16xi32>], vector<16xf32>,
      %get3A_187 = arith.index_cast %while3A_170 : i32 to index
      %get3A_188 = arith.constant 16 : index
      %get3A_189 = tpu.vector_load %arg8[%get3A_187, %get3A_188] {strides = array<i32>} : memref<128x128xf32, #tpu.memory_space<vmem>>, vector<16xf32>,
      %add3A_190 = arith.constant 16 : i32
      %add3A_191 = vector.broadcast %add3A_190 : i32 to vector<16xi32>
      %add3A_192 = arith.addi %add3A_180, %add3A_191 : vector<16xi32>
      tpu.vector_store_idx %arg11[%add3A_192], %get3A_189 {add = true} : memref<40960xf32, #tpu.memory_space<vmem>>[vector<16xi32>], vector<16xf32>,
      %get3A_193 = arith.index_cast %while3A_170 : i32 to index
      %get3A_194 = arith.constant 32 : index
      %get3A_195 = tpu.vector_load %arg8[%get3A_193, %get3A_194] {strides = array<i32>} : memref<128x128xf32, #tpu.memory_space<vmem>>, vector<16xf32>,
      %add3A_196 = arith.constant 32 : i32
      %add3A_197 = vector.broadcast %add3A_196 : i32 to vector<16xi32>
      %add3A_198 = arith.addi %add3A_180, %add3A_197 : vector<16xi32>
      tpu.vector_store_idx %arg11[%add3A_198], %get3A_195 {add = true} : memref<40960xf32, #tpu.memory_space<vmem>>[vector<16xi32>], vector<16xf32>,
      %get3A_199 = arith.index_cast %while3A_170 : i32 to index
      %get3A_200 = arith.constant 48 : index
      %get3A_201 = tpu.vector_load %arg8[%get3A_199, %get3A_200] {strides = array<i32>} : memref<128x128xf32, #tpu.memory_space<vmem>>, vector<16xf32>,
      %add3A_202 = arith.constant 48 : i32
      %add3A_203 = vector.broadcast %add3A_202 : i32 to vector<16xi32>
      %add3A_204 = arith.addi %add3A_180, %add3A_203 : vector<16xi32>
      tpu.vector_store_idx %arg11[%add3A_204], %get3A_201 {add = true} : memref<40960xf32, #tpu.memory_space<vmem>>[vector<16xi32>], vector<16xf32>,
      %get3A_205 = arith.index_cast %while3A_170 : i32 to index
      %get3A_206 = arith.constant 64 : index
      %get3A_207 = tpu.vector_load %arg8[%get3A_205, %get3A_206] {strides = array<i32>} : memref<128x128xf32, #tpu.memory_space<vmem>>, vector<16xf32>,
      %add3A_208 = arith.constant 64 : i32
      %add3A_209 = vector.broadcast %add3A_208 : i32 to vector<16xi32>
      %add3A_210 = arith.addi %add3A_180, %add3A_209 : vector<16xi32>
      tpu.vector_store_idx %arg11[%add3A_210], %get3A_207 {add = true} : memref<40960xf32, #tpu.memory_space<vmem>>[vector<16xi32>], vector<16xf32>,
      %get3A_211 = arith.index_cast %while3A_170 : i32 to index
      %get3A_212 = arith.constant 80 : index
      %get3A_213 = tpu.vector_load %arg8[%get3A_211, %get3A_212] {strides = array<i32>} : memref<128x128xf32, #tpu.memory_space<vmem>>, vector<16xf32>,
      %add3A_214 = arith.constant 80 : i32
      %add3A_215 = vector.broadcast %add3A_214 : i32 to vector<16xi32>
      %add3A_216 = arith.addi %add3A_180, %add3A_215 : vector<16xi32>
      tpu.vector_store_idx %arg11[%add3A_216], %get3A_213 {add = true} : memref<40960xf32, #tpu.memory_space<vmem>>[vector<16xi32>], vector<16xf32>,
      %get3A_217 = arith.index_cast %while3A_170 : i32 to index
      %get3A_218 = arith.constant 96 : index
      %get3A_219 = tpu.vector_load %arg8[%get3A_217, %get3A_218] {strides = array<i32>} : memref<128x128xf32, #tpu.memory_space<vmem>>, vector<16xf32>,
      %add3A_220 = arith.constant 96 : i32
      %add3A_221 = vector.broadcast %add3A_220 : i32 to vector<16xi32>
      %add3A_222 = arith.addi %add3A_180, %add3A_221 : vector<16xi32>
      tpu.vector_store_idx %arg11[%add3A_222], %get3A_219 {add = true} : memref<40960xf32, #tpu.memory_space<vmem>>[vector<16xi32>], vector<16xf32>,
      %get3A_223 = arith.index_cast %while3A_170 : i32 to index
      %get3A_224 = arith.constant 112 : index
      %get3A_225 = tpu.vector_load %arg8[%get3A_223, %get3A_224] {strides = array<i32>} : memref<128x128xf32, #tpu.memory_space<vmem>>, vector<16xf32>,
      %add3A_226 = arith.constant 112 : i32
      %add3A_227 = vector.broadcast %add3A_226 : i32 to vector<16xi32>
      %add3A_228 = arith.addi %add3A_180, %add3A_227 : vector<16xi32>
      tpu.vector_store_idx %arg11[%add3A_228], %get3A_225 {add = true} : memref<40960xf32, #tpu.memory_space<vmem>>[vector<16xi32>], vector<16xf32>,
      %mul3A_229 = arith.constant 16 : i32
      %mul3A_230 = vector.broadcast %mul3A_229 : i32 to vector<16xi32>
      %mul3A_231 = arith.muli %shift_right_arithmetic3A_176, %mul3A_230 : vector<16xi32>
      %add3A_232 = arith.addi %mul3A_231, %iota3A : vector<16xi32>
      tpu.vector_store_idx %arg12[%add3A_232], %broadcast_in_dim3A_5 masked %eq3A_9 {add = true} : memref<5120xf32, #tpu.memory_space<vmem>>[vector<16xi32>], vector<16xf32>, vector<16xi1>
    }
    %get3A_134 = arith.constant 128 : index
    %get3A_135 = tpu.vector_load %arg9[%get3A_134] {strides = array<i32>} : memref<256xi32, #tpu.memory_space<vmem>>, vector<16xi32>,
    %swap3A_136 = arith.constant 0 : index
    %swap3A_137 = tpu.vector_load %arg9[%swap3A_136] {strides = array<i32>} : memref<256xi32, #tpu.memory_space<vmem>>, vector<16xi32>,
    tpu.vector_store %arg9[%swap3A_136], %get3A_135 {strides = array<i32>} : memref<256xi32, #tpu.memory_space<vmem>>, vector<16xi32>,
    %get3A_138 = arith.constant 144 : index
    %get3A_139 = tpu.vector_load %arg9[%get3A_138] {strides = array<i32>} : memref<256xi32, #tpu.memory_space<vmem>>, vector<16xi32>,
    %swap3A_140 = arith.constant 16 : index
    %swap3A_141 = tpu.vector_load %arg9[%swap3A_140] {strides = array<i32>} : memref<256xi32, #tpu.memory_space<vmem>>, vector<16xi32>,
    tpu.vector_store %arg9[%swap3A_140], %get3A_139 {strides = array<i32>} : memref<256xi32, #tpu.memory_space<vmem>>, vector<16xi32>,
    %get3A_142 = arith.constant 160 : index
    %get3A_143 = tpu.vector_load %arg9[%get3A_142] {strides = array<i32>} : memref<256xi32, #tpu.memory_space<vmem>>, vector<16xi32>,
    %swap3A_144 = arith.constant 32 : index
    %swap3A_145 = tpu.vector_load %arg9[%swap3A_144] {strides = array<i32>} : memref<256xi32, #tpu.memory_space<vmem>>, vector<16xi32>,
    tpu.vector_store %arg9[%swap3A_144], %get3A_143 {strides = array<i32>} : memref<256xi32, #tpu.memory_space<vmem>>, vector<16xi32>,
    %get3A_146 = arith.constant 176 : index
    %get3A_147 = tpu.vector_load %arg9[%get3A_146] {strides = array<i32>} : memref<256xi32, #tpu.memory_space<vmem>>, vector<16xi32>,
    %swap3A_148 = arith.constant 48 : index
    %swap3A_149 = tpu.vector_load %arg9[%swap3A_148] {strides = array<i32>} : memref<256xi32, #tpu.memory_space<vmem>>, vector<16xi32>,
    tpu.vector_store %arg9[%swap3A_148], %get3A_147 {strides = array<i32>} : memref<256xi32, #tpu.memory_space<vmem>>, vector<16xi32>,
    %get3A_150 = arith.constant 192 : index
    %get3A_151 = tpu.vector_load %arg9[%get3A_150] {strides = array<i32>} : memref<256xi32, #tpu.memory_space<vmem>>, vector<16xi32>,
    %swap3A_152 = arith.constant 64 : index
    %swap3A_153 = tpu.vector_load %arg9[%swap3A_152] {strides = array<i32>} : memref<256xi32, #tpu.memory_space<vmem>>, vector<16xi32>,
    tpu.vector_store %arg9[%swap3A_152], %get3A_151 {strides = array<i32>} : memref<256xi32, #tpu.memory_space<vmem>>, vector<16xi32>,
    %get3A_154 = arith.constant 208 : index
    %get3A_155 = tpu.vector_load %arg9[%get3A_154] {strides = array<i32>} : memref<256xi32, #tpu.memory_space<vmem>>, vector<16xi32>,
    %swap3A_156 = arith.constant 80 : index
    %swap3A_157 = tpu.vector_load %arg9[%swap3A_156] {strides = array<i32>} : memref<256xi32, #tpu.memory_space<vmem>>, vector<16xi32>,
    tpu.vector_store %arg9[%swap3A_156], %get3A_155 {strides = array<i32>} : memref<256xi32, #tpu.memory_space<vmem>>, vector<16xi32>,
    %get3A_158 = arith.constant 224 : index
    %get3A_159 = tpu.vector_load %arg9[%get3A_158] {strides = array<i32>} : memref<256xi32, #tpu.memory_space<vmem>>, vector<16xi32>,
    %swap3A_160 = arith.constant 96 : index
    %swap3A_161 = tpu.vector_load %arg9[%swap3A_160] {strides = array<i32>} : memref<256xi32, #tpu.memory_space<vmem>>, vector<16xi32>,
    tpu.vector_store %arg9[%swap3A_160], %get3A_159 {strides = array<i32>} : memref<256xi32, #tpu.memory_space<vmem>>, vector<16xi32>,
    %get3A_162 = arith.constant 240 : index
    %get3A_163 = tpu.vector_load %arg9[%get3A_162] {strides = array<i32>} : memref<256xi32, #tpu.memory_space<vmem>>, vector<16xi32>,
    %swap3A_164 = arith.constant 112 : index
    %swap3A_165 = tpu.vector_load %arg9[%swap3A_164] {strides = array<i32>} : memref<256xi32, #tpu.memory_space<vmem>>, vector<16xi32>,
    tpu.vector_store %arg9[%swap3A_164], %get3A_163 {strides = array<i32>} : memref<256xi32, #tpu.memory_space<vmem>>, vector<16xi32>,
    %sub3A = arith.subi %scan3A_64, %scan3A_64 : i32
    %mul3A_166 = arith.constant 128 : i32
    %mul3A_167 = arith.muli %mul3A_2, %mul3A_166 : i32
    "tpu.region"() ({
      %run_scoped3A = tpu.sem_alloc : memref<!tpu.dma_semaphore, #tpu.memory_space<semaphore_mem>>
      %dma_start3A_170 = tpu.memref_slice %arg4[%mul3A_167] : memref<1310720xf32, #tpu.memory_space<hbm>> -> memref<40960xf32, #tpu.memory_space<hbm>>
      %dma_start3A_171 = tpu.memref_slice %arg4[%mul3A_167] : memref<1310720xf32, #tpu.memory_space<hbm>> -> memref<40960xf32, #tpu.memory_space<hbm>>
      tpu.enqueue_dma source(%arg11 : memref<40960xf32, #tpu.memory_space<vmem>>) target(%dma_start3A_171 : memref<40960xf32, #tpu.memory_space<hbm>>) target_semaphore(%run_scoped3A : memref<!tpu.dma_semaphore, #tpu.memory_space<semaphore_mem>>)
      %dma_wait3A_172 = tpu.memref_slice %arg4[%mul3A_167] : memref<1310720xf32, #tpu.memory_space<hbm>> -> memref<40960xf32, #tpu.memory_space<hbm>>
      %dma_wait3A_173 = tpu.memref_slice %arg4[%mul3A_167] : memref<1310720xf32, #tpu.memory_space<hbm>> -> memref<40960xf32, #tpu.memory_space<hbm>>
      tpu.wait_dma2 semaphore(%run_scoped3A : memref<!tpu.dma_semaphore, #tpu.memory_space<semaphore_mem>>) src(%arg11 : memref<40960xf32, #tpu.memory_space<vmem>>) dst(%dma_wait3A_173 : memref<40960xf32, #tpu.memory_space<hbm>>)
      tpu.yield
    }) : () -> ()
    %mul3A_168 = arith.constant 16 : i32
    %mul3A_169 = arith.muli %mul3A_2, %mul3A_168 : i32
    "tpu.region"() ({
      %run_scoped3A = tpu.sem_alloc : memref<!tpu.dma_semaphore, #tpu.memory_space<semaphore_mem>>
      %dma_start3A_170 = tpu.memref_slice %arg5[%mul3A_169] : memref<163840xf32, #tpu.memory_space<hbm>> -> memref<5120xf32, #tpu.memory_space<hbm>>
      %dma_start3A_171 = tpu.memref_slice %arg5[%mul3A_169] : memref<163840xf32, #tpu.memory_space<hbm>> -> memref<5120xf32, #tpu.memory_space<hbm>>
      tpu.enqueue_dma source(%arg12 : memref<5120xf32, #tpu.memory_space<vmem>>) target(%dma_start3A_171 : memref<5120xf32, #tpu.memory_space<hbm>>) target_semaphore(%run_scoped3A : memref<!tpu.dma_semaphore, #tpu.memory_space<semaphore_mem>>)
      %dma_wait3A_172 = tpu.memref_slice %arg5[%mul3A_169] : memref<163840xf32, #tpu.memory_space<hbm>> -> memref<5120xf32, #tpu.memory_space<hbm>>
      %dma_wait3A_173 = tpu.memref_slice %arg5[%mul3A_169] : memref<163840xf32, #tpu.memory_space<hbm>> -> memref<5120xf32, #tpu.memory_space<hbm>>
      tpu.wait_dma2 semaphore(%run_scoped3A : memref<!tpu.dma_semaphore, #tpu.memory_space<semaphore_mem>>) src(%arg12 : memref<5120xf32, #tpu.memory_space<vmem>>) dst(%dma_wait3A_173 : memref<5120xf32, #tpu.memory_space<hbm>>)
      tpu.yield
    }) : () -> ()
    return
  }
}

#map = affine_map<(d0, d1) -> (0, 0)>
#map1 = affine_map<(d0, d1) -> (0)>
module attributes {stable_mosaic.version = 14 : i64} {
  func.func @gather_k(%arg0: i32, %arg1: i32, %arg2: memref<10000x128xf32, #tpu.memory_space<hbm>>, %arg3: memref<320000xi32, #tpu.memory_space<hbm>>, %arg4: memref<320000x128xf32, #tpu.memory_space<hbm>>, %arg5: memref<128xi32, #tpu.memory_space<vmem>>, %arg6: memref<128x128xf32, #tpu.memory_space<vmem>>, %arg7: memref<!tpu.dma_semaphore, #tpu.memory_space<semaphore_mem>>) attributes {dimension_semantics = [#tpu.dimension_semantics<core_parallel>, #tpu.dimension_semantics<subcore_parallel>], iteration_bounds = array<i64: 2, 16>, scalar_prefetch = 0 : i64, scratch_operands = 3 : i64, tpu.core_type = #tpu.core_type<sc_vector_subcore>, window_params = [{transform_indices = #map}, {transform_indices = #map1}, {transform_indices = #map}]} {
    %mul3A = arith.constant 2 : i32
    %mul3A_0 = arith.muli %arg1, %mul3A : i32
    %add3A = arith.addi %mul3A_0, %arg0 : i32
    %scan3A = arith.constant 0 : i32
    %scan3A_1 = arith.constant 0 : i32
    %scan3A_2 = arith.constant 79 : i32
    %scan3A_3 = arith.addi %scan3A_1, %scan3A_2 : i32
    %scan3A_4 = arith.constant 1 : i32
    scf.for %scan3A_6 = %scan3A_1 to %scan3A_3 step %scan3A_4  : i32 {
      %mul3A_7 = arith.constant 32 : i32
      %mul3A_8 = arith.muli %mul3A_7, %scan3A_6 : i32
      %add3A_9 = arith.addi %add3A, %mul3A_8 : i32
      %lt3A = arith.constant 2500 : i32
      %lt3A_10 = arith.cmpi slt, %add3A_9, %lt3A : i32
      %convert_element_type3A = arith.extui %lt3A_10 : i1 to i32
      %cond3A = arith.constant 0 : i32
      %cond3A_11 = arith.cmpi ne, %convert_element_type3A, %cond3A : i32
      scf.if %cond3A_11 {
        %mul3A_12 = arith.constant 128 : i32
        %mul3A_13 = arith.muli %add3A_9, %mul3A_12 : i32
        "tpu.region"() ({
          %run_scoped3A = tpu.sem_alloc : memref<!tpu.dma_semaphore, #tpu.memory_space<semaphore_mem>>
          %dma_start3A_18 = tpu.memref_slice %arg3[%mul3A_13] : memref<320000xi32, #tpu.memory_space<hbm>> -> memref<128xi32, #tpu.memory_space<hbm>>
          %dma_start3A_19 = tpu.memref_slice %arg3[%mul3A_13] : memref<320000xi32, #tpu.memory_space<hbm>> -> memref<128xi32, #tpu.memory_space<hbm>>
          tpu.enqueue_dma source(%dma_start3A_19 : memref<128xi32, #tpu.memory_space<hbm>>) target(%arg5 : memref<128xi32, #tpu.memory_space<vmem>>) target_semaphore(%run_scoped3A : memref<!tpu.dma_semaphore, #tpu.memory_space<semaphore_mem>>)
          %dma_wait3A_20 = tpu.memref_slice %arg3[%mul3A_13] : memref<320000xi32, #tpu.memory_space<hbm>> -> memref<128xi32, #tpu.memory_space<hbm>>
          %dma_wait3A_21 = tpu.memref_slice %arg3[%mul3A_13] : memref<320000xi32, #tpu.memory_space<hbm>> -> memref<128xi32, #tpu.memory_space<hbm>>
          tpu.wait_dma2 semaphore(%run_scoped3A : memref<!tpu.dma_semaphore, #tpu.memory_space<semaphore_mem>>) src(%dma_wait3A_21 : memref<128xi32, #tpu.memory_space<hbm>>) dst(%arg5 : memref<128xi32, #tpu.memory_space<vmem>>)
          tpu.yield
        }) : () -> ()
        %dma_start3A = arith.constant 0 : i32
        %dma_start3A_14 = arith.constant 0 : i32
        %dma_start3A_15 = tpu.memref_slice %arg2[%dma_start3A, %dma_start3A_14] : memref<10000x128xf32, #tpu.memory_space<hbm>> -> memref<10000x128xf32, #tpu.memory_space<hbm>>
        tpu.enqueue_indirect_dma source(%dma_start3A_15 : memref<10000x128xf32, #tpu.memory_space<hbm>>) target(%arg6 : memref<128x128xf32, #tpu.memory_space<vmem>>) offsets(%arg5 : memref<128xi32, #tpu.memory_space<vmem>>) semaphore(%arg7 : memref<!tpu.dma_semaphore, #tpu.memory_space<semaphore_mem>>)
        %dma_wait3A = arith.constant 0 : i32
        %dma_wait3A_16 = arith.constant 0 : i32
        %dma_wait3A_17 = tpu.memref_slice %arg2[%dma_wait3A, %dma_wait3A_16] : memref<10000x128xf32, #tpu.memory_space<hbm>> -> memref<10000x128xf32, #tpu.memory_space<hbm>>
        tpu.wait_indirect_dma semaphore(%arg7 : memref<!tpu.dma_semaphore, #tpu.memory_space<semaphore_mem>>) src(%dma_wait3A_17 : memref<10000x128xf32, #tpu.memory_space<hbm>>) dst(%arg6 : memref<128x128xf32, #tpu.memory_space<vmem>>)
        "tpu.region"() ({
          %run_scoped3A = tpu.sem_alloc : memref<!tpu.dma_semaphore, #tpu.memory_space<semaphore_mem>>
          %dma_start3A_18 = arith.constant 0 : i32
          %dma_start3A_19 = tpu.memref_slice %arg4[%mul3A_13, %dma_start3A_18] : memref<320000x128xf32, #tpu.memory_space<hbm>> -> memref<128x128xf32, #tpu.memory_space<hbm>>
          %dma_start3A_20 = arith.constant 0 : i32
          %dma_start3A_21 = tpu.memref_slice %arg4[%mul3A_13, %dma_start3A_20] : memref<320000x128xf32, #tpu.memory_space<hbm>> -> memref<128x128xf32, #tpu.memory_space<hbm>>
          tpu.enqueue_dma source(%arg6 : memref<128x128xf32, #tpu.memory_space<vmem>>) target(%dma_start3A_21 : memref<128x128xf32, #tpu.memory_space<hbm>>) target_semaphore(%run_scoped3A : memref<!tpu.dma_semaphore, #tpu.memory_space<semaphore_mem>>)
          %dma_wait3A_22 = arith.constant 0 : i32
          %dma_wait3A_23 = tpu.memref_slice %arg4[%mul3A_13, %dma_wait3A_22] : memref<320000x128xf32, #tpu.memory_space<hbm>> -> memref<128x128xf32, #tpu.memory_space<hbm>>
          %dma_wait3A_24 = arith.constant 0 : i32
          %dma_wait3A_25 = tpu.memref_slice %arg4[%mul3A_13, %dma_wait3A_24] : memref<320000x128xf32, #tpu.memory_space<hbm>> -> memref<128x128xf32, #tpu.memory_space<hbm>>
          tpu.wait_dma2 semaphore(%run_scoped3A : memref<!tpu.dma_semaphore, #tpu.memory_space<semaphore_mem>>) src(%arg6 : memref<128x128xf32, #tpu.memory_space<vmem>>) dst(%dma_wait3A_25 : memref<128x128xf32, #tpu.memory_space<hbm>>)
          tpu.yield
        }) : () -> ()
      } else {
      }
    }
    %scan3A_5 = arith.constant 79 : i32
    return
  }
}

module attributes {stable_mosaic.version = 14 : i64} {
  func.func @kern(%arg0: i32, %arg1: memref<1600x128xf32, #tpu.memory_space<vmem>>, %arg2: memref<1600x128xf32, #tpu.memory_space<vmem>>, %arg3: memref<128x256xf32, #tpu.memory_space<vmem>>, %arg4: memref<128x256xf32, #tpu.memory_space<vmem>>, %arg5: memref<1x256xf32, #tpu.memory_space<vmem>>, %arg6: memref<256x128xf32, #tpu.memory_space<vmem>>, %arg7: memref<1x128xf32, #tpu.memory_space<vmem>>, %arg8: memref<1600x128xf32, #tpu.memory_space<vmem>>) attributes {dimension_semantics = [#tpu.dimension_semantics<arbitrary>], iteration_bounds = array<i64: 200>, scalar_prefetch = 0 : i64, scratch_operands = 0 : i64, tpu.core_type = #tpu.core_type<tc>, window_params = [{transform_indices = @transform_0, window_bounds = array<i64: 1600, 128>}, {transform_indices = @transform_1, window_bounds = array<i64: 1600, 128>}, {pipeline_mode = #tpu.pipeline_mode<synchronous>, transform_indices = @transform_2, window_bounds = array<i64: 128, 256>}, {pipeline_mode = #tpu.pipeline_mode<synchronous>, transform_indices = @transform_3, window_bounds = array<i64: 128, 256>}, {pipeline_mode = #tpu.pipeline_mode<synchronous>, transform_indices = @transform_4, window_bounds = array<i64: 1, 256>}, {pipeline_mode = #tpu.pipeline_mode<synchronous>, transform_indices = @transform_5, window_bounds = array<i64: 256, 128>}, {pipeline_mode = #tpu.pipeline_mode<synchronous>, transform_indices = @transform_6, window_bounds = array<i64: 1, 128>}, {transform_indices = @transform_7, window_bounds = array<i64: 1600, 128>}]} {
    %get3A = arith.constant 0 : index
    %get3A_0 = arith.constant 0 : index
    %get3A_1 = vector.load %arg1[%get3A, %get3A_0] : memref<1600x128xf32, #tpu.memory_space<vmem>>, vector<1600x128xf32>
    %get3A_2 = arith.constant 0 : index
    %get3A_3 = arith.constant 0 : index
    %get3A_4 = vector.load %arg3[%get3A_2, %get3A_3] : memref<128x256xf32, #tpu.memory_space<vmem>>, vector<128x256xf32>
    %dot_general3A = arith.constant dense<0.000000e+00> : vector<1600x256xf32>
    %dot_general3A_5 = tpu.matmul %get3A_1, %get3A_4, %dot_general3A {dimension_numbers = #tpu.dot_dimension_numbers<[1], [0], [0], [1], [0, 0, 1, 1], [], []>, transpose_lhs_hint = false} : vector<1600x128xf32>, vector<128x256xf32>, vector<1600x256xf32> -> vector<1600x256xf32>
    %get3A_6 = arith.constant 0 : index
    %get3A_7 = arith.constant 0 : index
    %get3A_8 = vector.load %arg2[%get3A_6, %get3A_7] : memref<1600x128xf32, #tpu.memory_space<vmem>>, vector<1600x128xf32>
    %get3A_9 = arith.constant 0 : index
    %get3A_10 = arith.constant 0 : index
    %get3A_11 = vector.load %arg4[%get3A_9, %get3A_10] : memref<128x256xf32, #tpu.memory_space<vmem>>, vector<128x256xf32>
    %dot_general3A_12 = arith.constant dense<0.000000e+00> : vector<1600x256xf32>
    %dot_general3A_13 = tpu.matmul %get3A_8, %get3A_11, %dot_general3A_12 {dimension_numbers = #tpu.dot_dimension_numbers<[1], [0], [0], [1], [0, 0, 1, 1], [], []>, transpose_lhs_hint = false} : vector<1600x128xf32>, vector<128x256xf32>, vector<1600x256xf32> -> vector<1600x256xf32>
    %add3A = arith.addf %dot_general3A_5, %dot_general3A_13 : vector<1600x256xf32>
    %get3A_14 = arith.constant 0 : index
    %get3A_15 = arith.constant 0 : index
    %get3A_16 = vector.load %arg5[%get3A_14, %get3A_15] : memref<1x256xf32, #tpu.memory_space<vmem>>, vector<1x256xf32>
    %add3A_17 = vector.broadcast %get3A_16 : vector<1x256xf32> to vector<1600x256xf32>
    %add3A_18 = arith.addf %add3A, %add3A_17 : vector<1600x256xf32>
    %max3A = arith.constant 0.000000e+00 : f32
    %max3A_19 = vector.broadcast %max3A : f32 to vector<1600x256xf32>
    %max3A_20 = arith.maximumf %add3A_18, %max3A_19 : vector<1600x256xf32>
    %get3A_21 = arith.constant 0 : index
    %get3A_22 = arith.constant 0 : index
    %get3A_23 = vector.load %arg6[%get3A_21, %get3A_22] : memref<256x128xf32, #tpu.memory_space<vmem>>, vector<256x128xf32>
    %dot_general3A_24 = arith.constant dense<0.000000e+00> : vector<1600x128xf32>
    %dot_general3A_25 = tpu.matmul %max3A_20, %get3A_23, %dot_general3A_24 {dimension_numbers = #tpu.dot_dimension_numbers<[1], [0], [0], [1], [0, 0, 1, 1], [], []>, transpose_lhs_hint = false} : vector<1600x256xf32>, vector<256x128xf32>, vector<1600x128xf32> -> vector<1600x128xf32>
    %get3A_26 = arith.constant 0 : index
    %get3A_27 = arith.constant 0 : index
    %get3A_28 = vector.load %arg7[%get3A_26, %get3A_27] : memref<1x128xf32, #tpu.memory_space<vmem>>, vector<1x128xf32>
    %add3A_29 = vector.broadcast %get3A_28 : vector<1x128xf32> to vector<1600x128xf32>
    %add3A_30 = arith.addf %dot_general3A_25, %add3A_29 : vector<1600x128xf32>
    %swap3A = arith.constant 0 : index
    %swap3A_31 = arith.constant 0 : index
    %swap3A_32 = vector.load %arg8[%swap3A, %swap3A_31] : memref<1600x128xf32, #tpu.memory_space<vmem>>, vector<1600x128xf32>
    tpu.vector_store %arg8[%swap3A, %swap3A_31], %add3A_30 {strides = array<i32>} : memref<1600x128xf32, #tpu.memory_space<vmem>>, vector<1600x128xf32>,
    return
  }
  func.func @transform_0(%arg0: i32) -> (i32, i32) {
    %c0_i32 = arith.constant 0 : i32
    %c0_i32_0 = arith.constant 0 : i32
    return %arg0, %c0_i32 : i32, i32
  }
  func.func @transform_1(%arg0: i32) -> (i32, i32) {
    %c0_i32 = arith.constant 0 : i32
    %c0_i32_0 = arith.constant 0 : i32
    return %arg0, %c0_i32 : i32, i32
  }
  func.func @transform_2(%arg0: i32) -> (i32, i32) {
    %c0_i32 = arith.constant 0 : i32
    %c0_i32_0 = arith.constant 0 : i32
    %c0_i32_1 = arith.constant 0 : i32
    return %c0_i32, %c0_i32_0 : i32, i32
  }
  func.func @transform_3(%arg0: i32) -> (i32, i32) {
    %c0_i32 = arith.constant 0 : i32
    %c0_i32_0 = arith.constant 0 : i32
    %c0_i32_1 = arith.constant 0 : i32
    return %c0_i32, %c0_i32_0 : i32, i32
  }
  func.func @transform_4(%arg0: i32) -> (i32, i32) {
    %c0_i32 = arith.constant 0 : i32
    %c0_i32_0 = arith.constant 0 : i32
    %c0_i32_1 = arith.constant 0 : i32
    return %c0_i32, %c0_i32_0 : i32, i32
  }
  func.func @transform_5(%arg0: i32) -> (i32, i32) {
    %c0_i32 = arith.constant 0 : i32
    %c0_i32_0 = arith.constant 0 : i32
    %c0_i32_1 = arith.constant 0 : i32
    return %c0_i32, %c0_i32_0 : i32, i32
  }
  func.func @transform_6(%arg0: i32) -> (i32, i32) {
    %c0_i32 = arith.constant 0 : i32
    %c0_i32_0 = arith.constant 0 : i32
    %c0_i32_1 = arith.constant 0 : i32
    return %c0_i32, %c0_i32_0 : i32, i32
  }
  func.func @transform_7(%arg0: i32) -> (i32, i32) {
    %c0_i32 = arith.constant 0 : i32
    %c0_i32_0 = arith.constant 0 : i32
    return %arg0, %c0_i32 : i32, i32
  }
}

module attributes {stable_mosaic.version = 14 : i64} {
  func.func @kern(%arg0: memref<10000x128xf32, #tpu.memory_space<vmem>>, %arg1: memref<10240x128xf32, #tpu.memory_space<vmem>>, %arg2: memref<10240x16xf32, #tpu.memory_space<vmem>>, %arg3: memref<128x128xf32, #tpu.memory_space<vmem>>, %arg4: memref<128x128xf32, #tpu.memory_space<vmem>>, %arg5: memref<1x128xf32, #tpu.memory_space<vmem>>, %arg6: memref<128x128xf32, #tpu.memory_space<vmem>>, %arg7: memref<1x128xf32, #tpu.memory_space<vmem>>, %arg8: memref<1x128xf32, #tpu.memory_space<vmem>>, %arg9: memref<1x128xf32, #tpu.memory_space<vmem>>, %arg10: memref<10000x128xf32, #tpu.memory_space<vmem>>) attributes {dimension_semantics = [], scalar_prefetch = 0 : i64, scratch_operands = 0 : i64, tpu.core_type = #tpu.core_type<tc>} {
    %get3A = arith.constant 0 : index
    %get3A_0 = arith.constant 0 : index
    %get3A_1 = vector.load %arg2[%get3A, %get3A_0] : memref<10240x16xf32, #tpu.memory_space<vmem>>, vector<10000x1xf32>
    %max3A = arith.constant 1.000000e+00 : f32
    %max3A_2 = vector.broadcast %max3A : f32 to vector<10000x1xf32>
    %max3A_3 = arith.maximumf %get3A_1, %max3A_2 : vector<10000x1xf32>
    %get3A_4 = arith.constant 0 : index
    %get3A_5 = arith.constant 0 : index
    %get3A_6 = vector.load %arg1[%get3A_4, %get3A_5] : memref<10240x128xf32, #tpu.memory_space<vmem>>, vector<10000x128xf32>
    %div3A = vector.broadcast %max3A_3 : vector<10000x1xf32> to vector<10000x128xf32>
    %div3A_7 = arith.divf %get3A_6, %div3A : vector<10000x128xf32>
    %get3A_8 = arith.constant 0 : index
    %get3A_9 = arith.constant 0 : index
    %get3A_10 = vector.load %arg0[%get3A_8, %get3A_9] : memref<10000x128xf32, #tpu.memory_space<vmem>>, vector<10000x128xf32>
    %get3A_11 = arith.constant 0 : index
    %get3A_12 = arith.constant 0 : index
    %get3A_13 = vector.load %arg3[%get3A_11, %get3A_12] : memref<128x128xf32, #tpu.memory_space<vmem>>, vector<128x128xf32>
    %dot_general3A = arith.constant dense<0.000000e+00> : vector<10000x128xf32>
    %dot_general3A_14 = tpu.matmul %get3A_10, %get3A_13, %dot_general3A {dimension_numbers = #tpu.dot_dimension_numbers<[1], [0], [0], [1], [0, 0, 1, 1], [], []>, transpose_lhs_hint = false} : vector<10000x128xf32>, vector<128x128xf32>, vector<10000x128xf32> -> vector<10000x128xf32>
    %get3A_15 = arith.constant 0 : index
    %get3A_16 = arith.constant 0 : index
    %get3A_17 = vector.load %arg4[%get3A_15, %get3A_16] : memref<128x128xf32, #tpu.memory_space<vmem>>, vector<128x128xf32>
    %dot_general3A_18 = arith.constant dense<0.000000e+00> : vector<10000x128xf32>
    %dot_general3A_19 = tpu.matmul %div3A_7, %get3A_17, %dot_general3A_18 {dimension_numbers = #tpu.dot_dimension_numbers<[1], [0], [0], [1], [0, 0, 1, 1], [], []>, transpose_lhs_hint = false} : vector<10000x128xf32>, vector<128x128xf32>, vector<10000x128xf32> -> vector<10000x128xf32>
    %add3A = arith.addf %dot_general3A_14, %dot_general3A_19 : vector<10000x128xf32>
    %get3A_20 = arith.constant 0 : index
    %get3A_21 = arith.constant 0 : index
    %get3A_22 = vector.load %arg5[%get3A_20, %get3A_21] : memref<1x128xf32, #tpu.memory_space<vmem>>, vector<1x128xf32>
    %add3A_23 = vector.broadcast %get3A_22 : vector<1x128xf32> to vector<10000x128xf32>
    %add3A_24 = arith.addf %add3A, %add3A_23 : vector<10000x128xf32>
    %max3A_25 = arith.constant 0.000000e+00 : f32
    %max3A_26 = vector.broadcast %max3A_25 : f32 to vector<10000x128xf32>
    %max3A_27 = arith.maximumf %add3A_24, %max3A_26 : vector<10000x128xf32>
    %get3A_28 = arith.constant 0 : index
    %get3A_29 = arith.constant 0 : index
    %get3A_30 = vector.load %arg6[%get3A_28, %get3A_29] : memref<128x128xf32, #tpu.memory_space<vmem>>, vector<128x128xf32>
    %dot_general3A_31 = arith.constant dense<0.000000e+00> : vector<10000x128xf32>
    %dot_general3A_32 = tpu.matmul %max3A_27, %get3A_30, %dot_general3A_31 {dimension_numbers = #tpu.dot_dimension_numbers<[1], [0], [0], [1], [0, 0, 1, 1], [], []>, transpose_lhs_hint = false} : vector<10000x128xf32>, vector<128x128xf32>, vector<10000x128xf32> -> vector<10000x128xf32>
    %get3A_33 = arith.constant 0 : index
    %get3A_34 = arith.constant 0 : index
    %get3A_35 = vector.load %arg7[%get3A_33, %get3A_34] : memref<1x128xf32, #tpu.memory_space<vmem>>, vector<1x128xf32>
    %add3A_36 = vector.broadcast %get3A_35 : vector<1x128xf32> to vector<10000x128xf32>
    %add3A_37 = arith.addf %dot_general3A_32, %add3A_36 : vector<10000x128xf32>
    %reduce_sum3A = arith.constant dense<0.000000e+00> : vector<128xf32>
    %reduce_sum3A_38 = vector.multi_reduction <add>, %add3A_37, %reduce_sum3A [0] : vector<10000x128xf32> to vector<128xf32>
    %broadcast_in_dim3A = vector.shape_cast %reduce_sum3A_38 : vector<128xf32> to vector<1x128xf32>
    %div3A_39 = arith.constant 1.000000e+04 : f32
    %div3A_40 = vector.broadcast %div3A_39 : f32 to vector<1x128xf32>
    %div3A_41 = arith.divf %broadcast_in_dim3A, %div3A_40 : vector<1x128xf32>
    %sub3A = vector.broadcast %div3A_41 : vector<1x128xf32> to vector<10000x128xf32>
    %sub3A_42 = arith.subf %add3A_37, %sub3A : vector<10000x128xf32>
    %mul3A = arith.mulf %sub3A_42, %sub3A_42 : vector<10000x128xf32>
    %reduce_sum3A_43 = arith.constant dense<0.000000e+00> : vector<128xf32>
    %reduce_sum3A_44 = vector.multi_reduction <add>, %mul3A, %reduce_sum3A_43 [0] : vector<10000x128xf32> to vector<128xf32>
    %broadcast_in_dim3A_45 = vector.shape_cast %reduce_sum3A_44 : vector<128xf32> to vector<1x128xf32>
    %div3A_46 = arith.constant 1.000000e+04 : f32
    %div3A_47 = vector.broadcast %div3A_46 : f32 to vector<1x128xf32>
    %div3A_48 = arith.divf %broadcast_in_dim3A_45, %div3A_47 : vector<1x128xf32>
    %add3A_49 = arith.constant 9.99999974E-6 : f32
    %add3A_50 = vector.broadcast %add3A_49 : f32 to vector<1x128xf32>
    %add3A_51 = arith.addf %div3A_48, %add3A_50 : vector<1x128xf32>
    %rsqrt3A = math.rsqrt %add3A_51 : vector<1x128xf32>
    %mul3A_52 = vector.broadcast %rsqrt3A : vector<1x128xf32> to vector<10000x128xf32>
    %mul3A_53 = arith.mulf %sub3A_42, %mul3A_52 : vector<10000x128xf32>
    %get3A_54 = arith.constant 0 : index
    %get3A_55 = arith.constant 0 : index
    %get3A_56 = vector.load %arg8[%get3A_54, %get3A_55] : memref<1x128xf32, #tpu.memory_space<vmem>>, vector<1x128xf32>
    %mul3A_57 = vector.broadcast %get3A_56 : vector<1x128xf32> to vector<10000x128xf32>
    %mul3A_58 = arith.mulf %mul3A_53, %mul3A_57 : vector<10000x128xf32>
    %get3A_59 = arith.constant 0 : index
    %get3A_60 = arith.constant 0 : index
    %get3A_61 = vector.load %arg9[%get3A_59, %get3A_60] : memref<1x128xf32, #tpu.memory_space<vmem>>, vector<1x128xf32>
    %add3A_62 = vector.broadcast %get3A_61 : vector<1x128xf32> to vector<10000x128xf32>
    %add3A_63 = arith.addf %mul3A_58, %add3A_62 : vector<10000x128xf32>
    %swap3A = arith.constant 0 : index
    %swap3A_64 = arith.constant 0 : index
    %swap3A_65 = vector.load %arg10[%swap3A, %swap3A_64] : memref<10000x128xf32, #tpu.memory_space<vmem>>, vector<10000x128xf32>
    tpu.vector_store %arg10[%swap3A, %swap3A_64], %add3A_63 {strides = array<i32>} : memref<10000x128xf32, #tpu.memory_space<vmem>>, vector<10000x128xf32>,
    return
  }
}

</mosaic_0001>

<sc_bundles>
// kernel: kernel.6.cloned.1.call-start
scs
__scs_entry_jumppad:
0x0: {  	(pc) =	sbr.rel $0x88, $3  }
0x1: {  	(tag) =	ssettag $0x0;
	lr =	simm.s32 $0x1  }
0x2: {  	[smem:$0x3F94] =	sst lr;
	_ =	strace $0xD0000000  }
0x3: {  	_ = 	snop  }
0x4: {  	_ = 	snop  }
0x5: {  	_ = 	snop  }
0x6: {  	_ = 	snop  }
0x7: {  	_ = 	snop  }
__scs_overlays_trampoline_lowered:
0x8: {  	[smem:$0x3FA3] =	sst s0  }
0x9: {  	[smem:$0x3FA4] =	sst s1  }
0xa: {  	[smem:$0x3FA5] =	sst s2  }
0xb: {  	[smem:$0x3FA6] =	sst s3  }
0xc: {  	[smem:$0x3FA7] =	sst s4  }
0xd: {  	[smem:$0x3FA8] =	sst s5  }
0xe: {  	[smem:$0x3FA9] =	sst s6  }
0xf: {  	[smem:$0x3FAA] =	sst s7  }
0x10: {  	[smem:$0x3FAB] =	sst s8  }
0x11: {  	[smem:$0x3FAC] =	sst s9;
	s0 =	simm.s32 @!p0 $0x0  }
0x12: {  	s1 =	sld [smem:$0x3F92];
	s0 =	simm.s32 @p0 $0x1  }
0x13: {  	[smem:$0x3FAD] =	sst s0;
	s0 =	simm.s32 @!p1 $0x0  }
0x14: {  	s2 =	sld [smem:$0x3F91];
	s0 =	simm.s32 @p1 $0x1  }
0x15: {  	[smem:$0x3FAE] =	sst s0;
	s0 =	simm.s32 @!p2 $0x0  }
0x16: {  	s3 =	sld [smem:$0x3FDB];
	s0 =	simm.s32 @p2 $0x1  }
0x17: {  	s4 =	simm.s32 $0x1BF5;
	[smem:$0x3FB0] =	sst s0  }
0x18: {  	s0 =	sld [smem:$0x3F93];
	_ =	swait.ge [sflag:s4], $0x0  }
0x19: {  	s7 =	sld [smem:$0x3F94]  }
0x1a: {  	s8 =	sadd.s32 $0xFFFFE003, lr  }
0x1b: {  	s9 =	sadd.s32 $0xFFFFFEF7, lr;
	s5 =	simm.s32 $0xFFFFFFFF;
	p2 =	slt.u32 s8, $0xFFFFF086  }
0x1c: {  	p1 =	slt.u32 s9, $0xF7A;
	s5 =	simm.s32 @!p2 $0x0  }
0x1d: {  	s5 =	simm.s32 @p1 $0x1;
	p0 =	seq.s32 s7, s2  }
0x1e: {  	s7 =	smul.u32 @!p0 $0xF7A, s2;
	p2 =	seq.s32 @!p0 s5, $0x0  }
0x1f: {  	s9 =	smul.u32 $0xF7A, s1;
	s8 =	simm.s32 @!p0 $0x1BF5;
	p2 =	por !p2, p0  }
0x20: {  	[sflag:s8] =	ssyncset.s32 @!p0 $0xFFFFF086;
	s6 =	sadd.s32 @!p0 s3, s7;
	s7 =	simm.s32 @!p0 $0x108  }
0x21: {  	s3 =	sadd.s32 s3, s9;
	s6 =	sadd.s32 @!p0 $0x88, s6;
	s7 =	simm.s32 @p2 $0x1082  }
0x22: {  	[simem:s7], [sflag:s8] =	dma.local @!p0 [hbm:s6], $0xF7A  }
0x23: {  	s9 =	sor.u32 $0xD0000000, s2;
	s6 =	simm.s32 $0x108;
	_ =	swait.ge @!p0 [sflag:s8], $0x0  }
0x24: {  	s3 =	sadd.s32 $0x88, s3;
	s6 =	simm.s32 @!p1 $0x1082;
	[sflag:s4] =	ssyncset.s32 $0xFFFFF086  }
0x25: {  	[simem:s6], [sflag:s4] =	dma.local [hbm:s3], $0xF7A  }
0x26: {  	[smem:$0x3F94] =	sst s1;
	(tag) =	ssettag s2;
	_ =	strace s9  }
0x27: {  	s1 =	sld [smem:$0x3FA4]  }
0x28: {  	s2 =	sld [smem:$0x3FA5]  }
0x29: {  	s4 =	sld [smem:$0x3FA7]  }
0x2a: {  	p0 =	seq.s32 s5, $0x0;
	s5 =	sld [smem:$0x3FA8]  }
0x2b: {  	s6 =	sld [smem:$0x3FA9]  }
0x2c: {  	s7 =	sld [smem:$0x3FAA]  }
0x2d: {  	s3 =	simm.s32 $0x108;
	s8 =	sld [smem:$0x3FAB]  }
0x2e: {  	s3 =	simm.s32 @!p0 $0x1082;
	s9 =	sld [smem:$0x3FAC]  }
0x2f: {  	lr =	sadd.s32 s0, s3;
	s0 =	sld [smem:$0x3FA3]  }
0x30: {  	s3 =	sld [smem:$0x3FA6]  }
0x31: {  	[smem:$0x3FAF] =	sst s10  }
0x32: {  	s10 =	sld [smem:$0x3FAD];
	_ =	sdelay $0x3  }
0x33: {  	p0 =	seq.s32 s10, $0x1;
	s10 =	sld [smem:$0x3FAF];
	_ =	sdelay $0x3  }
0x34: {  	[smem:$0x3FAF] =	sst s10  }
0x35: {  	s10 =	sld [smem:$0x3FAE];
	_ =	sdelay $0x3  }
0x36: {  	p1 =	seq.s32 s10, $0x1;
	s10 =	sld [smem:$0x3FAF];
	_ =	sdelay $0x3  }
0x37: {  	[smem:$0x3FAF] =	sst s10  }
0x38: {  	s10 =	sld [smem:$0x3FB0]  }
0x39: {  	_ = 	snop;
	(pc) =	sbr.ind lr, $3  }
0x3a: {  	_ = 	snop  }
0x3b: {  	_ = 	snop  }
0x3c: {  	p2 =	seq.s32 s10, $0x1;
	s10 =	sld [smem:$0x3FAF]  }
0x3d: {  	_ =	shalt  }
0x3e: {  	_ =	shalt  }
0x3f: {  	_ =	shalt  }
0x40: {  	_ =	shalt  }
0x41: {  	_ =	shalt  }
0x42: {  	_ =	shalt  }
0x43: {  	_ =	shalt  }
0x44: {  	_ =	shalt  }
0x45: {  	_ =	shalt  }
0x46: {  	_ =	shalt  }
0x47: {  	_ =	shalt  }
0x48: {  	_ =	shalt  }
0x49: {  	_ =	shalt  }
0x4a: {  	_ =	shalt  }
0x4b: {  	_ =	shalt  }
0x4c: {  	_ =	shalt  }
0x4d: {  	_ =	shalt  }
0x4e: {  	_ =	shalt  }
0x4f: {  	_ =	shalt  }
0x50: {  	_ =	shalt  }
0x51: {  	_ =	shalt  }
0x52: {  	_ =	shalt  }
0x53: {  	_ =	shalt  }
0x54: {  	_ =	shalt  }
0x55: {  	_ =	shalt  }
0x56: {  	_ =	shalt  }
0x57: {  	_ =	shalt  }
0x58: {  	_ =	shalt  }
0x59: {  	_ =	shalt  }
0x5a: {  	_ =	shalt  }
0x5b: {  	_ =	shalt  }
0x5c: {  	_ =	shalt  }
0x5d: {  	_ =	shalt  }
0x5e: {  	_ =	shalt  }
0x5f: {  	_ =	shalt  }
0x60: {  	_ =	shalt  }
0x61: {  	_ =	shalt  }
0x62: {  	_ =	shalt  }
0x63: {  	_ =	shalt  }
0x64: {  	_ =	shalt  }
0x65: {  	_ =	shalt  }
0x66: {  	_ =	shalt  }
0x67: {  	_ =	shalt  }
0x68: {  	_ =	shalt  }
0x69: {  	_ =	shalt  }
0x6a: {  	_ =	shalt  }
0x6b: {  	_ =	shalt  }
0x6c: {  	_ =	shalt  }
0x6d: {  	_ =	shalt  }
0x6e: {  	_ =	shalt  }
0x6f: {  	_ =	shalt  }
0x70: {  	_ =	shalt  }
0x71: {  	_ =	shalt  }
0x72: {  	_ =	shalt  }
0x73: {  	_ =	shalt  }
0x74: {  	_ =	shalt  }
0x75: {  	_ =	shalt  }
0x76: {  	_ =	shalt  }
0x77: {  	_ =	shalt  }
0x78: {  	_ =	shalt  }
0x79: {  	_ =	shalt  }
0x7a: {  	_ =	shalt  }
0x7b: {  	_ =	shalt  }
0x7c: {  	_ =	shalt  }
0x7d: {  	_ =	shalt  }
0x7e: {  	_ =	shalt  }
0x7f: {  	_ =	shalt  }
0x80: {  	_ =	shalt  }
0x81: {  	_ =	shalt  }
0x82: {  	_ =	shalt  }
0x83: {  	_ =	shalt  }
0x84: {  	_ =	shalt  }
0x85: {  	_ =	shalt  }
0x86: {  	_ =	shalt  }
0x87: {  	_ =	shalt  }
.Lfunc_end0:
.L_simem_size_0:
called_computation_lowered:
.L_overlay_start_0:
0x88: {  	s2 =	sld [smem:$0x3FD9]  }
0x89: {  	s3 =	sld [smem:$0x3FFE];
	_ =	sdelay $0x1  }
0x8a: {  	s1 =	srdreg.scid  }
0x8b: {  	s0 =	sand.u32 $0x1, s1  }
0x8c: {  	s17 =	sshll.u32 s0, $0xA;
	s2 =	sadd.s32 s3, s2  }
0x8d: {  	s2 =	sadd.s32 s2, s17  }
0x8e: {  	[smem:$0x3FBB] =	sst s2  }
0x8f: {  	_ = 	snop  }
0x90: {  	s2 =	sld [smem:$0x3FC9];
	(tm) =	ssettm $0x1  }
0x91: {  	s18 =	sld [smem:$0x3FFB];
	_ =	sdelay $0x3  }
0x92: {  	_ =	strace s18  }
0x93: {  	s3 =	sld [smem:$0x3FFC];
	_ =	sdelay $0x3  }
0x94: {  	_ =	strace s3  }
0x95: {  	s3 =	sld [smem:$0x3FFD];
	_ =	sdelay $0x3  }
0x96: {  	_ =	strace s3  }
0x97: {  	_ =	strace $0x8FFFFFFF  }
0x98: {  	s19 =	sld [smem:$0x3FDB];
	_ =	sdelay $0x1  }
0x99: {  	s4 =	simm.s32 $_scs_section_size  }
0x9a: {  	s5 =	simm.s32 $_size__tile_overlayer_lowered;
	s6 =	simm.s32 $_tile_overlayer_lowered  }
0x9b: {  	s22 =	simm.s32 $0x1BFF;
	s21 =	sshll.u32 s6, $0x1;
	s3 =	sadd.s32 s4, s19  }
0x9c: {  	s7 =	simm.s32 $0x0;
	s20 =	sshll.u32 s5, $0x1;
	s5 =	sadd.s32 s21, s3  }
0x9d: {  	[timem:s7], [sflag:s22] =	dma.local [hbm:s5], s20  }
0x9e: {  	_ =	swait.ge [sflag:s22], s20  }
0x9f: {  	s4 =	ssub.s32 $0x0, s20;
	[sflag:s22] =	ssyncset.done $0x0  }
0xa0: {  	[sflag:s22] =	ssyncadd.s32 s4;
	_ =	sdelay $0x1  }
0xa1: {  	s23 =	simm.s32 $0x1B8B  }
0xa2: {  	_ =	swait.ge [sflag:s23], $0x1  }
0xa3: {  	[sflag:s23] =	ssyncset.done $0x0  }
0xa4: {  	s25 =	simm.s32 $0x1B8E;
	s24 =	sld [smem:$0x3FFE];
	[sflag:s23] =	ssyncadd.s32 $0xFFFFFFFF  }
0xa5: {  	s26 =	simm.s32 $execute0_lowered;
	[smem:$0x3FD2] =	sst s25  }
0xa6: {  	s5 =	sshll.u32 s26, $0x1;
	_ =	strace $0x80000046;
	[dreg:$0x1] =	wrdreg $0xFFFFFFFF  }
0xa7: {  	s28 =	simm.s32 $_size_execute0_lowered;
	s3 =	sadd.s32 s3, s5;
	[dreg:$0x0] =	wrdreg $0x0  }
0xa8: {  	s5 =	sshll.u32 s28, $0x1;
	[dreg:$0x2] =	wrdreg s3  }
0xa9: {  	[dreg:$0x3] =	wrdreg s5  }
0xaa: {  	[dreg:$0x4] =	wrdreg $0xC0  }
0xab: {  	_ =	task [dreg:s7], $0x5FFFF  }
0xac: {  	[dreg:$0x1] =	wrdreg $0xFFFFFFFF  }
0xad: {  	[dreg:$0x0] =	wrdreg $0x60  }
0xae: {  	[dreg:$0x2] =	wrdreg s2  }
0xaf: {  	[dreg:$0x3] =	wrdreg s24  }
0xb0: {  	[dreg:$0x4] =	wrdreg $0x9  }
0xb1: {  	_ =	task.clear_ibuf [dreg:s7], $0x5FFFF;
	_ =	strace $0x90000046  }
0xb2: {  	s29 =	simm.s32 $0x9;
	_ =	strace $0x80000048  }
0xb3: {  	_ =	swait.ge [sflag:s29], $0x1  }
0xb4: {  	[sflag:s29] =	ssyncadd.s32 $0xFFFFFFFF  }
0xb5: {  	_ =	strace $0x90000048  }
0xb6: {  	_ =	sfence  }
0xb7: {  	s30 =	sld [smem:$0x0];
	_ =	sdelay $0x2  }
0xb8: {  	s31 =	sshll.u32 s1, $0xD;
	s1 =	sshrl.u32 s1, $0x2  }
0xb9: {  	s3 =	sand.u32 $0x4000, s31;
	s1 =	sadd.s32 s1, s30  }
0xba: {  	s0 =	sor.u32 s3, s0;
	s1 =	sshll.u32 s1, $0x11  }
0xbb: {  	s0 =	sor.u32 s1, s0  }
0xbc: {  	s0 =	sadd.s32 $0x8F2B, s0  }
0xbd: {  	[sflag:s0] =	ssyncadd.remote.s32 $0x1  }
0xbe: {  	_ =	sfence.sel $0xFFFF  }
0xbf: {  	[dreg:$0x0] =	wrdreg $0xFFFFFFFF;
	(pc) =	sbr.abs _section_cstart, $3  }
0xc0: {  	[dreg:$0x1] =	wrdreg $0xFFFFFFFF  }
0xc1: {  	_ =	task.clear_ibuf [dreg:s7], $0x2FFFF;
	_ =	strace $0x9FFFFFFF  }
0xc2: {  	(tm) =	ssettm $0x7FFFFFFF  }
0xc3: {  	_ =	shalt  }
tec
execute0_lowered:
.L_overlay_start_1:
0x0: {  	(tag) =	ssettag $0x1  }
0x1: {  	s1 =	rddreg [dreg:$0x0]  }
0x2: {  	s4 =	rddreg [dreg:$0x1]  }
0x3: {  	s0 =	rddreg [dreg:$0x2]  }
0x4: {  	s3 =	simm.s32 $0x0;
	s5 =	srdreg.scid;
	s2 =	stileid.u32  }
0x5: {  	[smem:$0x7FF] =	sst s3;
	s5 =	sand.u32 $0x1, s5;
	s6 =	sshll.u32 s2, $0x5  }
0x6: {  	s7 =	sshll.u32 s2, $0xC;
	_ =	strace $0x80000047;
	s8 =	ssub.s32 $0x2, s5  }
0x7: {  	s6 =	sadd.s32 s6, s4;
	s7 =	sadd.s32 s7, s4;
	s9 =	sshll.u32 s5, $0xB  }
0x8: {  	s5 =	sshll.u32 s5, $0x4;
	s4 =	sshll.u32 s2, $0x1;
	s30 =	sshrl.u32 s8, $0x1  }
0x9: {  	s7 =	sadd.s32 s9, s7;
	s31 =	sadd.s32 s5, s6;
	s8 =	ssub.s32 s8, s30  }
0xa: {  	s6 =	sadd.s32 $0xC400, s7;
	s7 =	sadd.s32 $0x2600, s31;
	s5 =	smax.u32 s8, $0x1  }
.LBB2_1:
0xb: {  	s8 =	sadd.s32 $0x0, s4  }
0xc: {  	p0 =	sgt.u32 s8, $0x9C3  }
0xd: {  	s8 =	simm.s32 @!p0 $0x0;
	s9 =	simm.s32 @!p0 $0x3  }
0xe: {  	[tilespmem:s8], [sflag:$0x3] =	stream.linear.gather @!p0 [hbm4b:s7+s8], $0x80, $0x38;
	[tilespmem:$0x4080] =	vst v63  }
0xf: {  	_ =	swait.ge @!p0 [sflag:s9], $0x80  }
0x10: {  	[sflag:s9] =	ssyncset.done @!p0 $0x0;
	p0 =	por p0, p0  }
0x11: {  	[sflag:s9] =	ssyncadd.s32 @!p0 $0xFFFFFF80;
	s10 =	simm.s32 @!p0 $0x80;
	s11 =	simm.s32 @!p0 $0x1  }
0x12: {  	[tilespmem:s10], [sflag:$0x1] =	stream.indirect.gather @!p0 [hbm4b:s1+s10], $0x80, s8, s10, $0xb8;
	[tilespmem:$0x4080] =	vst v63  }
0x13: {  	_ =	swait.ge @!p0 [sflag:s11], $0x4000  }
0x14: {  	[sflag:s11] =	ssyncset.done @!p0 $0x0  }
0x15: {  	s31 =	sadd.s32 $0x20, s4;
	[sflag:s11] =	ssyncadd.s32 @!p0 $0xFFFFC000;
	s11 =	simm.s32 @!p0 $0x2  }
0x16: {  	[hbm4b:s6+s8] =	stream.linear.scatter @!p0 [tilespmem:s10], [sflag:$0x2], $0x4000, $0x38;
	[tilespmem:$0x4080] =	vst v63  }
0x17: {  	p1 =	sgt.u32 s31, $0x9C3;
	s9 =	simm.s32 $0x40;
	_ =	swait.ge @!p0 [sflag:s11], $0x4000  }
0x18: {  	s10 =	sadd.s32 $0x200, s7;
	s8 =	sadd.s32 $0x10000, s6;
	[sflag:s11] =	ssyncset.done @!p0 $0x0  }
.LBB2_2:
0x19: {  	s12 =	simm.s32 @!p1 $0x0;
	s13 =	simm.s32 @!p1 $0x3;
	[sflag:s11] =	ssyncadd.s32 @!p0 $0xFFFFC000  }
0x1a: {  	[tilespmem:s12], [sflag:$0x3] =	stream.linear.gather @!p1 [hbm4b:s10+s12], $0x80, $0x38;
	[tilespmem:$0x4080] =	vst v63  }
0x1b: {  	s14 =	smov.u32 s9;
	s9 =	sadd.s32 $0x20, s9;
	_ =	swait.ge @!p1 [sflag:s13], $0x80  }
0x1c: {  	p0 =	por p1, p1;
	p2 =	sne.s32 s9, $0x9E0;
	[sflag:s13] =	ssyncset.done @!p1 $0x0  }
0x1d: {  	s11 =	simm.s32 @!p0 $0x1;
	[sflag:s13] =	ssyncadd.s32 @!p0 $0xFFFFFF80;
	s13 =	simm.s32 @!p0 $0x80  }
0x1e: {  	[tilespmem:s13], [sflag:$0x1] =	stream.indirect.gather @!p0 [hbm4b:s1+s13], $0x80, s12, s13, $0xb8;
	[tilespmem:$0x4080] =	vst v63  }
0x1f: {  	_ =	swait.ge @!p0 [sflag:s11], $0x4000  }
.Ltmp0:
0x20: {  	[sflag:s11] =	ssyncset.done @!p0 $0x0;
	(pc) =	sbr.rel @p2 .LBB2_2-.Ltmp0, $4  }
0x21: {  	[sflag:s11] =	ssyncadd.s32 @!p0 $0xFFFFC000;
	s11 =	simm.s32 @!p0 $0x2  }
0x22: {  	[hbm4b:s8+s12] =	stream.linear.scatter @!p0 [tilespmem:s13], [sflag:$0x2], $0x4000, $0x38;
	[tilespmem:$0x4080] =	vst v63  }
0x23: {  	s10 =	sadd.s32 $0x200, s10;
	s12 =	sadd.s32 s14, s4;
	_ =	swait.ge @!p0 [sflag:s11], $0x4000  }
0x24: {  	s8 =	sadd.s32 $0x10000, s8;
	p1 =	sgt.u32 s12, $0x9C3;
	[sflag:s11] =	ssyncset.done @!p0 $0x0  }
0x25: {  	s9 =	simm.s32 @!p1 $0x0;
	s12 =	simm.s32 @!p1 $0x3;
	[sflag:s11] =	ssyncadd.s32 @!p0 $0xFFFFC000  }
0x26: {  	[tilespmem:s9], [sflag:$0x3] =	stream.linear.gather @!p1 [hbm4b:s10+s9], $0x80, $0x38;
	[tilespmem:$0x4080] =	vst v63  }
0x27: {  	_ =	swait.ge @!p1 [sflag:s12], $0x80  }
0x28: {  	p0 =	por p1, p1;
	[sflag:s12] =	ssyncset.done @!p1 $0x0  }
0x29: {  	s10 =	simm.s32 @!p0 $0x80;
	s11 =	simm.s32 @!p0 $0x1;
	[sflag:s12] =	ssyncadd.s32 @!p0 $0xFFFFFF80  }
0x2a: {  	[tilespmem:s10], [sflag:$0x1] =	stream.indirect.gather @!p0 [hbm4b:s1+s10], $0x80, s9, s10, $0xb8;
	[tilespmem:$0x4080] =	vst v63  }
0x2b: {  	s3 =	sadd.s32 $0x1, s3;
	_ =	swait.ge @!p0 [sflag:s11], $0x4000  }
0x2c: {  	p1 =	sne.s32 s3, s5;
	[sflag:s11] =	ssyncset.done @!p0 $0x0  }
.Ltmp1:
0x2d: {  	[sflag:s11] =	ssyncadd.s32 @!p0 $0xFFFFC000;
	s11 =	simm.s32 @!p0 $0x2;
	(pc) =	sbr.rel @p1 .LBB2_1-.Ltmp1, $4  }
0x2e: {  	[hbm4b:s8+s9] =	stream.linear.scatter @!p0 [tilespmem:s10], [sflag:$0x2], $0x4000, $0x38;
	[tilespmem:$0x4080] =	vst v63  }
0x2f: {  	_ =	swait.ge @!p0 [sflag:s11], $0x4000  }
0x30: {  	[sflag:s11] =	ssyncset.done @!p0 $0x0  }
0x31: {  	[sflag:s11] =	ssyncadd.s32 @!p0 $0xFFFFC000  }
0x32: {  	_ =	sfence.sel $0x180000  }
0x33: {  	[bflag:$0x0] =	sbarrier.arrive $0xFFFF  }
0x34: {  	p0 =	sne.s32 s2, $0x0;
	_ =	strace $0x90000047  }
0x35: {  	s0 =	sadd.s32 @!p0 $0x100000, s0;
	[bflag:$0x2] =	sbarrier.arrive $0xFFFF  }
0x36: {  	[sflag:s0] =	ssyncadd.tile.s32 @!p0 $0x1;
	_ =	shalt  }
.Lfunc_end2:
_tile_overlayer_lowered:
.L_overlay_start_2:
0x37: {  	(tag) =	ssettag $0x2  }
0x38: {  	s0 =	rddreg [dreg:$0x0];
	s2 =	stileid.u32  }
0x39: {  	s1 =	rddreg [dreg:$0x1];
	p0 =	sne.s32 s2, $0x0  }
0x3a: {  	s3 =	rddreg [dreg:$0x2];
	[bflag:$0x3] =	sbarrier.arrive $0xFFFF;
	s2 =	simm.s32 @!p0 $0x1C02  }
0x3b: {  	[timem:s3], [sflag:s2] =	dma.local @!p0 [hbm:s0], s1  }
0x3c: {  	s0 =	simm.s32 @!p0 $0x2  }
0x3d: {  	_ =	swait.ge @!p0 [sflag:s0], s1  }
0x3e: {  	s1 =	ssub.s32 @!p0 $0x0, s1;
	[sflag:s0] =	ssyncset.done @!p0 $0x0  }
0x3f: {  	[sflag:s0] =	ssyncadd.s32 @!p0 s1  }
0x40: {  	[bflag:$0x3] =	sbarrier.arrive $0xFFFF  }
0x41: {  	_ =	shalt  }

// kernel: kernel.9.cloned.1.call-start
scs
__scs_entry_jumppad:
0x0: {  	(pc) =	sbr.rel $0x88, $3  }
0x1: {  	(tag) =	ssettag $0x0;
	lr =	simm.s32 $0x1  }
0x2: {  	[smem:$0x3F94] =	sst lr;
	_ =	strace $0xD0000000  }
0x3: {  	_ = 	snop  }
0x4: {  	_ = 	snop  }
0x5: {  	_ = 	snop  }
0x6: {  	_ = 	snop  }
0x7: {  	_ = 	snop  }
__scs_overlays_trampoline_lowered:
0x8: {  	[smem:$0x3FA3] =	sst s0  }
0x9: {  	[smem:$0x3FA4] =	sst s1  }
0xa: {  	[smem:$0x3FA5] =	sst s2  }
0xb: {  	[smem:$0x3FA6] =	sst s3  }
0xc: {  	[smem:$0x3FA7] =	sst s4  }
0xd: {  	[smem:$0x3FA8] =	sst s5  }
0xe: {  	[smem:$0x3FA9] =	sst s6  }
0xf: {  	[smem:$0x3FAA] =	sst s7  }
0x10: {  	[smem:$0x3FAB] =	sst s8  }
0x11: {  	[smem:$0x3FAC] =	sst s9;
	s0 =	simm.s32 @!p0 $0x0  }
0x12: {  	s1 =	sld [smem:$0x3F92];
	s0 =	simm.s32 @p0 $0x1  }
0x13: {  	[smem:$0x3FAD] =	sst s0;
	s0 =	simm.s32 @!p1 $0x0  }
0x14: {  	s2 =	sld [smem:$0x3F91];
	s0 =	simm.s32 @p1 $0x1  }
0x15: {  	[smem:$0x3FAE] =	sst s0;
	s0 =	simm.s32 @!p2 $0x0  }
0x16: {  	s3 =	sld [smem:$0x3FDB];
	s0 =	simm.s32 @p2 $0x1  }
0x17: {  	s4 =	simm.s32 $0x1BF5;
	[smem:$0x3FB0] =	sst s0  }
0x18: {  	s0 =	sld [smem:$0x3F93];
	_ =	swait.ge [sflag:s4], $0x0  }
0x19: {  	s7 =	sld [smem:$0x3F94]  }
0x1a: {  	s8 =	sadd.s32 $0xFFFFE003, lr  }
0x1b: {  	s9 =	sadd.s32 $0xFFFFFEF7, lr;
	s5 =	simm.s32 $0xFFFFFFFF;
	p2 =	slt.u32 s8, $0xFFFFF086  }
0x1c: {  	p1 =	slt.u32 s9, $0xF7A;
	s5 =	simm.s32 @!p2 $0x0  }
0x1d: {  	s5 =	simm.s32 @p1 $0x1;
	p0 =	seq.s32 s7, s2  }
0x1e: {  	s7 =	smul.u32 @!p0 $0xF7A, s2;
	p2 =	seq.s32 @!p0 s5, $0x0  }
0x1f: {  	s9 =	smul.u32 $0xF7A, s1;
	s8 =	simm.s32 @!p0 $0x1BF5;
	p2 =	por !p2, p0  }
0x20: {  	[sflag:s8] =	ssyncset.s32 @!p0 $0xFFFFF086;
	s6 =	sadd.s32 @!p0 s3, s7;
	s7 =	simm.s32 @!p0 $0x108  }
0x21: {  	s3 =	sadd.s32 s3, s9;
	s6 =	sadd.s32 @!p0 $0x88, s6;
	s7 =	simm.s32 @p2 $0x1082  }
0x22: {  	[simem:s7], [sflag:s8] =	dma.local @!p0 [hbm:s6], $0xF7A  }
0x23: {  	s9 =	sor.u32 $0xD0000000, s2;
	s6 =	simm.s32 $0x108;
	_ =	swait.ge @!p0 [sflag:s8], $0x0  }
0x24: {  	s3 =	sadd.s32 $0x88, s3;
	s6 =	simm.s32 @!p1 $0x1082;
	[sflag:s4] =	ssyncset.s32 $0xFFFFF086  }
0x25: {  	[simem:s6], [sflag:s4] =	dma.local [hbm:s3], $0xF7A  }
0x26: {  	[smem:$0x3F94] =	sst s1;
	(tag) =	ssettag s2;
	_ =	strace s9  }
0x27: {  	s1 =	sld [smem:$0x3FA4]  }
0x28: {  	s2 =	sld [smem:$0x3FA5]  }
0x29: {  	s4 =	sld [smem:$0x3FA7]  }
0x2a: {  	p0 =	seq.s32 s5, $0x0;
	s5 =	sld [smem:$0x3FA8]  }
0x2b: {  	s6 =	sld [smem:$0x3FA9]  }
0x2c: {  	s7 =	sld [smem:$0x3FAA]  }
0x2d: {  	s3 =	simm.s32 $0x108;
	s8 =	sld [smem:$0x3FAB]  }
0x2e: {  	s3 =	simm.s32 @!p0 $0x1082;
	s9 =	sld [smem:$0x3FAC]  }
0x2f: {  	lr =	sadd.s32 s0, s3;
	s0 =	sld [smem:$0x3FA3]  }
0x30: {  	s3 =	sld [smem:$0x3FA6]  }
0x31: {  	[smem:$0x3FAF] =	sst s10  }
0x32: {  	s10 =	sld [smem:$0x3FAD];
	_ =	sdelay $0x3  }
0x33: {  	p0 =	seq.s32 s10, $0x1;
	s10 =	sld [smem:$0x3FAF];
	_ =	sdelay $0x3  }
0x34: {  	[smem:$0x3FAF] =	sst s10  }
0x35: {  	s10 =	sld [smem:$0x3FAE];
	_ =	sdelay $0x3  }
0x36: {  	p1 =	seq.s32 s10, $0x1;
	s10 =	sld [smem:$0x3FAF];
	_ =	sdelay $0x3  }
0x37: {  	[smem:$0x3FAF] =	sst s10  }
0x38: {  	s10 =	sld [smem:$0x3FB0]  }
0x39: {  	_ = 	snop;
	(pc) =	sbr.ind lr, $3  }
0x3a: {  	_ = 	snop  }
0x3b: {  	_ = 	snop  }
0x3c: {  	p2 =	seq.s32 s10, $0x1;
	s10 =	sld [smem:$0x3FAF]  }
0x3d: {  	_ =	shalt  }
0x3e: {  	_ =	shalt  }
0x3f: {  	_ =	shalt  }
0x40: {  	_ =	shalt  }
0x41: {  	_ =	shalt  }
0x42: {  	_ =	shalt  }
0x43: {  	_ =	shalt  }
0x44: {  	_ =	shalt  }
0x45: {  	_ =	shalt  }
0x46: {  	_ =	shalt  }
0x47: {  	_ =	shalt  }
0x48: {  	_ =	shalt  }
0x49: {  	_ =	shalt  }
0x4a: {  	_ =	shalt  }
0x4b: {  	_ =	shalt  }
0x4c: {  	_ =	shalt  }
0x4d: {  	_ =	shalt  }
0x4e: {  	_ =	shalt  }
0x4f: {  	_ =	shalt  }
0x50: {  	_ =	shalt  }
0x51: {  	_ =	shalt  }
0x52: {  	_ =	shalt  }
0x53: {  	_ =	shalt  }
0x54: {  	_ =	shalt  }
0x55: {  	_ =	shalt  }
0x56: {  	_ =	shalt  }
0x57: {  	_ =	shalt  }
0x58: {  	_ =	shalt  }
0x59: {  	_ =	shalt  }
0x5a: {  	_ =	shalt  }
0x5b: {  	_ =	shalt  }
0x5c: {  	_ =	shalt  }
0x5d: {  	_ =	shalt  }
0x5e: {  	_ =	shalt  }
0x5f: {  	_ =	shalt  }
0x60: {  	_ =	shalt  }
0x61: {  	_ =	shalt  }
0x62: {  	_ =	shalt  }
0x63: {  	_ =	shalt  }
0x64: {  	_ =	shalt  }
0x65: {  	_ =	shalt  }
0x66: {  	_ =	shalt  }
0x67: {  	_ =	shalt  }
0x68: {  	_ =	shalt  }
0x69: {  	_ =	shalt  }
0x6a: {  	_ =	shalt  }
0x6b: {  	_ =	shalt  }
0x6c: {  	_ =	shalt  }
0x6d: {  	_ =	shalt  }
0x6e: {  	_ =	shalt  }
0x6f: {  	_ =	shalt  }
0x70: {  	_ =	shalt  }
0x71: {  	_ =	shalt  }
0x72: {  	_ =	shalt  }
0x73: {  	_ =	shalt  }
0x74: {  	_ =	shalt  }
0x75: {  	_ =	shalt  }
0x76: {  	_ =	shalt  }
0x77: {  	_ =	shalt  }
0x78: {  	_ =	shalt  }
0x79: {  	_ =	shalt  }
0x7a: {  	_ =	shalt  }
0x7b: {  	_ =	shalt  }
0x7c: {  	_ =	shalt  }
0x7d: {  	_ =	shalt  }
0x7e: {  	_ =	shalt  }
0x7f: {  	_ =	shalt  }
0x80: {  	_ =	shalt  }
0x81: {  	_ =	shalt  }
0x82: {  	_ =	shalt  }
0x83: {  	_ =	shalt  }
0x84: {  	_ =	shalt  }
0x85: {  	_ =	shalt  }
0x86: {  	_ =	shalt  }
0x87: {  	_ =	shalt  }
.Lfunc_end0:
.L_simem_size_0:
called_computation.1_lowered:
.L_overlay_start_0:
0x88: {  	s2 =	sld [smem:$0x3FD9]  }
0x89: {  	s3 =	sld [smem:$0x3FFE];
	_ =	sdelay $0x1  }
0x8a: {  	s1 =	srdreg.scid  }
0x8b: {  	s0 =	sand.u32 $0x1, s1  }
0x8c: {  	s17 =	sshll.u32 s0, $0xA;
	s2 =	sadd.s32 s3, s2  }
0x8d: {  	s2 =	sadd.s32 s2, s17  }
0x8e: {  	[smem:$0x3FBB] =	sst s2  }
0x8f: {  	_ = 	snop  }
0x90: {  	s2 =	sld [smem:$0x3FD0];
	(tm) =	ssettm $0x1  }
0x91: {  	s18 =	sld [smem:$0x3FFB];
	_ =	sdelay $0x3  }
0x92: {  	_ =	strace s18  }
0x93: {  	s3 =	sld [smem:$0x3FFC];
	_ =	sdelay $0x3  }
0x94: {  	_ =	strace s3  }
0x95: {  	s3 =	sld [smem:$0x3FFD];
	_ =	sdelay $0x3  }
0x96: {  	_ =	strace s3  }
0x97: {  	_ =	strace $0x8FFFFFFF  }
0x98: {  	s19 =	sld [smem:$0x3FDB];
	_ =	sdelay $0x1  }
0x99: {  	s4 =	simm.s32 $_scs_section_size  }
0x9a: {  	s5 =	simm.s32 $_size__tile_overlayer_lowered;
	s6 =	simm.s32 $_tile_overlayer_lowered  }
0x9b: {  	s22 =	simm.s32 $0x1BFF;
	s21 =	sshll.u32 s6, $0x1;
	s3 =	sadd.s32 s4, s19  }
0x9c: {  	s7 =	simm.s32 $0x0;
	s20 =	sshll.u32 s5, $0x1;
	s5 =	sadd.s32 s21, s3  }
0x9d: {  	[timem:s7], [sflag:s22] =	dma.local [hbm:s5], s20  }
0x9e: {  	_ =	swait.ge [sflag:s22], s20  }
0x9f: {  	s4 =	ssub.s32 $0x0, s20;
	[sflag:s22] =	ssyncset.done $0x0  }
0xa0: {  	[sflag:s22] =	ssyncadd.s32 s4;
	_ =	sdelay $0x1  }
0xa1: {  	s23 =	simm.s32 $0x1B8B  }
0xa2: {  	_ =	swait.ge [sflag:s23], $0x1  }
0xa3: {  	[sflag:s23] =	ssyncset.done $0x0  }
0xa4: {  	s25 =	simm.s32 $0x1B8E;
	s24 =	sld [smem:$0x3FFE];
	[sflag:s23] =	ssyncadd.s32 $0xFFFFFFFF  }
0xa5: {  	s26 =	simm.s32 $execute0_lowered;
	[smem:$0x3FD2] =	sst s25  }
0xa6: {  	s5 =	sshll.u32 s26, $0x1;
	_ =	strace $0x80000049;
	[dreg:$0x1] =	wrdreg $0xFFFFFFFF  }
0xa7: {  	s28 =	simm.s32 $_size_execute0_lowered;
	s3 =	sadd.s32 s3, s5;
	[dreg:$0x0] =	wrdreg $0x0  }
0xa8: {  	s5 =	sshll.u32 s28, $0x1;
	[dreg:$0x2] =	wrdreg s3  }
0xa9: {  	[dreg:$0x3] =	wrdreg s5  }
0xaa: {  	[dreg:$0x4] =	wrdreg $0xC0  }
0xab: {  	_ =	task [dreg:s7], $0x5FFFF  }
0xac: {  	[dreg:$0x1] =	wrdreg $0xFFFFFFFF  }
0xad: {  	[dreg:$0x0] =	wrdreg $0x60  }
0xae: {  	[dreg:$0x2] =	wrdreg s24  }
0xaf: {  	[dreg:$0x3] =	wrdreg s2  }
0xb0: {  	[dreg:$0x4] =	wrdreg $0x9  }
0xb1: {  	_ =	task.clear_ibuf [dreg:s7], $0x5FFFF;
	_ =	strace $0x90000049  }
0xb2: {  	s29 =	simm.s32 $0x9;
	_ =	strace $0x8000004B  }
0xb3: {  	_ =	swait.ge [sflag:s29], $0x1  }
0xb4: {  	[sflag:s29] =	ssyncadd.s32 $0xFFFFFFFF  }
0xb5: {  	_ =	strace $0x9000004B  }
0xb6: {  	_ =	sfence  }
0xb7: {  	s30 =	sld [smem:$0x0];
	_ =	sdelay $0x2  }
0xb8: {  	s31 =	sshll.u32 s1, $0xD;
	s1 =	sshrl.u32 s1, $0x2  }
0xb9: {  	s3 =	sand.u32 $0x4000, s31;
	s1 =	sadd.s32 s1, s30  }
0xba: {  	s0 =	sor.u32 s3, s0;
	s1 =	sshll.u32 s1, $0x11  }
0xbb: {  	s0 =	sor.u32 s1, s0  }
0xbc: {  	s0 =	sadd.s32 $0x8F2B, s0  }
0xbd: {  	[sflag:s0] =	ssyncadd.remote.s32 $0x1  }
0xbe: {  	_ =	sfence.sel $0xFFFF  }
0xbf: {  	[dreg:$0x0] =	wrdreg $0xFFFFFFFF;
	(pc) =	sbr.abs _section_cstart, $3  }
0xc0: {  	[dreg:$0x1] =	wrdreg $0xFFFFFFFF  }
0xc1: {  	_ =	task.clear_ibuf [dreg:s7], $0x2FFFF;
	_ =	strace $0x9FFFFFFF  }
0xc2: {  	(tm) =	ssettm $0x7FFFFFFF  }
0xc3: {  	_ =	shalt  }
tec
execute0_lowered:
.L_overlay_start_1:
0x0: {  	(tag) =	ssettag $0x1  }
0x1: {  	s0 =	srdreg.scid  }
0x2: {  	s2 =	stileid.u32;
	s1 =	rddreg [dreg:$0x0]  }
0x3: {  	s9 =	simm.s32 $0x1900;
	s10 =	simm.s32 $0x2;
	s11 =	simm.s32 $0x80  }
0x4: {  	s12 =	simm.s32 $0x7300;
	s13 =	simm.s32 $0x3200;
	s14 =	simm.s32 $0x1  }
0x5: {  	s15 =	simm.s32 $0x7200;
	s16 =	simm.s32 $0x7380;
	s17 =	simm.s32 $0x11380  }
0x6: {  	s18 =	simm.s32 $0x3;
	s0 =	sand.u32 $0x1, s0;
	s3 =	sshll.u32 s2, $0x1  }
0x7: {  	s19 =	simm.s32 $0x4;
	s2 =	rddreg [dreg:$0x1];
	s5 =	sor.u32 s0, s3  }
0x8: {  	s4 =	sadd.s32 $0x4EE400, s1;
	s3 =	simm.s32 $0x0;
	s6 =	smul.u32 $0x1400, s5  }
0x9: {  	s0 =	ssub.s32 $0x2, s0;
	s31 =	sadd.s32 $0x320, s2;
	s7 =	smul.u32 $0x280, s5  }
.Ltmp0:
0xa: {  	[smem:$0x7FF] =	sst s3;
	s30 =	sshrl.u32 s0, $0x1;
	(pc) =	sbr.rel .LBB2_1-.Ltmp0, $4  }
0xb: {  	v1 =	vimm.f32 $0.0e+00;
	v2 =	vlaneseq.u32;
	v3 =	vimm.s32 $0x0;
	s5 =	smul.u32 $0x140, s5;
	_ =	strace $0x8000004A;
	s6 =	sadd.s32 s6, s1  }
0xc: {  	v11 =	vimm.f32 $1.000000000e+00;
	v4 =	vor.u32 $0x10, v2;
	v5 =	vor.u32 $0x20, v2;
	[dreg:$0x3] =	wrdreg s31;
	s1 =	sadd.s32 s7, s1;
	s6 =	sadd.s32 $0x7600, s6  }
0xd: {  	v6 =	vor.u32 $0x30, v2;
	v7 =	vor.u32 $0x40, v2;
	v8 =	vor.u32 $0x50, v2;
	s0 =	ssub.s32 s0, s30;
	s1 =	sadd.s32 $0x2600, s1;
	[dreg:$0x4] =	wrdreg s6  }
0xe: {  	s20 =	simm.s32 $0x0;
	v9 =	vor.u32 $0x60, v2;
	v10 =	vor.u32 $0x70, v2;
	s8 =	smax.u32 s0, $0x1;
	v0 =	vmov s5;
	[dreg:$0x5] =	wrdreg s1  }
.LBB2_22:
0xf: {  	s1 =	simm.s32 $0x3240  }
.LBB2_26:
0x10: {  	_ =	sdelay $0x3  }
0x11: {  	[tilespmem:v13+s17+$0x0] =	vst.idx.add.f32.msk @p0 $0x1, v11  }
0x12: {  	v12 =	vld.idx.msk [tilespmem:v12+s15+$0x0], $0xffff;
	_ =	sdelay $0x4  }
0x13: {  	s1 =	sadd.s32 @p0 $0x80, s1;
	v12 =	vshra.s32 v12, $0x13  }
0x14: {  	s0 =	smov.u32 @p0 s1;
	v57 =	vshll.u32 v12, $0x7  }
0x15: {  	v14 =	vld [tilespmem:s0+$0xFFFFFFC0];
	v15 =	vor.u32 v2, v57;
	_ =	sdelay $0x4  }
0x16: {  	[tilespmem:v15+s16+$0x0] =	vst.idx.add.f32.msk $0xffff, v14  }
0x17: {  	v58 =	vor.u32 v4, v57;
	v14 =	vld [tilespmem:s0+$0xFFFFFFD0];
	_ =	sdelay $0x4  }
0x18: {  	[tilespmem:v58+s16+$0x0] =	vst.idx.add.f32.msk $0xffff, v14  }
0x19: {  	v59 =	vor.u32 v5, v57;
	v14 =	vld [tilespmem:s0+$0xFFFFFFE0];
	_ =	sdelay $0x4  }
0x1a: {  	[tilespmem:v59+s16+$0x0] =	vst.idx.add.f32.msk $0xffff, v14  }
0x1b: {  	v60 =	vor.u32 v6, v57;
	v14 =	vld [tilespmem:s0+$0xFFFFFFF0];
	_ =	sdelay $0x4  }
0x1c: {  	[tilespmem:v60+s16+$0x0] =	vst.idx.add.f32.msk $0xffff, v14  }
0x1d: {  	v61 =	vor.u32 v7, v57;
	v14 =	vld [tilespmem:s0+$0x0];
	_ =	sdelay $0x4  }
0x1e: {  	[tilespmem:v61+s16+$0x0] =	vst.idx.add.f32.msk $0xffff, v14  }
0x1f: {  	v62 =	vor.u32 v8, v57;
	v14 =	vld [tilespmem:s0+$0x10];
	_ =	sdelay $0x4  }
0x20: {  	[tilespmem:v62+s16+$0x0] =	vst.idx.add.f32.msk $0xffff, v14  }
0x21: {  	v63 =	vor.u32 v9, v57;
	v14 =	vld [tilespmem:s0+$0x20];
	_ =	sdelay $0x4  }
0x22: {  	[tilespmem:v63+s16+$0x0] =	vst.idx.add.f32.msk $0xffff, v14  }
0x23: {  	v12 =	vshll.u32 v12, $0x4;
	v13 =	vor.u32 v10, v57;
	v14 =	vld [tilespmem:s0+$0x30]  }
0x24: {  	v12 =	vor.u32 v2, v12;
	_ =	sdelay $0x3  }
0x25: {  	[tilespmem:v13+s16+$0x0] =	vst.idx.add.f32.msk $0xffff, v14  }
0x26: {  	[tilespmem:v12+s17+$0x0] =	vst.idx.add.f32.msk $0x1, v11  }
.LBB2_27:
0x27: {  	v12 =	vld [tilespmem:$0x7280]  }
0x28: {  	v13 =	vld [tilespmem:$0x7290]  }
0x29: {  	v14 =	vld [tilespmem:$0x72A0]  }
0x2a: {  	v15 =	vld [tilespmem:$0x72B0]  }
0x2b: {  	v16 =	vld [tilespmem:$0x72C0]  }
0x2c: {  	v61 =	vld [tilespmem:$0x72D0];
	[tilespmem:$0x7200] =	vst v12  }
0x2d: {  	v62 =	vld [tilespmem:$0x72E0];
	[tilespmem:$0x7210] =	vst v13  }
0x2e: {  	v63 =	vld [tilespmem:$0x72F0];
	[tilespmem:$0x7220] =	vst v14  }
0x2f: {  	[tilespmem:$0x7230] =	vst v15  }
0x30: {  	[tilespmem:$0x7240] =	vst v16  }
0x31: {  	[tilespmem:$0x7250] =	vst v61  }
0x32: {  	[tilespmem:$0x7260] =	vst v62  }
0x33: {  	s0 =	rddreg [dreg:$0x4];
	[tilespmem:$0x7270] =	vst v63  }
0x34: {  	[hbm4b:s0+s3] =	stream.linear.scatter [tilespmem:s16], [sflag:$0x4], $0xA000, $0x38;
	[tilespmem:$0x12780] =	vst v63  }
0x35: {  	s20 =	sadd.s32 $0x1, s20;
	_ =	swait.ge [sflag:s19], $0xA000  }
0x36: {  	p0 =	sne.s32 s20, s8;
	[sflag:s19] =	ssyncset.done $0x0  }
.Ltmp1:
0x37: {  	s31 =	rddreg [dreg:$0x5];
	[sflag:s19] =	ssyncadd.s32 $0xFFFF6000;
	(pc) =	sbr.rel @!p0 .LBB2_28-.Ltmp1, $4  }
0x38: {  	[hbm4b:s31+s3] =	stream.linear.scatter [tilespmem:s17], [sflag:$0x4], $0x1400, $0x38;
	[tilespmem:$0x12780] =	vst v63  }
0x39: {  	_ =	swait.ge [sflag:s19], $0x1400  }
0x3a: {  	[sflag:s19] =	ssyncset.done $0x0  }
0x3b: {  	[sflag:s19] =	ssyncadd.s32 $0xFFFFEC00  }
.LBB2_1:
0x3c: {  	s0 =	simm.s32 $0x0  }
.LBB2_2:
0x3d: {  	p0 =	sne.s32 s0, $0x27FC0  }
.Ltmp2:
0x3e: {  	_ = 	snop;
	(pc) =	sbr.rel @p0 .LBB2_2-.Ltmp2, $3  }
0x3f: {  	_ =	sdelay $0x1  }
0x40: {  	s1 =	sshra.s32 s0, $0x2  }
0x41: {  	s0 =	sadd.s32 $0x40, s0;
	[tilespmem:s1+$0x7380] =	vst v1  }
0x42: {  	s0 =	simm.s32 $0x40;
	s1 =	simm.s32 $0x0  }
.LBB2_4:
0x43: {  	p0 =	sne.s32 s0, $0x4FC0;
	[tilespmem:s1+$0x11380] =	vst v1;
	s1 =	smov.u32 s0;
	s0 =	sadd.s32 $0x40, s0  }
.Ltmp3:
0x44: {  	(pc) =	sbr.rel @p0 .LBB2_4-.Ltmp3, $2  }
0x45: {  	_ =	sdelay $0x2  }
0x46: {  	s1 =	sshra.s32 s1, $0x2  }
0x47: {  	[tilespmem:s1+$0x11380] =	vst v1  }
0x48: {  	[tilespmem:$0x7200] =	vst v3  }
0x49: {  	[tilespmem:$0x7210] =	vst v3  }
0x4a: {  	[tilespmem:$0x7220] =	vst v3  }
0x4b: {  	[tilespmem:$0x7230] =	vst v3  }
0x4c: {  	[tilespmem:$0x7240] =	vst v3  }
0x4d: {  	[tilespmem:$0x7250] =	vst v3  }
0x4e: {  	[tilespmem:$0x7260] =	vst v3  }
0x4f: {  	[tilespmem:$0x7270] =	vst v3  }
0x50: {  	[tilespmem:$0x7280] =	vst v3  }
0x51: {  	[tilespmem:$0x7290] =	vst v3  }
0x52: {  	[tilespmem:$0x72A0] =	vst v3  }
0x53: {  	[tilespmem:$0x72B0] =	vst v3  }
0x54: {  	[tilespmem:$0x72C0] =	vst v3  }
0x55: {  	[tilespmem:$0x72D0] =	vst v3  }
0x56: {  	[tilespmem:$0x72E0] =	vst v3  }
0x57: {  	s21 =	simm.s32 $0x0;
	[tilespmem:$0x72F0] =	vst v3  }
0x58: {  	[tilespmem:s21], [sflag:$0x2] =	stream.linear.gather [hbm4b:s2+s21], $0x1900, $0x38;
	[tilespmem:$0x12780] =	vst v63  }
0x59: {  	s0 =	rddreg [dreg:$0x3];
	s22 =	simm.s32 $0x0  }
0x5a: {  	[tilespmem:s9], [sflag:$0x3] =	stream.linear.gather [hbm4b:s0+s21], $0x1900, $0x38;
	[tilespmem:$0x12780] =	vst v63  }
.LBB2_6:
0x5b: {  	s23 =	smul.u32 $0x3200, s22  }
.Ltmp4:
0x5c: {  	_ =	swait.ge [sflag:s10], $0x1900;
	(pc) =	sbr.rel .LBB2_7-.Ltmp4, $4  }
0x5d: {  	[sflag:s10] =	ssyncset.done $0x0  }
0x5e: {  	s1 =	simm.s32 $0x0;
	[sflag:s10] =	ssyncadd.s32 $0xFFFFE700;
	s24 =	sor.u32 $0x10, s23  }
0x5f: {  	s25 =	sor.u32 $0x20, s23;
	s26 =	sor.u32 $0x30, s23;
	s28 =	sor.u32 $0x40, s23  }
0x60: {  	s29 =	sor.u32 $0x50, s23;
	s30 =	sor.u32 $0x60, s23;
	s31 =	sor.u32 $0x70, s23  }
.LBB2_10:
0x61: {  	_ =	sdelay $0x3  }
0x62: {  	[tilespmem:v13+s17+$0x0] =	vst.idx.add.f32.msk $0x1, v11  }
0x63: {  	v12 =	vld.idx.msk [tilespmem:v12+s15+$0x0], $0xffff;
	_ =	sdelay $0x4  }
0x64: {  	v12 =	vshra.s32 v12, $0x13  }
0x65: {  	s0 =	sadd.s32 $0x80, s0;
	v54 =	vshll.u32 v12, $0x7  }
0x66: {  	v14 =	vld [tilespmem:s0+$0xFFFFFFC0];
	v15 =	vor.u32 v2, v54;
	_ =	sdelay $0x4  }
0x67: {  	[tilespmem:v15+s16+$0x0] =	vst.idx.add.f32.msk $0xffff, v14  }
0x68: {  	v55 =	vor.u32 v4, v54;
	v14 =	vld [tilespmem:s0+$0xFFFFFFD0];
	_ =	sdelay $0x4  }
0x69: {  	[tilespmem:v55+s16+$0x0] =	vst.idx.add.f32.msk $0xffff, v14  }
0x6a: {  	v56 =	vor.u32 v5, v54;
	v14 =	vld [tilespmem:s0+$0xFFFFFFE0];
	_ =	sdelay $0x4  }
0x6b: {  	[tilespmem:v56+s16+$0x0] =	vst.idx.add.f32.msk $0xffff, v14  }
0x6c: {  	v57 =	vor.u32 v6, v54;
	v14 =	vld [tilespmem:s0+$0xFFFFFFF0];
	_ =	sdelay $0x4  }
0x6d: {  	[tilespmem:v57+s16+$0x0] =	vst.idx.add.f32.msk $0xffff, v14  }
0x6e: {  	v58 =	vor.u32 v7, v54;
	v14 =	vld [tilespmem:s0+$0x0];
	_ =	sdelay $0x4  }
0x6f: {  	[tilespmem:v58+s16+$0x0] =	vst.idx.add.f32.msk $0xffff, v14  }
0x70: {  	v59 =	vor.u32 v8, v54;
	v14 =	vld [tilespmem:s0+$0x10];
	_ =	sdelay $0x4  }
0x71: {  	[tilespmem:v59+s16+$0x0] =	vst.idx.add.f32.msk $0xffff, v14  }
0x72: {  	v60 =	vor.u32 v9, v54;
	v14 =	vld [tilespmem:s0+$0x20];
	_ =	sdelay $0x4  }
0x73: {  	[tilespmem:v60+s16+$0x0] =	vst.idx.add.f32.msk $0xffff, v14  }
0x74: {  	v12 =	vshll.u32 v12, $0x4;
	v13 =	vor.u32 v10, v54;
	v14 =	vld [tilespmem:s0+$0x30]  }
0x75: {  	v12 =	vor.u32 v2, v12;
	_ =	sdelay $0x3  }
0x76: {  	[tilespmem:v13+s16+$0x0] =	vst.idx.add.f32.msk $0xffff, v14  }
0x77: {  	[tilespmem:v12+s17+$0x0] =	vst.idx.add.f32.msk $0x1, v11  }
0x78: {  	v12 =	vld [tilespmem:$0x7280]  }
0x79: {  	v13 =	vld [tilespmem:$0x7290]  }
0x7a: {  	v14 =	vld [tilespmem:$0x72A0]  }
0x7b: {  	v15 =	vld [tilespmem:$0x72B0]  }
0x7c: {  	v16 =	vld [tilespmem:$0x72C0]  }
0x7d: {  	v61 =	vld [tilespmem:$0x72D0];
	[tilespmem:$0x7200] =	vst v12  }
0x7e: {  	v62 =	vld [tilespmem:$0x72E0];
	[tilespmem:$0x7210] =	vst v13  }
0x7f: {  	v63 =	vld [tilespmem:$0x72F0];
	[tilespmem:$0x7220] =	vst v14  }
0x80: {  	[tilespmem:$0x7230] =	vst v15  }
0x81: {  	[tilespmem:$0x7240] =	vst v16  }
0x82: {  	[tilespmem:$0x7250] =	vst v61  }
0x83: {  	[tilespmem:$0x7260] =	vst v62  }
0x84: {  	s21 =	sadd.s32 $0xFFFFFF80, s21;
	[tilespmem:$0x7270] =	vst v63  }
.LBB2_11:
0x85: {  	s1 =	sadd.s32 $0x1, s1  }
0x86: {  	p0 =	sne.s32 s1, $0x32  }
.Ltmp5:
0x87: {  	_ = 	snop;
	(pc) =	sbr.rel @!p0 .LBB2_12-.Ltmp5, $1  }
0x88: {  	_ =	sdelay $0x3  }
.LBB2_7:
0x89: {  	s0 =	sshll.u32 s1, $0x7  }
0x8a: {  	s5 =	sand.u32 $0x3FFFFF80, s0  }
0x8b: {  	v12 =	vld [tilespmem:s5+$0x0];
	_ =	sdelay $0x4  }
0x8c: {  	v12 =	vsub.s32 v12, v0  }
0x8d: {  	s6 =	sadd.s32 s23, s0;
	vm0 =	vlt.u32 v12, $0x140;
	v12 =	vshll.u32 v12, $0x13  }
0x8e: {  	v12 =	vor.u32 s6, v12;
	v13 =	vsel vm0, $0x1, v3  }
0x8f: {  	v12 =	vor.u32 v2, v12;
	(xrf0) =	vadd.scan.msk.s32 $0xffff, v13  }
0x90: {  	[tilespmem:s21+$0x7200] =	vst.msk vm0, v12  }
0x91: {  	v12 =	vld [tilespmem:s5+$0x10];
	_ =	sdelay $0x3  }
0x92: {  	v13, _, _ =	vpop (xrf0)  }
0x93: {  	(v2sf) =	vpush v13, $0xF;
	v12 =	vsub.s32 v12, v0  }
0x94: {  	vm9 =	vlt.u32 v12, $0x140  }
0x95: {  	v53 =	vsel vm9, $0x1, v3  }
0x96: {  	(xrf0) =	vadd.scan.msk.s32 $0xffff, v53;
	_ =	sdelay $0x5  }
0x97: {  	v13, _, _ =	vpop (xrf0)  }
0x98: {  	(v2sf) =	vpush v13, $0xF;
	_ =	sdelay $0x3  }
0x99: {  	s7 =	sadd.s32 s0, s24;
	v12 =	vshll.u32 v12, $0x13  }
0x9a: {  	v12 =	vor.u32 s7, v12;
	s7 =	spop (v2sf)  }
0x9b: {  	v12 =	vor.u32 v2, v12;
	s6 =	sadd.s32 s21, s7  }
0x9c: {  	[tilespmem:s6+$0x7200] =	vst.msk vm9, v12  }
0x9d: {  	v12 =	vld [tilespmem:s5+$0x20];
	_ =	sdelay $0x4  }
0x9e: {  	v12 =	vsub.s32 v12, v0  }
0x9f: {  	s7 =	sadd.s32 s0, s25;
	vm10 =	vlt.u32 v12, $0x140;
	v12 =	vshll.u32 v12, $0x13  }
0xa0: {  	v12 =	vor.u32 s7, v12;
	s21 =	spop (v2sf);
	v54 =	vsel vm10, $0x1, v3  }
0xa1: {  	s6 =	sadd.s32 s6, s21;
	v12 =	vor.u32 v2, v12;
	(xrf0) =	vadd.scan.msk.s32 $0xffff, v54  }
0xa2: {  	[tilespmem:s6+$0x7200] =	vst.msk vm10, v12  }
0xa3: {  	v12 =	vld [tilespmem:s5+$0x30];
	_ =	sdelay $0x3  }
0xa4: {  	v13, _, _ =	vpop (xrf0)  }
0xa5: {  	(v2sf) =	vpush v13, $0xF;
	v12 =	vsub.s32 v12, v0  }
0xa6: {  	vm11 =	vlt.u32 v12, $0x140  }
0xa7: {  	v55 =	vsel vm11, $0x1, v3  }
0xa8: {  	(xrf0) =	vadd.scan.msk.s32 $0xffff, v55;
	_ =	sdelay $0x5  }
0xa9: {  	v13, _, _ =	vpop (xrf0)  }
0xaa: {  	(v2sf) =	vpush v13, $0xF;
	_ =	sdelay $0x3  }
0xab: {  	s21 =	sadd.s32 s0, s26;
	v12 =	vshll.u32 v12, $0x13  }
0xac: {  	v12 =	vor.u32 s21, v12;
	s21 =	spop (v2sf)  }
0xad: {  	v12 =	vor.u32 v2, v12;
	s6 =	sadd.s32 s6, s21  }
0xae: {  	[tilespmem:s6+$0x7200] =	vst.msk vm11, v12  }
0xaf: {  	v12 =	vld [tilespmem:s5+$0x40];
	_ =	sdelay $0x4  }
0xb0: {  	v12 =	vsub.s32 v12, v0  }
0xb1: {  	s21 =	sadd.s32 s0, s28;
	vm12 =	vlt.u32 v12, $0x140;
	v12 =	vshll.u32 v12, $0x13  }
0xb2: {  	v12 =	vor.u32 s21, v12;
	s21 =	spop (v2sf);
	v56 =	vsel vm12, $0x1, v3  }
0xb3: {  	s6 =	sadd.s32 s6, s21;
	v12 =	vor.u32 v2, v12;
	(xrf0) =	vadd.scan.msk.s32 $0xffff, v56  }
0xb4: {  	[tilespmem:s6+$0x7200] =	vst.msk vm12, v12  }
0xb5: {  	v12 =	vld [tilespmem:s5+$0x50];
	_ =	sdelay $0x3  }
0xb6: {  	v13, _, _ =	vpop (xrf0)  }
0xb7: {  	(v2sf) =	vpush v13, $0xF;
	v12 =	vsub.s32 v12, v0  }
0xb8: {  	vm13 =	vlt.u32 v12, $0x140  }
0xb9: {  	v57 =	vsel vm13, $0x1, v3  }
0xba: {  	(xrf0) =	vadd.scan.msk.s32 $0xffff, v57;
	_ =	sdelay $0x5  }
0xbb: {  	v13, _, _ =	vpop (xrf0)  }
0xbc: {  	(v2sf) =	vpush v13, $0xF;
	_ =	sdelay $0x3  }
0xbd: {  	s21 =	sadd.s32 s0, s29;
	v12 =	vshll.u32 v12, $0x13  }
0xbe: {  	v12 =	vor.u32 s21, v12;
	s21 =	spop (v2sf)  }
0xbf: {  	v12 =	vor.u32 v2, v12;
	s6 =	sadd.s32 s6, s21  }
0xc0: {  	[tilespmem:s6+$0x7200] =	vst.msk vm13, v12  }
0xc1: {  	v12 =	vld [tilespmem:s5+$0x60];
	_ =	sdelay $0x4  }
0xc2: {  	v12 =	vsub.s32 v12, v0  }
0xc3: {  	s21 =	sadd.s32 s0, s30;
	v58 =	vshll.u32 v12, $0x13  }
0xc4: {  	v13 =	vor.u32 s21, v58;
	s21 =	spop (v2sf)  }
0xc5: {  	vm14 =	vlt.u32 v12, $0x140;
	s6 =	sadd.s32 s6, s21;
	v59 =	vor.u32 v2, v13  }
0xc6: {  	[tilespmem:s6+$0x7200] =	vst.msk vm14, v59  }
0xc7: {  	v12 =	vld [tilespmem:s5+$0x70];
	_ =	sdelay $0x4  }
0xc8: {  	v12 =	vsub.s32 v12, v0  }
0xc9: {  	v60 =	vsel vm14, $0x1, v3;
	vm15 =	vlt.u32 v12, $0x140  }
0xca: {  	(xrf0) =	vadd.scan.msk.s32 $0xffff, v60;
	v61 =	vsel vm15, $0x1, v3  }
0xcb: {  	(xrf0) =	vadd.scan.msk.s32 $0xffff, v61;
	_ =	sdelay $0x4  }
0xcc: {  	v62, _, _ =	vpop (xrf0)  }
0xcd: {  	(v2sf) =	vpush v62, $0xF;
	v63, _, _ =	vpop (xrf0)  }
0xce: {  	(v2sf) =	vpush v63, $0xF;
	_ =	sdelay $0xd  }
0xcf: {  	s7 =	spop (v2sf)  }
0xd0: {  	s5 =	sadd.s32 s6, s7;
	s21 =	spop (v2sf)  }
0xd1: {  	s21 =	sadd.s32 s5, s21  }
0xd2: {  	p0 =	slt.s32 s21, $0x80  }
.Ltmp6:
0xd3: {  	_ = 	snop;
	(pc) =	sbr.rel @p0 .LBB2_11-.Ltmp6, $4  }
0xd4: {  	s0 =	sadd.s32 s0, s31;
	v12 =	vshll.u32 v12, $0x13  }
0xd5: {  	v12 =	vor.u32 s0, v12  }
0xd6: {  	v12 =	vor.u32 v2, v12  }
0xd7: {  	[tilespmem:s5+$0x7200] =	vst.msk vm15, v12  }
0xd8: {  	v12 =	vld [tilespmem:$0x7200]  }
0xd9: {  	v13 =	vld [tilespmem:$0x7210]  }
0xda: {  	v14 =	vld [tilespmem:$0x7220]  }
0xdb: {  	v15 =	vld [tilespmem:$0x7230]  }
0xdc: {  	v16 =	vld [tilespmem:$0x7240]  }
0xdd: {  	v17 =	vld [tilespmem:$0x7250];
	v12 =	vand.u32 $0x7FFFF, v12  }
0xde: {  	[tilespmem:$0x7300] =	vst v12;
	v12 =	vand.u32 $0x7FFFF, v13;
	v13 =	vld [tilespmem:$0x7260]  }
0xdf: {  	[tilespmem:$0x7310] =	vst v12;
	v12 =	vand.u32 $0x7FFFF, v14;
	v14 =	vld [tilespmem:$0x7270]  }
0xe0: {  	[tilespmem:$0x7320] =	vst v12;
	v12 =	vand.u32 $0x7FFFF, v15  }
0xe1: {  	[tilespmem:$0x7330] =	vst v12;
	v12 =	vand.u32 $0x7FFFF, v16  }
0xe2: {  	[tilespmem:$0x7340] =	vst v12;
	v12 =	vand.u32 $0x7FFFF, v17  }
0xe3: {  	[tilespmem:$0x7350] =	vst v12;
	v12 =	vand.u32 $0x7FFFF, v13  }
0xe4: {  	s0 =	simm.s32 $0x0;
	[tilespmem:$0x7360] =	vst v12;
	v12 =	vand.u32 $0x7FFFF, v14  }
0xe5: {  	[tilespmem:$0x7370] =	vst v12;
	v12 =	vmov s0  }
0xe6: {  	[tilespmem:s13], [sflag:$0x1] =	stream.indirect.gather [hbm4b:s4+s11], $0x80, s12, s11, $0xb8;
	[tilespmem:$0x12780] =	vst v63  }
0xe7: {  	_ =	swait.ge [sflag:s14], $0x4000  }
0xe8: {  	[sflag:s14] =	ssyncset.done $0x0  }
0xe9: {  	[sflag:s14] =	ssyncadd.s32 $0xFFFFC000  }
0xea: {  	v12 =	vld.idx.msk [tilespmem:v12+s15+$0x0], $0xffff;
	_ =	sdelay $0x4  }
0xeb: {  	v12 =	vshra.s32 v12, $0x13  }
0xec: {  	s0 =	simm.s32 $0x3240;
	v13 =	vshll.u32 v12, $0x7  }
0xed: {  	v14 =	vld [tilespmem:s0+$0xFFFFFFC0];
	v15 =	vor.u32 v2, v13;
	_ =	sdelay $0x4  }
0xee: {  	[tilespmem:v15+s16+$0x0] =	vst.idx.add.f32.msk $0xffff, v14  }
0xef: {  	v15 =	vor.u32 v4, v13;
	v14 =	vld [tilespmem:s0+$0xFFFFFFD0];
	_ =	sdelay $0x4  }
0xf0: {  	[tilespmem:v15+s16+$0x0] =	vst.idx.add.f32.msk $0xffff, v14  }
0xf1: {  	v15 =	vor.u32 v5, v13;
	v14 =	vld [tilespmem:s0+$0xFFFFFFE0];
	_ =	sdelay $0x4  }
0xf2: {  	[tilespmem:v15+s16+$0x0] =	vst.idx.add.f32.msk $0xffff, v14  }
0xf3: {  	v15 =	vor.u32 v6, v13;
	v14 =	vld [tilespmem:s0+$0xFFFFFFF0];
	_ =	sdelay $0x4  }
0xf4: {  	[tilespmem:v15+s16+$0x0] =	vst.idx.add.f32.msk $0xffff, v14  }
0xf5: {  	v15 =	vor.u32 v7, v13;
	v14 =	vld [tilespmem:s0+$0x0];
	_ =	sdelay $0x4  }
0xf6: {  	[tilespmem:v15+s16+$0x0] =	vst.idx.add.f32.msk $0xffff, v14  }
0xf7: {  	v15 =	vor.u32 v8, v13;
	v14 =	vld [tilespmem:s0+$0x10];
	_ =	sdelay $0x4  }
0xf8: {  	[tilespmem:v15+s16+$0x0] =	vst.idx.add.f32.msk $0xffff, v14  }
0xf9: {  	v15 =	vor.u32 v9, v13;
	v14 =	vld [tilespmem:s0+$0x20];
	_ =	sdelay $0x4  }
0xfa: {  	[tilespmem:v15+s16+$0x0] =	vst.idx.add.f32.msk $0xffff, v14  }
0xfb: {  	v15 =	vor.u32 v10, v13;
	v14 =	vld [tilespmem:s0+$0x30]  }
0xfc: {  	v12 =	vshll.u32 v12, $0x4  }
0xfd: {  	s6 =	simm.s32 $0x1;
	v13 =	vor.u32 v2, v12  }
0xfe: {  	v12 =	vmov s6;
	_ =	sdelay $0x1  }
0xff: {  	s5 =	simm.s32 $0x2;
	[tilespmem:v15+s16+$0x0] =	vst.idx.add.f32.msk $0xffff, v14  }
.LBB2_9:
0x100: {  	p0 =	sne.s32 s5, $0x7F  }
0x101: {  	[tilespmem:v13+s17+$0x0] =	vst.idx.add.f32.msk $0x1, v11;
	s0 =	sadd.s32 $0x80, s0;
	s6 =	smov.u32 s5;
	s5 =	sadd.s32 $0x1, s5  }
0x102: {  	v12 =	vld.idx.msk [tilespmem:v12+s15+$0x0], $0xffff;
	_ =	sdelay $0x5  }
0x103: {  	v12 =	vshra.s32 v12, $0x13  }
0x104: {  	v13 =	vshll.u32 v12, $0x7;
	v12 =	vshll.u32 v12, $0x4  }
0x105: {  	v15 =	vor.u32 v2, v13;
	v14 =	vld [tilespmem:s0+$0xFFFFFFC0];
	_ =	sdelay $0x4  }
0x106: {  	[tilespmem:v15+s16+$0x0] =	vst.idx.add.f32.msk $0xffff, v14  }
0x107: {  	v15 =	vor.u32 v4, v13;
	v14 =	vld [tilespmem:s0+$0xFFFFFFD0];
	_ =	sdelay $0x4  }
0x108: {  	[tilespmem:v15+s16+$0x0] =	vst.idx.add.f32.msk $0xffff, v14  }
0x109: {  	v15 =	vor.u32 v5, v13;
	v14 =	vld [tilespmem:s0+$0xFFFFFFE0];
	_ =	sdelay $0x4  }
0x10a: {  	[tilespmem:v15+s16+$0x0] =	vst.idx.add.f32.msk $0xffff, v14  }
0x10b: {  	v15 =	vor.u32 v6, v13;
	v14 =	vld [tilespmem:s0+$0xFFFFFFF0];
	_ =	sdelay $0x4  }
0x10c: {  	[tilespmem:v15+s16+$0x0] =	vst.idx.add.f32.msk $0xffff, v14  }
0x10d: {  	v15 =	vor.u32 v7, v13;
	v14 =	vld [tilespmem:s0+$0x0];
	_ =	sdelay $0x4  }
0x10e: {  	[tilespmem:v15+s16+$0x0] =	vst.idx.add.f32.msk $0xffff, v14  }
0x10f: {  	v15 =	vor.u32 v8, v13;
	v14 =	vld [tilespmem:s0+$0x10];
	_ =	sdelay $0x4  }
0x110: {  	[tilespmem:v15+s16+$0x0] =	vst.idx.add.f32.msk $0xffff, v14  }
0x111: {  	v15 =	vor.u32 v9, v13;
	v14 =	vld [tilespmem:s0+$0x20];
	_ =	sdelay $0x4  }
0x112: {  	[tilespmem:v15+s16+$0x0] =	vst.idx.add.f32.msk $0xffff, v14  }
0x113: {  	v15 =	vor.u32 v10, v13;
	v14 =	vld [tilespmem:s0+$0x30]  }
.Ltmp7:
0x114: {  	v13 =	vor.u32 v2, v12;
	(pc) =	sbr.rel @p0 .LBB2_9-.Ltmp7, $2  }
0x115: {  	v12 =	vmov s6;
	_ =	sdelay $0x2  }
0x116: {  	[tilespmem:v15+s16+$0x0] =	vst.idx.add.f32.msk $0xffff, v14  }
.Ltmp8:
0x117: {  	_ = 	snop;
	(pc) =	sbr.rel .LBB2_10-.Ltmp8, $1  }
0x118: {  	_ =	sdelay $0x3  }
.LBB2_12:
0x119: {  	p0 =	seq.s32 s22, $0x18  }
0x11a: {  	s24 =	sadd.s32 $0x1900, s23;
	s0 =	sshrl.u32 @!p0 s23, $0x3  }
0x11b: {  	s25 =	sadd.s32 $0x1910, s23;
	s26 =	sadd.s32 $0x1920, s23;
	s0 =	sadd.s32 @!p0 s2, s0  }
.Ltmp9:
0x11c: {  	s1 =	simm.s32 @!p0 $0x0;
	s0 =	sadd.s32 @!p0 $0x640, s0;
	(pc) =	sbr.rel .LBB2_13-.Ltmp9, $4  }
0x11d: {  	[tilespmem:s1], [sflag:$0x2] =	stream.linear.gather @!p0 [hbm4b:s0+s1], $0x1900, $0x38;
	[tilespmem:$0x12780] =	vst v63  }
0x11e: {  	s28 =	sadd.s32 $0x1930, s23;
	s29 =	sadd.s32 $0x1940, s23;
	_ =	swait.ge [sflag:s18], $0x1900  }
0x11f: {  	s30 =	sadd.s32 $0x1950, s23;
	s31 =	sadd.s32 $0x1960, s23;
	[sflag:s18] =	ssyncset.done $0x0  }
0x120: {  	s1 =	sadd.s32 $0x1970, s23;
	s0 =	simm.s32 $0x0;
	[sflag:s18] =	ssyncadd.s32 $0xFFFFE700  }
.LBB2_16:
0x121: {  	_ =	sdelay $0x3  }
0x122: {  	[tilespmem:v13+s17+$0x0] =	vst.idx.add.f32.msk $0x1, v11  }
0x123: {  	v12 =	vld.idx.msk [tilespmem:v12+s15+$0x0], $0xffff;
	_ =	sdelay $0x4  }
0x124: {  	v12 =	vshra.s32 v12, $0x13  }
0x125: {  	s5 =	sadd.s32 $0x80, s5;
	v54 =	vshll.u32 v12, $0x7  }
0x126: {  	v14 =	vld [tilespmem:s5+$0xFFFFFFC0];
	v15 =	vor.u32 v2, v54;
	_ =	sdelay $0x4  }
0x127: {  	[tilespmem:v15+s16+$0x0] =	vst.idx.add.f32.msk $0xffff, v14  }
0x128: {  	v55 =	vor.u32 v4, v54;
	v14 =	vld [tilespmem:s5+$0xFFFFFFD0];
	_ =	sdelay $0x4  }
0x129: {  	[tilespmem:v55+s16+$0x0] =	vst.idx.add.f32.msk $0xffff, v14  }
0x12a: {  	v56 =	vor.u32 v5, v54;
	v14 =	vld [tilespmem:s5+$0xFFFFFFE0];
	_ =	sdelay $0x4  }
0x12b: {  	[tilespmem:v56+s16+$0x0] =	vst.idx.add.f32.msk $0xffff, v14  }
0x12c: {  	v57 =	vor.u32 v6, v54;
	v14 =	vld [tilespmem:s5+$0xFFFFFFF0];
	_ =	sdelay $0x4  }
0x12d: {  	[tilespmem:v57+s16+$0x0] =	vst.idx.add.f32.msk $0xffff, v14  }
0x12e: {  	v58 =	vor.u32 v7, v54;
	v14 =	vld [tilespmem:s5+$0x0];
	_ =	sdelay $0x4  }
0x12f: {  	[tilespmem:v58+s16+$0x0] =	vst.idx.add.f32.msk $0xffff, v14  }
0x130: {  	v59 =	vor.u32 v8, v54;
	v14 =	vld [tilespmem:s5+$0x10];
	_ =	sdelay $0x4  }
0x131: {  	[tilespmem:v59+s16+$0x0] =	vst.idx.add.f32.msk $0xffff, v14  }
0x132: {  	v60 =	vor.u32 v9, v54;
	v14 =	vld [tilespmem:s5+$0x20];
	_ =	sdelay $0x4  }
0x133: {  	[tilespmem:v60+s16+$0x0] =	vst.idx.add.f32.msk $0xffff, v14  }
0x134: {  	v12 =	vshll.u32 v12, $0x4;
	v13 =	vor.u32 v10, v54;
	v14 =	vld [tilespmem:s5+$0x30]  }
0x135: {  	v12 =	vor.u32 v2, v12;
	_ =	sdelay $0x3  }
0x136: {  	[tilespmem:v13+s16+$0x0] =	vst.idx.add.f32.msk $0xffff, v14  }
0x137: {  	[tilespmem:v12+s17+$0x0] =	vst.idx.add.f32.msk $0x1, v11  }
0x138: {  	v12 =	vld [tilespmem:$0x7280]  }
0x139: {  	v13 =	vld [tilespmem:$0x7290]  }
0x13a: {  	v14 =	vld [tilespmem:$0x72A0]  }
0x13b: {  	v15 =	vld [tilespmem:$0x72B0]  }
0x13c: {  	v16 =	vld [tilespmem:$0x72C0]  }
0x13d: {  	v61 =	vld [tilespmem:$0x72D0];
	[tilespmem:$0x7200] =	vst v12  }
0x13e: {  	v62 =	vld [tilespmem:$0x72E0];
	[tilespmem:$0x7210] =	vst v13  }
0x13f: {  	v63 =	vld [tilespmem:$0x72F0];
	[tilespmem:$0x7220] =	vst v14  }
0x140: {  	[tilespmem:$0x7230] =	vst v15  }
0x141: {  	[tilespmem:$0x7240] =	vst v16  }
0x142: {  	[tilespmem:$0x7250] =	vst v61  }
0x143: {  	[tilespmem:$0x7260] =	vst v62  }
0x144: {  	s21 =	sadd.s32 $0xFFFFFF80, s21;
	[tilespmem:$0x7270] =	vst v63  }
.LBB2_17:
0x145: {  	s0 =	sadd.s32 $0x1, s0  }
0x146: {  	p1 =	sne.s32 s0, $0x32  }
.Ltmp10:
0x147: {  	_ = 	snop;
	(pc) =	sbr.rel @!p1 .LBB2_18-.Ltmp10, $1  }
0x148: {  	_ =	sdelay $0x3  }
.LBB2_13:
0x149: {  	s5 =	sshll.u32 s0, $0x7  }
0x14a: {  	s6 =	sand.u32 $0x3FFFFF80, s5  }
0x14b: {  	v12 =	vld [tilespmem:s6+$0x1900];
	_ =	sdelay $0x4  }
0x14c: {  	v12 =	vsub.s32 v12, v0  }
0x14d: {  	s7 =	sadd.s32 s24, s5;
	vm0 =	vlt.u32 v12, $0x140;
	v12 =	vshll.u32 v12, $0x13  }
0x14e: {  	v12 =	vor.u32 s7, v12;
	v13 =	vsel vm0, $0x1, v3  }
0x14f: {  	v12 =	vor.u32 v2, v12;
	(xrf0) =	vadd.scan.msk.s32 $0xffff, v13  }
0x150: {  	[tilespmem:s21+$0x7200] =	vst.msk vm0, v12  }
0x151: {  	v12 =	vld [tilespmem:s6+$0x1910];
	_ =	sdelay $0x3  }
0x152: {  	v13, _, _ =	vpop (xrf0)  }
0x153: {  	(v2sf) =	vpush v13, $0xF;
	v12 =	vsub.s32 v12, v0  }
0x154: {  	vm9 =	vlt.u32 v12, $0x140  }
0x155: {  	v53 =	vsel vm9, $0x1, v3  }
0x156: {  	(xrf0) =	vadd.scan.msk.s32 $0xffff, v53;
	_ =	sdelay $0x5  }
0x157: {  	v13, _, _ =	vpop (xrf0)  }
0x158: {  	(v2sf) =	vpush v13, $0xF;
	_ =	sdelay $0x3  }
0x159: {  	s7 =	sadd.s32 s5, s25;
	v12 =	vshll.u32 v12, $0x13  }
0x15a: {  	v12 =	vor.u32 s7, v12;
	s7 =	spop (v2sf)  }
0x15b: {  	v12 =	vor.u32 v2, v12;
	s7 =	sadd.s32 s21, s7  }
0x15c: {  	[tilespmem:s7+$0x7200] =	vst.msk vm9, v12  }
0x15d: {  	v12 =	vld [tilespmem:s6+$0x1920];
	_ =	sdelay $0x4  }
0x15e: {  	v12 =	vsub.s32 v12, v0  }
0x15f: {  	s21 =	sadd.s32 s5, s26;
	vm10 =	vlt.u32 v12, $0x140;
	v12 =	vshll.u32 v12, $0x13  }
0x160: {  	v12 =	vor.u32 s21, v12;
	s21 =	spop (v2sf);
	v54 =	vsel vm10, $0x1, v3  }
0x161: {  	s7 =	sadd.s32 s7, s21;
	v12 =	vor.u32 v2, v12;
	(xrf0) =	vadd.scan.msk.s32 $0xffff, v54  }
0x162: {  	[tilespmem:s7+$0x7200] =	vst.msk vm10, v12  }
0x163: {  	v12 =	vld [tilespmem:s6+$0x1930];
	_ =	sdelay $0x3  }
0x164: {  	v13, _, _ =	vpop (xrf0)  }
0x165: {  	(v2sf) =	vpush v13, $0xF;
	v12 =	vsub.s32 v12, v0  }
0x166: {  	vm11 =	vlt.u32 v12, $0x140  }
0x167: {  	v55 =	vsel vm11, $0x1, v3  }
0x168: {  	(xrf0) =	vadd.scan.msk.s32 $0xffff, v55;
	_ =	sdelay $0x5  }
0x169: {  	v13, _, _ =	vpop (xrf0)  }
0x16a: {  	(v2sf) =	vpush v13, $0xF;
	_ =	sdelay $0x3  }
0x16b: {  	s21 =	sadd.s32 s5, s28;
	v12 =	vshll.u32 v12, $0x13  }
0x16c: {  	v12 =	vor.u32 s21, v12;
	s21 =	spop (v2sf)  }
0x16d: {  	v12 =	vor.u32 v2, v12;
	s7 =	sadd.s32 s7, s21  }
0x16e: {  	[tilespmem:s7+$0x7200] =	vst.msk vm11, v12  }
0x16f: {  	v12 =	vld [tilespmem:s6+$0x1940];
	_ =	sdelay $0x4  }
0x170: {  	v12 =	vsub.s32 v12, v0  }
0x171: {  	s21 =	sadd.s32 s5, s29;
	vm12 =	vlt.u32 v12, $0x140;
	v12 =	vshll.u32 v12, $0x13  }
0x172: {  	v12 =	vor.u32 s21, v12;
	s21 =	spop (v2sf);
	v56 =	vsel vm12, $0x1, v3  }
0x173: {  	s7 =	sadd.s32 s7, s21;
	v12 =	vor.u32 v2, v12;
	(xrf0) =	vadd.scan.msk.s32 $0xffff, v56  }
0x174: {  	[tilespmem:s7+$0x7200] =	vst.msk vm12, v12  }
0x175: {  	v12 =	vld [tilespmem:s6+$0x1950];
	_ =	sdelay $0x3  }
0x176: {  	v13, _, _ =	vpop (xrf0)  }
0x177: {  	(v2sf) =	vpush v13, $0xF;
	v12 =	vsub.s32 v12, v0  }
0x178: {  	vm13 =	vlt.u32 v12, $0x140  }
0x179: {  	v57 =	vsel vm13, $0x1, v3  }
0x17a: {  	(xrf0) =	vadd.scan.msk.s32 $0xffff, v57;
	_ =	sdelay $0x5  }
0x17b: {  	v13, _, _ =	vpop (xrf0)  }
0x17c: {  	(v2sf) =	vpush v13, $0xF;
	_ =	sdelay $0x3  }
0x17d: {  	s21 =	sadd.s32 s5, s30;
	v12 =	vshll.u32 v12, $0x13  }
0x17e: {  	v12 =	vor.u32 s21, v12;
	s21 =	spop (v2sf)  }
0x17f: {  	v12 =	vor.u32 v2, v12;
	s7 =	sadd.s32 s7, s21  }
0x180: {  	[tilespmem:s7+$0x7200] =	vst.msk vm13, v12  }
0x181: {  	v12 =	vld [tilespmem:s6+$0x1960];
	_ =	sdelay $0x4  }
0x182: {  	v12 =	vsub.s32 v12, v0  }
0x183: {  	s21 =	sadd.s32 s5, s31;
	v58 =	vshll.u32 v12, $0x13  }
0x184: {  	v13 =	vor.u32 s21, v58;
	s21 =	spop (v2sf)  }
0x185: {  	vm14 =	vlt.u32 v12, $0x140;
	s7 =	sadd.s32 s7, s21;
	v59 =	vor.u32 v2, v13  }
0x186: {  	[tilespmem:s7+$0x7200] =	vst.msk vm14, v59  }
0x187: {  	v12 =	vld [tilespmem:s6+$0x1970];
	_ =	sdelay $0x4  }
0x188: {  	v12 =	vsub.s32 v12, v0  }
0x189: {  	v60 =	vsel vm14, $0x1, v3;
	vm15 =	vlt.u32 v12, $0x140  }
0x18a: {  	(xrf0) =	vadd.scan.msk.s32 $0xffff, v60;
	v61 =	vsel vm15, $0x1, v3  }
0x18b: {  	(xrf0) =	vadd.scan.msk.s32 $0xffff, v61;
	_ =	sdelay $0x4  }
0x18c: {  	v62, _, _ =	vpop (xrf0)  }
0x18d: {  	(v2sf) =	vpush v62, $0xF;
	v63, _, _ =	vpop (xrf0)  }
0x18e: {  	(v2sf) =	vpush v63, $0xF;
	_ =	sdelay $0xd  }
0x18f: {  	s21 =	spop (v2sf)  }
0x190: {  	s6 =	sadd.s32 s7, s21;
	s21 =	spop (v2sf)  }
0x191: {  	s21 =	sadd.s32 s6, s21  }
0x192: {  	p1 =	slt.s32 s21, $0x80  }
.Ltmp11:
0x193: {  	_ = 	snop;
	(pc) =	sbr.rel @p1 .LBB2_17-.Ltmp11, $4  }
0x194: {  	s5 =	sadd.s32 s5, s1;
	v12 =	vshll.u32 v12, $0x13  }
0x195: {  	v12 =	vor.u32 s5, v12  }
0x196: {  	v12 =	vor.u32 v2, v12  }
0x197: {  	[tilespmem:s6+$0x7200] =	vst.msk vm15, v12  }
0x198: {  	v12 =	vld [tilespmem:$0x7200]  }
0x199: {  	v13 =	vld [tilespmem:$0x7210]  }
0x19a: {  	v14 =	vld [tilespmem:$0x7220]  }
0x19b: {  	v15 =	vld [tilespmem:$0x7230]  }
0x19c: {  	v16 =	vld [tilespmem:$0x7240]  }
0x19d: {  	v17 =	vld [tilespmem:$0x7250];
	v12 =	vand.u32 $0x7FFFF, v12  }
0x19e: {  	[tilespmem:$0x7300] =	vst v12;
	v12 =	vand.u32 $0x7FFFF, v13;
	v13 =	vld [tilespmem:$0x7260]  }
0x19f: {  	[tilespmem:$0x7310] =	vst v12;
	v12 =	vand.u32 $0x7FFFF, v14;
	v14 =	vld [tilespmem:$0x7270]  }
0x1a0: {  	[tilespmem:$0x7320] =	vst v12;
	v12 =	vand.u32 $0x7FFFF, v15  }
0x1a1: {  	[tilespmem:$0x7330] =	vst v12;
	v12 =	vand.u32 $0x7FFFF, v16  }
0x1a2: {  	[tilespmem:$0x7340] =	vst v12;
	v12 =	vand.u32 $0x7FFFF, v17  }
0x1a3: {  	[tilespmem:$0x7350] =	vst v12;
	v12 =	vand.u32 $0x7FFFF, v13  }
0x1a4: {  	s5 =	simm.s32 $0x0;
	[tilespmem:$0x7360] =	vst v12;
	v12 =	vand.u32 $0x7FFFF, v14  }
0x1a5: {  	[tilespmem:$0x7370] =	vst v12;
	v12 =	vmov s5  }
0x1a6: {  	[tilespmem:s13], [sflag:$0x1] =	stream.indirect.gather [hbm4b:s4+s11], $0x80, s12, s11, $0xb8;
	[tilespmem:$0x12780] =	vst v63  }
0x1a7: {  	_ =	swait.ge [sflag:s14], $0x4000  }
0x1a8: {  	[sflag:s14] =	ssyncset.done $0x0  }
0x1a9: {  	[sflag:s14] =	ssyncadd.s32 $0xFFFFC000  }
0x1aa: {  	v12 =	vld.idx.msk [tilespmem:v12+s15+$0x0], $0xffff;
	_ =	sdelay $0x4  }
0x1ab: {  	v12 =	vshra.s32 v12, $0x13  }
0x1ac: {  	s5 =	simm.s32 $0x3240;
	v13 =	vshll.u32 v12, $0x7  }
0x1ad: {  	v14 =	vld [tilespmem:s5+$0xFFFFFFC0];
	v15 =	vor.u32 v2, v13;
	_ =	sdelay $0x4  }
0x1ae: {  	[tilespmem:v15+s16+$0x0] =	vst.idx.add.f32.msk $0xffff, v14  }
0x1af: {  	v15 =	vor.u32 v4, v13;
	v14 =	vld [tilespmem:s5+$0xFFFFFFD0];
	_ =	sdelay $0x4  }
0x1b0: {  	[tilespmem:v15+s16+$0x0] =	vst.idx.add.f32.msk $0xffff, v14  }
0x1b1: {  	v15 =	vor.u32 v5, v13;
	v14 =	vld [tilespmem:s5+$0xFFFFFFE0];
	_ =	sdelay $0x4  }
0x1b2: {  	[tilespmem:v15+s16+$0x0] =	vst.idx.add.f32.msk $0xffff, v14  }
0x1b3: {  	v15 =	vor.u32 v6, v13;
	v14 =	vld [tilespmem:s5+$0xFFFFFFF0];
	_ =	sdelay $0x4  }
0x1b4: {  	[tilespmem:v15+s16+$0x0] =	vst.idx.add.f32.msk $0xffff, v14  }
0x1b5: {  	v15 =	vor.u32 v7, v13;
	v14 =	vld [tilespmem:s5+$0x0];
	_ =	sdelay $0x4  }
0x1b6: {  	[tilespmem:v15+s16+$0x0] =	vst.idx.add.f32.msk $0xffff, v14  }
0x1b7: {  	v15 =	vor.u32 v8, v13;
	v14 =	vld [tilespmem:s5+$0x10];
	_ =	sdelay $0x4  }
0x1b8: {  	[tilespmem:v15+s16+$0x0] =	vst.idx.add.f32.msk $0xffff, v14  }
0x1b9: {  	v15 =	vor.u32 v9, v13;
	v14 =	vld [tilespmem:s5+$0x20];
	_ =	sdelay $0x4  }
0x1ba: {  	[tilespmem:v15+s16+$0x0] =	vst.idx.add.f32.msk $0xffff, v14  }
0x1bb: {  	v15 =	vor.u32 v10, v13;
	v14 =	vld [tilespmem:s5+$0x30]  }
0x1bc: {  	v12 =	vshll.u32 v12, $0x4  }
0x1bd: {  	s7 =	simm.s32 $0x1;
	v13 =	vor.u32 v2, v12  }
0x1be: {  	v12 =	vmov s7;
	_ =	sdelay $0x1  }
0x1bf: {  	s6 =	simm.s32 $0x2;
	[tilespmem:v15+s16+$0x0] =	vst.idx.add.f32.msk $0xffff, v14  }
.LBB2_15:
0x1c0: {  	p1 =	sne.s32 s6, $0x7F  }
0x1c1: {  	[tilespmem:v13+s17+$0x0] =	vst.idx.add.f32.msk $0x1, v11;
	s5 =	sadd.s32 $0x80, s5;
	s7 =	smov.u32 s6;
	s6 =	sadd.s32 $0x1, s6  }
0x1c2: {  	v12 =	vld.idx.msk [tilespmem:v12+s15+$0x0], $0xffff;
	_ =	sdelay $0x5  }
0x1c3: {  	v12 =	vshra.s32 v12, $0x13  }
0x1c4: {  	v13 =	vshll.u32 v12, $0x7;
	v12 =	vshll.u32 v12, $0x4  }
0x1c5: {  	v15 =	vor.u32 v2, v13;
	v14 =	vld [tilespmem:s5+$0xFFFFFFC0];
	_ =	sdelay $0x4  }
0x1c6: {  	[tilespmem:v15+s16+$0x0] =	vst.idx.add.f32.msk $0xffff, v14  }
0x1c7: {  	v15 =	vor.u32 v4, v13;
	v14 =	vld [tilespmem:s5+$0xFFFFFFD0];
	_ =	sdelay $0x4  }
0x1c8: {  	[tilespmem:v15+s16+$0x0] =	vst.idx.add.f32.msk $0xffff, v14  }
0x1c9: {  	v15 =	vor.u32 v5, v13;
	v14 =	vld [tilespmem:s5+$0xFFFFFFE0];
	_ =	sdelay $0x4  }
0x1ca: {  	[tilespmem:v15+s16+$0x0] =	vst.idx.add.f32.msk $0xffff, v14  }
0x1cb: {  	v15 =	vor.u32 v6, v13;
	v14 =	vld [tilespmem:s5+$0xFFFFFFF0];
	_ =	sdelay $0x4  }
0x1cc: {  	[tilespmem:v15+s16+$0x0] =	vst.idx.add.f32.msk $0xffff, v14  }
0x1cd: {  	v15 =	vor.u32 v7, v13;
	v14 =	vld [tilespmem:s5+$0x0];
	_ =	sdelay $0x4  }
0x1ce: {  	[tilespmem:v15+s16+$0x0] =	vst.idx.add.f32.msk $0xffff, v14  }
0x1cf: {  	v15 =	vor.u32 v8, v13;
	v14 =	vld [tilespmem:s5+$0x10];
	_ =	sdelay $0x4  }
0x1d0: {  	[tilespmem:v15+s16+$0x0] =	vst.idx.add.f32.msk $0xffff, v14  }
0x1d1: {  	v15 =	vor.u32 v9, v13;
	v14 =	vld [tilespmem:s5+$0x20];
	_ =	sdelay $0x4  }
0x1d2: {  	[tilespmem:v15+s16+$0x0] =	vst.idx.add.f32.msk $0xffff, v14  }
0x1d3: {  	v15 =	vor.u32 v10, v13;
	v14 =	vld [tilespmem:s5+$0x30]  }
.Ltmp12:
0x1d4: {  	v13 =	vor.u32 v2, v12;
	(pc) =	sbr.rel @p1 .LBB2_15-.Ltmp12, $2  }
0x1d5: {  	v12 =	vmov s7;
	_ =	sdelay $0x2  }
0x1d6: {  	[tilespmem:v15+s16+$0x0] =	vst.idx.add.f32.msk $0xffff, v14  }
.Ltmp13:
0x1d7: {  	_ = 	snop;
	(pc) =	sbr.rel .LBB2_16-.Ltmp13, $1  }
0x1d8: {  	_ =	sdelay $0x3  }
.LBB2_18:
.Ltmp14:
0x1d9: {  	(pc) =	sbr.rel @p0 .LBB2_20-.Ltmp14, $1  }
0x1da: {  	_ =	sdelay $0x3  }
.Ltmp15:
0x1db: {  	(pc) =	sbr.rel .LBB2_6-.Ltmp15, $4  }
0x1dc: {  	s0 =	sshrl.u32 s23, $0x3  }
0x1dd: {  	s0 =	sadd.s32 s2, s0  }
0x1de: {  	s22 =	sadd.s32 $0x1, s22;
	s0 =	sadd.s32 $0x960, s0  }
0x1df: {  	[tilespmem:s9], [sflag:$0x3] =	stream.linear.gather [hbm4b:s0+s3], $0x1900, $0x38;
	[tilespmem:$0x12780] =	vst v63  }
.LBB2_20:
0x1e0: {  	v12 =	vld [tilespmem:$0x7200]  }
0x1e1: {  	v13 =	vld [tilespmem:$0x7210]  }
0x1e2: {  	v14 =	vld [tilespmem:$0x7220]  }
0x1e3: {  	v15 =	vld [tilespmem:$0x7230]  }
0x1e4: {  	v16 =	vld [tilespmem:$0x7240]  }
0x1e5: {  	v17 =	vld [tilespmem:$0x7250];
	v12 =	vand.u32 $0x7FFFF, v12  }
0x1e6: {  	v56 =	vld [tilespmem:$0x7260];
	v55 =	vand.u32 $0x7FFFF, v13;
	[tilespmem:$0x7300] =	vst v12  }
0x1e7: {  	v58 =	vld [tilespmem:$0x7270];
	v57 =	vand.u32 $0x7FFFF, v14;
	[tilespmem:$0x7310] =	vst v55  }
0x1e8: {  	v59 =	vand.u32 $0x7FFFF, v15;
	[tilespmem:$0x7320] =	vst v57  }
0x1e9: {  	v60 =	vand.u32 $0x7FFFF, v16;
	[tilespmem:$0x7330] =	vst v59  }
0x1ea: {  	v61 =	vand.u32 $0x7FFFF, v17;
	[tilespmem:$0x7340] =	vst v60  }
0x1eb: {  	v62 =	vand.u32 $0x7FFFF, v56;
	[tilespmem:$0x7350] =	vst v61  }
0x1ec: {  	p0 =	slt.s32 s21, $0x1;
	v63 =	vand.u32 $0x7FFFF, v58;
	[tilespmem:$0x7360] =	vst v62  }
.Ltmp16:
0x1ed: {  	[tilespmem:$0x7370] =	vst v63;
	(pc) =	sbr.rel @p0 .LBB2_27-.Ltmp16, $4  }
0x1ee: {  	[tilespmem:s13], [sflag:$0x1] =	stream.indirect.gather [hbm4b:s4+s11], $0x80, s12, s11, $0xb8;
	[tilespmem:$0x12780] =	vst v63  }
0x1ef: {  	_ =	swait.ge [sflag:s14], $0x4000  }
0x1f0: {  	[sflag:s14] =	ssyncset.done $0x0  }
0x1f1: {  	[sflag:s14] =	ssyncadd.s32 $0xFFFFC000  }
0x1f2: {  	p1 =	sne.s32 s21, $0x1  }
.Ltmp17:
0x1f3: {  	_ = 	snop;
	(pc) =	sbr.rel @!p1 .LBB2_22-.Ltmp17, $3  }
0x1f4: {  	_ =	sdelay $0x1  }
0x1f5: {  	s5 =	simm.s32 $0x0  }
0x1f6: {  	s0 =	simm.s32 $0x3240;
	s1 =	simm.s32 $0x1;
	p0 =	por $0x0, $0x0;
	v12 =	vmov s5  }
0x1f7: {  	_ =	sdelay $0x3  }
0x1f8: {  	v12 =	vld.idx.msk [tilespmem:v12+s15+$0x0], $0xffff;
	_ =	sdelay $0x4  }
0x1f9: {  	v12 =	vshra.s32 v12, $0x13  }
0x1fa: {  	v13 =	vshll.u32 v12, $0x7  }
0x1fb: {  	v14 =	vld [tilespmem:s0+$0xFFFFFFC0];
	v15 =	vor.u32 v2, v13;
	_ =	sdelay $0x4  }
0x1fc: {  	[tilespmem:v15+s16+$0x0] =	vst.idx.add.f32.msk $0xffff, v14  }
0x1fd: {  	v15 =	vor.u32 v4, v13;
	v14 =	vld [tilespmem:s0+$0xFFFFFFD0];
	_ =	sdelay $0x4  }
0x1fe: {  	[tilespmem:v15+s16+$0x0] =	vst.idx.add.f32.msk $0xffff, v14  }
0x1ff: {  	v15 =	vor.u32 v5, v13;
	v14 =	vld [tilespmem:s0+$0xFFFFFFE0];
	_ =	sdelay $0x4  }
0x200: {  	[tilespmem:v15+s16+$0x0] =	vst.idx.add.f32.msk $0xffff, v14  }
0x201: {  	v15 =	vor.u32 v6, v13;
	v14 =	vld [tilespmem:s0+$0xFFFFFFF0];
	_ =	sdelay $0x4  }
0x202: {  	[tilespmem:v15+s16+$0x0] =	vst.idx.add.f32.msk $0xffff, v14  }
0x203: {  	v15 =	vor.u32 v7, v13;
	v14 =	vld [tilespmem:s0+$0x0];
	_ =	sdelay $0x4  }
0x204: {  	[tilespmem:v15+s16+$0x0] =	vst.idx.add.f32.msk $0xffff, v14  }
0x205: {  	v15 =	vor.u32 v8, v13;
	v14 =	vld [tilespmem:s0+$0x10];
	_ =	sdelay $0x4  }
0x206: {  	[tilespmem:v15+s16+$0x0] =	vst.idx.add.f32.msk $0xffff, v14  }
0x207: {  	v15 =	vor.u32 v9, v13;
	v14 =	vld [tilespmem:s0+$0x20];
	_ =	sdelay $0x4  }
0x208: {  	[tilespmem:v15+s16+$0x0] =	vst.idx.add.f32.msk $0xffff, v14  }
0x209: {  	p1 =	sne.s32 s21, $0x2;
	v12 =	vshll.u32 v12, $0x4;
	v15 =	vor.u32 v10, v13;
	v14 =	vld [tilespmem:s0+$0x30]  }
.Ltmp18:
0x20a: {  	v13 =	vor.u32 v2, v12;
	(pc) =	sbr.rel @!p1 .LBB2_24-.Ltmp18, $2  }
0x20b: {  	v12 =	vmov s1;
	_ =	sdelay $0x2  }
0x20c: {  	s5 =	simm.s32 $0x2;
	p0 =	por $0x1, $0x1;
	s1 =	simm.s32 $0x3240;
	[tilespmem:v15+s16+$0x0] =	vst.idx.add.f32.msk $0xffff, v14  }
.LBB2_25:
0x20d: {  	[tilespmem:v13+s17+$0x0] =	vst.idx.add.f32.msk $0x1, v11;
	s1 =	sadd.s32 $0x80, s1;
	s6 =	smov.u32 s5;
	s5 =	sadd.s32 $0x1, s5  }
0x20e: {  	p1 =	sne.s32 s21, s5;
	v12 =	vld.idx.msk [tilespmem:v12+s15+$0x0], $0xffff;
	_ =	sdelay $0x5  }
0x20f: {  	v12 =	vshra.s32 v12, $0x13  }
0x210: {  	v13 =	vshll.u32 v12, $0x7;
	v12 =	vshll.u32 v12, $0x4  }
0x211: {  	v15 =	vor.u32 v2, v13;
	v14 =	vld [tilespmem:s1+$0xFFFFFFC0];
	_ =	sdelay $0x4  }
0x212: {  	[tilespmem:v15+s16+$0x0] =	vst.idx.add.f32.msk $0xffff, v14  }
0x213: {  	v15 =	vor.u32 v4, v13;
	v14 =	vld [tilespmem:s1+$0xFFFFFFD0];
	_ =	sdelay $0x4  }
0x214: {  	[tilespmem:v15+s16+$0x0] =	vst.idx.add.f32.msk $0xffff, v14  }
0x215: {  	v15 =	vor.u32 v5, v13;
	v14 =	vld [tilespmem:s1+$0xFFFFFFE0];
	_ =	sdelay $0x4  }
0x216: {  	[tilespmem:v15+s16+$0x0] =	vst.idx.add.f32.msk $0xffff, v14  }
0x217: {  	v15 =	vor.u32 v6, v13;
	v14 =	vld [tilespmem:s1+$0xFFFFFFF0];
	_ =	sdelay $0x4  }
0x218: {  	[tilespmem:v15+s16+$0x0] =	vst.idx.add.f32.msk $0xffff, v14  }
0x219: {  	v15 =	vor.u32 v7, v13;
	v14 =	vld [tilespmem:s1+$0x0];
	_ =	sdelay $0x4  }
0x21a: {  	[tilespmem:v15+s16+$0x0] =	vst.idx.add.f32.msk $0xffff, v14  }
0x21b: {  	v15 =	vor.u32 v8, v13;
	v14 =	vld [tilespmem:s1+$0x10];
	_ =	sdelay $0x4  }
0x21c: {  	[tilespmem:v15+s16+$0x0] =	vst.idx.add.f32.msk $0xffff, v14  }
0x21d: {  	v15 =	vor.u32 v9, v13;
	v14 =	vld [tilespmem:s1+$0x20];
	_ =	sdelay $0x4  }
0x21e: {  	[tilespmem:v15+s16+$0x0] =	vst.idx.add.f32.msk $0xffff, v14  }
0x21f: {  	v15 =	vor.u32 v10, v13;
	v14 =	vld [tilespmem:s1+$0x30]  }
.Ltmp19:
0x220: {  	v13 =	vor.u32 v2, v12;
	(pc) =	sbr.rel @p1 .LBB2_25-.Ltmp19, $2  }
0x221: {  	v12 =	vmov s6;
	_ =	sdelay $0x2  }
0x222: {  	[tilespmem:v15+s16+$0x0] =	vst.idx.add.f32.msk $0xffff, v14  }
.Ltmp20:
0x223: {  	_ = 	snop;
	(pc) =	sbr.rel .LBB2_26-.Ltmp20, $1  }
0x224: {  	_ =	sdelay $0x3  }
.LBB2_24:
.Ltmp21:
0x225: {  	(pc) =	sbr.rel .LBB2_26-.Ltmp21, $2  }
0x226: {  	_ =	sdelay $0x2  }
0x227: {  	s1 =	simm.s32 $0x3240  }
.LBB2_28:
0x228: {  	_ =	sfence.sel $0x180000  }
0x229: {  	[bflag:$0x0] =	sbarrier.arrive $0xFFFF  }
0x22a: {  	_ =	strace $0x9000004A  }
0x22b: {  	s0 =	stileid.u32;
	[bflag:$0x2] =	sbarrier.arrive $0xFFFF  }
0x22c: {  	p0 =	sne.s32 s0, $0x0;
	s0 =	rddreg [dreg:$0x2]  }
0x22d: {  	s0 =	sadd.s32 @!p0 $0x100000, s0  }
0x22e: {  	[sflag:s0] =	ssyncadd.tile.s32 @!p0 $0x1;
	_ =	shalt  }
.Lfunc_end2:
_tile_overlayer_lowered:
.L_overlay_start_2:
0x22f: {  	(tag) =	ssettag $0x2  }
0x230: {  	s0 =	rddreg [dreg:$0x0];
	s2 =	stileid.u32  }
0x231: {  	s1 =	rddreg [dreg:$0x1];
	p0 =	sne.s32 s2, $0x0  }
0x232: {  	s3 =	rddreg [dreg:$0x2];
	[bflag:$0x3] =	sbarrier.arrive $0xFFFF;
	s2 =	simm.s32 @!p0 $0x1C04  }
0x233: {  	[timem:s3], [sflag:s2] =	dma.local @!p0 [hbm:s0], s1  }
0x234: {  	s0 =	simm.s32 @!p0 $0x4  }
0x235: {  	_ =	swait.ge @!p0 [sflag:s0], s1  }
0x236: {  	s1 =	ssub.s32 @!p0 $0x0, s1;
	[sflag:s0] =	ssyncset.done @!p0 $0x0  }
0x237: {  	[sflag:s0] =	ssyncadd.s32 @!p0 s1  }
0x238: {  	[bflag:$0x3] =	sbarrier.arrive $0xFFFF  }
0x239: {  	_ =	shalt  }

</sc_bundles>
